<compile_context>
chip_gen: v7x
topology: tpu7x:2x2x1
jax: 0.10.2.dev20260603
libtpu: 0.0.44.dev20260713+nightly
codegen_flags: <defaults>
</compile_context>

<pallas_src>
import jax
import jax.numpy as jnp
from jax import lax
from jax.experimental import pallas as pl
from jax.experimental.pallas import tpu as pltpu
from jax.experimental.pallas import tpu_sc as plsc

B, S, D = 128, 512, 768
L = 16
NC, NS = 2, 16
NW = NC * NS
P = S // NW
CH = D // L
NBUF = 8
K = 6
IH, IW = 16, 128


def _body(ids_hbm, tt_hbm, ww_hbm, wp_hbm, wt_hbm, out_hbm,
          ids_v, tt_v, comb_v, tok_v, bufs_v, *sems):
    gsems = sems[:NBUF]
    osems = sems[NBUF:]
    wid = lax.axis_index("s") * NC + lax.axis_index("c")
    p0 = wid * P

    pltpu.sync_copy(ids_hbm.at[wid], ids_v)
    pltpu.sync_copy(tt_hbm.at[wid], tt_v)
    pltpu.sync_copy(wp_hbm.at[pl.ds(p0, P)], comb_v.at[pl.ds(0, P)])
    pltpu.sync_copy(wp_hbm.at[pl.ds(p0, P)], comb_v.at[pl.ds(P, P)])
    pltpu.sync_copy(wt_hbm, tok_v)

    @pl.loop(0, 2 * P)
    def _build(r):
        t = r // P

        @plsc.parallel_loop(0, CH, unroll=8)
        def _bc(c):
            sl = pl.ds(c * L, L)
            comb_v[r, sl] = comb_v[r, sl] + tok_v[t, sl]

    lane = lax.iota(jnp.int32, L)

    def idx_of(b):
        return ids_v.at[b // 8, pl.ds((b % 8) * P, P)]

    for b in range(K):
        pltpu.async_copy(ww_hbm.at[idx_of(b)], bufs_v.at[b % NBUF],
                         gsems[b % NBUF])

    @pl.loop(0, B, step=NBUF)
    def _blk(b0):
        for i in range(NBUF):
            b = b0 + i
            pltpu.make_async_copy(ww_hbm.at[idx_of(b)], bufs_v.at[i],
                                  gsems[i]).wait()
            tt_row = tt_v[b // 8, pl.ds((b % 8) * P, P)]

            @plsc.parallel_loop(0, P)
            def _row(j):
                sel = jnp.sum(jnp.where(lane == j, tt_row, 0))
                row = sel * P + j

                @plsc.parallel_loop(0, CH, unroll=8)
                def _add(c):
                    sl = pl.ds(c * L, L)
                    bufs_v[i, j, sl] = bufs_v[i, j, sl] + comb_v[row, sl]

            pltpu.async_copy(bufs_v.at[i], out_hbm.at[b, pl.ds(p0, P)],
                             osems[i])

            bf = b + K
            jbuf = (i + K) % NBUF

            @pl.when(bf < B)
            def _refill():
                @pl.when(bf >= NBUF)
                def _reuse():
                    pltpu.make_async_copy(bufs_v.at[jbuf],
                                          out_hbm.at[0, pl.ds(p0, P)],
                                          osems[jbuf]).wait()

                pltpu.async_copy(ww_hbm.at[idx_of(bf)], bufs_v.at[jbuf],
                                 gsems[jbuf])

    for i in range(NBUF):
        pltpu.make_async_copy(bufs_v.at[i], out_hbm.at[0, pl.ds(p0, P)],
                              osems[i]).wait()


@jax.jit
def _embed(input_ids, token_type_ids, W_word, W_pos, W_tok):
    ids_r = input_ids.reshape(B, NW, P).transpose(1, 0, 2).reshape(NW, IH, IW)
    tt_r = token_type_ids.reshape(B, NW, P).transpose(1, 0, 2).reshape(NW, IH, IW)
    mesh = plsc.VectorSubcoreMesh(core_axis_name="c", subcore_axis_name="s")
    return pl.kernel(
        _body,
        out_type=jax.ShapeDtypeStruct((B, S, D), jnp.float32),
        mesh=mesh,
        compiler_params=pltpu.CompilerParams(needs_layout_passes=False),
        scratch_types=[
            pltpu.VMEM((IH, IW), jnp.int32),
            pltpu.VMEM((IH, IW), jnp.int32),
            pltpu.VMEM((2 * P, D), jnp.float32),
            pltpu.VMEM((2, D), jnp.float32),
            pltpu.VMEM((NBUF, P, D), jnp.float32),
        ] + [pltpu.SemaphoreType.DMA] * (2 * NBUF),
    )(ids_r, tt_r, W_word, W_pos, W_tok)


def kernel(input_ids, token_type_ids, W_word, W_pos, W_tok):
    return _embed(input_ids, token_type_ids, W_word, W_pos, W_tok)

# --- scband reference (transcript-rebuilt; emitter-appended) ---
"""Pipeline reference for scband-bert-embeddings-69475390980277 (READ-ONLY COPY).

The authoritative reference and input builder live on the scoring server;
editing this copy changes nothing except your own understanding.
"""

import jax, jax.numpy as jnp
import numpy as np

VOCAB = 100000
EMBED = 768
MAX_POS = 512
NUM_SENT = 2
PAD_IDX = 0
B, S = 128, 512


def setup_inputs(seed: int = 0) -> dict:
    key = jax.random.key(seed)
    k1, k2, k3, k4, k5 = jax.random.split(key, 5)
    input_ids = jax.random.randint(k1, (B, S), 0, VOCAB, dtype=jnp.int32)
    token_type_ids = jax.random.randint(k2, (B, S), 0, NUM_SENT, dtype=jnp.int32)
    W_word = jax.random.normal(k3, (VOCAB, EMBED), dtype=jnp.float32) * 0.02
    W_word = W_word.at[PAD_IDX].set(0.0)  # padding_idx row init to zero
    W_pos = jax.random.normal(k4, (MAX_POS, EMBED), dtype=jnp.float32) * 0.02
    W_tok = jax.random.normal(k5, (NUM_SENT, EMBED), dtype=jnp.float32) * 0.02
    W_tok = W_tok.at[PAD_IDX].set(0.0)
    return {"input_ids": input_ids, "token_type_ids": token_type_ids,
            "W_word": W_word, "W_pos": W_pos, "W_tok": W_tok}


def reference(input_ids, token_type_ids, W_word, W_pos, W_tok):
    seq_length = input_ids.shape[1]
    position_ids = jnp.arange(seq_length, dtype=jnp.int32)[None, :]
    position_ids = jnp.broadcast_to(position_ids, input_ids.shape)
    word_embeds = jnp.take(W_word, input_ids, axis=0)
    position_embeds = jnp.take(W_pos, position_ids, axis=0)
    token_type_embeds = jnp.take(W_tok, token_type_ids, axis=0)
    embeddings = word_embeds + position_embeds + token_type_embeds
    # dropout in eval mode = identity
    return embeddings

if __name__ == "__main__":
    import jax
    _d = setup_inputs()
    print(jax.jit(kernel)(*tuple(_d.values())))

</pallas_src>

<mosaic_0001>
#map = affine_map<(d0, d1) -> (0, 0, 0)>
#map1 = affine_map<(d0, d1) -> (0, 0)>
module attributes {stable_mosaic.version = 14 : i64} {
  func.func @_body(%arg0: i32, %arg1: i32, %arg2: memref<32x16x128xi32, #tpu.memory_space<hbm>>, %arg3: memref<32x16x128xi32, #tpu.memory_space<hbm>>, %arg4: memref<100000x768xf32, #tpu.memory_space<hbm>>, %arg5: memref<512x768xf32, #tpu.memory_space<hbm>>, %arg6: memref<2x768xf32, #tpu.memory_space<hbm>>, %arg7: memref<128x512x768xf32, #tpu.memory_space<hbm>>, %arg8: memref<16x128xi32, #tpu.memory_space<vmem>>, %arg9: memref<16x128xi32, #tpu.memory_space<vmem>>, %arg10: memref<32x768xf32, #tpu.memory_space<vmem>>, %arg11: memref<2x768xf32, #tpu.memory_space<vmem>>, %arg12: memref<8x16x768xf32, #tpu.memory_space<vmem>>, %arg13: memref<!tpu.dma_semaphore, #tpu.memory_space<semaphore_mem>>, %arg14: memref<!tpu.dma_semaphore, #tpu.memory_space<semaphore_mem>>, %arg15: memref<!tpu.dma_semaphore, #tpu.memory_space<semaphore_mem>>, %arg16: memref<!tpu.dma_semaphore, #tpu.memory_space<semaphore_mem>>, %arg17: memref<!tpu.dma_semaphore, #tpu.memory_space<semaphore_mem>>, %arg18: memref<!tpu.dma_semaphore, #tpu.memory_space<semaphore_mem>>, %arg19: memref<!tpu.dma_semaphore, #tpu.memory_space<semaphore_mem>>, %arg20: memref<!tpu.dma_semaphore, #tpu.memory_space<semaphore_mem>>, %arg21: memref<!tpu.dma_semaphore, #tpu.memory_space<semaphore_mem>>, %arg22: memref<!tpu.dma_semaphore, #tpu.memory_space<semaphore_mem>>, %arg23: memref<!tpu.dma_semaphore, #tpu.memory_space<semaphore_mem>>, %arg24: memref<!tpu.dma_semaphore, #tpu.memory_space<semaphore_mem>>, %arg25: memref<!tpu.dma_semaphore, #tpu.memory_space<semaphore_mem>>, %arg26: memref<!tpu.dma_semaphore, #tpu.memory_space<semaphore_mem>>, %arg27: memref<!tpu.dma_semaphore, #tpu.memory_space<semaphore_mem>>, %arg28: memref<!tpu.dma_semaphore, #tpu.memory_space<semaphore_mem>>) attributes {dimension_semantics = [#tpu.dimension_semantics<core_parallel>, #tpu.dimension_semantics<subcore_parallel>], iteration_bounds = array<i64: 2, 16>, scalar_prefetch = 0 : i64, scratch_operands = 21 : i64, tpu.core_type = #tpu.core_type<sc_vector_subcore>, window_params = [{transform_indices = #map}, {transform_indices = #map}, {transform_indices = #map1}, {transform_indices = #map1}, {transform_indices = #map1}, {transform_indices = #map}]} {
    %mul3A = arith.constant 2 : i32
    %mul3A_0 = arith.muli %arg1, %mul3A : i32
    %add3A = arith.addi %mul3A_0, %arg0 : i32
    %mul3A_1 = arith.constant 16 : i32
    %mul3A_2 = arith.muli %add3A, %mul3A_1 : i32
    "tpu.region"() ({
      %run_scoped3A = tpu.sem_alloc : memref<!tpu.dma_semaphore, #tpu.memory_space<semaphore_mem>>
      %dma_start3A_210 = arith.constant 0 : i32
      %dma_start3A_211 = arith.constant 0 : i32
      %dma_start3A_212 = tpu.memref_slice %arg2[%add3A, %dma_start3A_210, %dma_start3A_211] : memref<32x16x128xi32, #tpu.memory_space<hbm>> -> memref<1x16x128xi32, #tpu.memory_space<hbm>>
      %dma_start3A_213 = tpu.memref_squeeze %dma_start3A_212 : memref<1x16x128xi32, #tpu.memory_space<hbm>> -> memref<16x128xi32, #tpu.memory_space<hbm>>
      %dma_start3A_214 = arith.constant 0 : i32
      %dma_start3A_215 = arith.constant 0 : i32
      %dma_start3A_216 = tpu.memref_slice %arg2[%add3A, %dma_start3A_214, %dma_start3A_215] : memref<32x16x128xi32, #tpu.memory_space<hbm>> -> memref<1x16x128xi32, #tpu.memory_space<hbm>>
      %dma_start3A_217 = tpu.memref_squeeze %dma_start3A_216 : memref<1x16x128xi32, #tpu.memory_space<hbm>> -> memref<16x128xi32, #tpu.memory_space<hbm>>
      tpu.enqueue_dma source(%dma_start3A_217 : memref<16x128xi32, #tpu.memory_space<hbm>>) target(%arg8 : memref<16x128xi32, #tpu.memory_space<vmem>>) target_semaphore(%run_scoped3A : memref<!tpu.dma_semaphore, #tpu.memory_space<semaphore_mem>>)
      %dma_wait3A_218 = arith.constant 0 : i32
      %dma_wait3A_219 = arith.constant 0 : i32
      %dma_wait3A_220 = tpu.memref_slice %arg2[%add3A, %dma_wait3A_218, %dma_wait3A_219] : memref<32x16x128xi32, #tpu.memory_space<hbm>> -> memref<1x16x128xi32, #tpu.memory_space<hbm>>
      %dma_wait3A_221 = tpu.memref_squeeze %dma_wait3A_220 : memref<1x16x128xi32, #tpu.memory_space<hbm>> -> memref<16x128xi32, #tpu.memory_space<hbm>>
      %dma_wait3A_222 = arith.constant 0 : i32
      %dma_wait3A_223 = arith.constant 0 : i32
      %dma_wait3A_224 = tpu.memref_slice %arg2[%add3A, %dma_wait3A_222, %dma_wait3A_223] : memref<32x16x128xi32, #tpu.memory_space<hbm>> -> memref<1x16x128xi32, #tpu.memory_space<hbm>>
      %dma_wait3A_225 = tpu.memref_squeeze %dma_wait3A_224 : memref<1x16x128xi32, #tpu.memory_space<hbm>> -> memref<16x128xi32, #tpu.memory_space<hbm>>
      tpu.wait_dma2 semaphore(%run_scoped3A : memref<!tpu.dma_semaphore, #tpu.memory_space<semaphore_mem>>) src(%dma_wait3A_225 : memref<16x128xi32, #tpu.memory_space<hbm>>) dst(%arg8 : memref<16x128xi32, #tpu.memory_space<vmem>>)
      tpu.yield
    }) : () -> ()
    "tpu.region"() ({
      %run_scoped3A = tpu.sem_alloc : memref<!tpu.dma_semaphore, #tpu.memory_space<semaphore_mem>>
      %dma_start3A_210 = arith.constant 0 : i32
      %dma_start3A_211 = arith.constant 0 : i32
      %dma_start3A_212 = tpu.memref_slice %arg3[%add3A, %dma_start3A_210, %dma_start3A_211] : memref<32x16x128xi32, #tpu.memory_space<hbm>> -> memref<1x16x128xi32, #tpu.memory_space<hbm>>
      %dma_start3A_213 = tpu.memref_squeeze %dma_start3A_212 : memref<1x16x128xi32, #tpu.memory_space<hbm>> -> memref<16x128xi32, #tpu.memory_space<hbm>>
      %dma_start3A_214 = arith.constant 0 : i32
      %dma_start3A_215 = arith.constant 0 : i32
      %dma_start3A_216 = tpu.memref_slice %arg3[%add3A, %dma_start3A_214, %dma_start3A_215] : memref<32x16x128xi32, #tpu.memory_space<hbm>> -> memref<1x16x128xi32, #tpu.memory_space<hbm>>
      %dma_start3A_217 = tpu.memref_squeeze %dma_start3A_216 : memref<1x16x128xi32, #tpu.memory_space<hbm>> -> memref<16x128xi32, #tpu.memory_space<hbm>>
      tpu.enqueue_dma source(%dma_start3A_217 : memref<16x128xi32, #tpu.memory_space<hbm>>) target(%arg9 : memref<16x128xi32, #tpu.memory_space<vmem>>) target_semaphore(%run_scoped3A : memref<!tpu.dma_semaphore, #tpu.memory_space<semaphore_mem>>)
      %dma_wait3A_218 = arith.constant 0 : i32
      %dma_wait3A_219 = arith.constant 0 : i32
      %dma_wait3A_220 = tpu.memref_slice %arg3[%add3A, %dma_wait3A_218, %dma_wait3A_219] : memref<32x16x128xi32, #tpu.memory_space<hbm>> -> memref<1x16x128xi32, #tpu.memory_space<hbm>>
      %dma_wait3A_221 = tpu.memref_squeeze %dma_wait3A_220 : memref<1x16x128xi32, #tpu.memory_space<hbm>> -> memref<16x128xi32, #tpu.memory_space<hbm>>
      %dma_wait3A_222 = arith.constant 0 : i32
      %dma_wait3A_223 = arith.constant 0 : i32
      %dma_wait3A_224 = tpu.memref_slice %arg3[%add3A, %dma_wait3A_222, %dma_wait3A_223] : memref<32x16x128xi32, #tpu.memory_space<hbm>> -> memref<1x16x128xi32, #tpu.memory_space<hbm>>
      %dma_wait3A_225 = tpu.memref_squeeze %dma_wait3A_224 : memref<1x16x128xi32, #tpu.memory_space<hbm>> -> memref<16x128xi32, #tpu.memory_space<hbm>>
      tpu.wait_dma2 semaphore(%run_scoped3A : memref<!tpu.dma_semaphore, #tpu.memory_space<semaphore_mem>>) src(%dma_wait3A_225 : memref<16x128xi32, #tpu.memory_space<hbm>>) dst(%arg9 : memref<16x128xi32, #tpu.memory_space<vmem>>)
      tpu.yield
    }) : () -> ()
    "tpu.region"() ({
      %run_scoped3A = tpu.sem_alloc : memref<!tpu.dma_semaphore, #tpu.memory_space<semaphore_mem>>
      %dma_start3A_210 = arith.constant 0 : i32
      %dma_start3A_211 = arith.constant 0 : i32
      %dma_start3A_212 = tpu.memref_slice %arg10[%dma_start3A_210, %dma_start3A_211] : memref<32x768xf32, #tpu.memory_space<vmem>> -> memref<16x768xf32, #tpu.memory_space<vmem>>
      %dma_start3A_213 = arith.constant 0 : i32
      %dma_start3A_214 = tpu.memref_slice %arg5[%mul3A_2, %dma_start3A_213] : memref<512x768xf32, #tpu.memory_space<hbm>> -> memref<16x768xf32, #tpu.memory_space<hbm>>
      %dma_start3A_215 = arith.constant 0 : i32
      %dma_start3A_216 = arith.constant 0 : i32
      %dma_start3A_217 = tpu.memref_slice %arg10[%dma_start3A_215, %dma_start3A_216] : memref<32x768xf32, #tpu.memory_space<vmem>> -> memref<16x768xf32, #tpu.memory_space<vmem>>
      %dma_start3A_218 = arith.constant 0 : i32
      %dma_start3A_219 = tpu.memref_slice %arg5[%mul3A_2, %dma_start3A_218] : memref<512x768xf32, #tpu.memory_space<hbm>> -> memref<16x768xf32, #tpu.memory_space<hbm>>
      tpu.enqueue_dma source(%dma_start3A_219 : memref<16x768xf32, #tpu.memory_space<hbm>>) target(%dma_start3A_217 : memref<16x768xf32, #tpu.memory_space<vmem>>) target_semaphore(%run_scoped3A : memref<!tpu.dma_semaphore, #tpu.memory_space<semaphore_mem>>)
      %dma_wait3A_220 = arith.constant 0 : i32
      %dma_wait3A_221 = arith.constant 0 : i32
      %dma_wait3A_222 = tpu.memref_slice %arg10[%dma_wait3A_220, %dma_wait3A_221] : memref<32x768xf32, #tpu.memory_space<vmem>> -> memref<16x768xf32, #tpu.memory_space<vmem>>
      %dma_wait3A_223 = arith.constant 0 : i32
      %dma_wait3A_224 = tpu.memref_slice %arg5[%mul3A_2, %dma_wait3A_223] : memref<512x768xf32, #tpu.memory_space<hbm>> -> memref<16x768xf32, #tpu.memory_space<hbm>>
      %dma_wait3A_225 = arith.constant 0 : i32
      %dma_wait3A_226 = arith.constant 0 : i32
      %dma_wait3A_227 = tpu.memref_slice %arg10[%dma_wait3A_225, %dma_wait3A_226] : memref<32x768xf32, #tpu.memory_space<vmem>> -> memref<16x768xf32, #tpu.memory_space<vmem>>
      %dma_wait3A_228 = arith.constant 0 : i32
      %dma_wait3A_229 = tpu.memref_slice %arg5[%mul3A_2, %dma_wait3A_228] : memref<512x768xf32, #tpu.memory_space<hbm>> -> memref<16x768xf32, #tpu.memory_space<hbm>>
      tpu.wait_dma2 semaphore(%run_scoped3A : memref<!tpu.dma_semaphore, #tpu.memory_space<semaphore_mem>>) src(%dma_wait3A_229 : memref<16x768xf32, #tpu.memory_space<hbm>>) dst(%dma_wait3A_227 : memref<16x768xf32, #tpu.memory_space<vmem>>)
      tpu.yield
    }) : () -> ()
    "tpu.region"() ({
      %run_scoped3A = tpu.sem_alloc : memref<!tpu.dma_semaphore, #tpu.memory_space<semaphore_mem>>
      %dma_start3A_210 = arith.constant 16 : i32
      %dma_start3A_211 = arith.constant 0 : i32
      %dma_start3A_212 = tpu.memref_slice %arg10[%dma_start3A_210, %dma_start3A_211] : memref<32x768xf32, #tpu.memory_space<vmem>> -> memref<16x768xf32, #tpu.memory_space<vmem>>
      %dma_start3A_213 = arith.constant 0 : i32
      %dma_start3A_214 = tpu.memref_slice %arg5[%mul3A_2, %dma_start3A_213] : memref<512x768xf32, #tpu.memory_space<hbm>> -> memref<16x768xf32, #tpu.memory_space<hbm>>
      %dma_start3A_215 = arith.constant 16 : i32
      %dma_start3A_216 = arith.constant 0 : i32
      %dma_start3A_217 = tpu.memref_slice %arg10[%dma_start3A_215, %dma_start3A_216] : memref<32x768xf32, #tpu.memory_space<vmem>> -> memref<16x768xf32, #tpu.memory_space<vmem>>
      %dma_start3A_218 = arith.constant 0 : i32
      %dma_start3A_219 = tpu.memref_slice %arg5[%mul3A_2, %dma_start3A_218] : memref<512x768xf32, #tpu.memory_space<hbm>> -> memref<16x768xf32, #tpu.memory_space<hbm>>
      tpu.enqueue_dma source(%dma_start3A_219 : memref<16x768xf32, #tpu.memory_space<hbm>>) target(%dma_start3A_217 : memref<16x768xf32, #tpu.memory_space<vmem>>) target_semaphore(%run_scoped3A : memref<!tpu.dma_semaphore, #tpu.memory_space<semaphore_mem>>)
      %dma_wait3A_220 = arith.constant 16 : i32
      %dma_wait3A_221 = arith.constant 0 : i32
      %dma_wait3A_222 = tpu.memref_slice %arg10[%dma_wait3A_220, %dma_wait3A_221] : memref<32x768xf32, #tpu.memory_space<vmem>> -> memref<16x768xf32, #tpu.memory_space<vmem>>
      %dma_wait3A_223 = arith.constant 0 : i32
      %dma_wait3A_224 = tpu.memref_slice %arg5[%mul3A_2, %dma_wait3A_223] : memref<512x768xf32, #tpu.memory_space<hbm>> -> memref<16x768xf32, #tpu.memory_space<hbm>>
      %dma_wait3A_225 = arith.constant 16 : i32
      %dma_wait3A_226 = arith.constant 0 : i32
      %dma_wait3A_227 = tpu.memref_slice %arg10[%dma_wait3A_225, %dma_wait3A_226] : memref<32x768xf32, #tpu.memory_space<vmem>> -> memref<16x768xf32, #tpu.memory_space<vmem>>
      %dma_wait3A_228 = arith.constant 0 : i32
      %dma_wait3A_229 = tpu.memref_slice %arg5[%mul3A_2, %dma_wait3A_228] : memref<512x768xf32, #tpu.memory_space<hbm>> -> memref<16x768xf32, #tpu.memory_space<hbm>>
      tpu.wait_dma2 semaphore(%run_scoped3A : memref<!tpu.dma_semaphore, #tpu.memory_space<semaphore_mem>>) src(%dma_wait3A_229 : memref<16x768xf32, #tpu.memory_space<hbm>>) dst(%dma_wait3A_227 : memref<16x768xf32, #tpu.memory_space<vmem>>)
      tpu.yield
    }) : () -> ()
    "tpu.region"() ({
      %run_scoped3A = tpu.sem_alloc : memref<!tpu.dma_semaphore, #tpu.memory_space<semaphore_mem>>
      tpu.enqueue_dma source(%arg6 : memref<2x768xf32, #tpu.memory_space<hbm>>) target(%arg11 : memref<2x768xf32, #tpu.memory_space<vmem>>) target_semaphore(%run_scoped3A : memref<!tpu.dma_semaphore, #tpu.memory_space<semaphore_mem>>)
      tpu.wait_dma2 semaphore(%run_scoped3A : memref<!tpu.dma_semaphore, #tpu.memory_space<semaphore_mem>>) src(%arg6 : memref<2x768xf32, #tpu.memory_space<hbm>>) dst(%arg11 : memref<2x768xf32, #tpu.memory_space<vmem>>)
      tpu.yield
    }) : () -> ()
    %scan3A = arith.constant 0 : i32
    %scan3A_3 = arith.constant 32 : i32
    %scan3A_4 = arith.addi %scan3A, %scan3A_3 : i32
    %scan3A_5 = arith.constant 1 : i32
    scf.for %scan3A_210 = %scan3A to %scan3A_4 step %scan3A_5  : i32 {
      %mul3A_211 = arith.constant 1 : i32
      %mul3A_212 = arith.muli %scan3A_210, %mul3A_211 : i32
      %add3A_213 = arith.constant 0 : i32
      %add3A_214 = arith.addi %add3A_213, %mul3A_212 : i32
      %jit3A = arith.constant 16 : i32
      %div3A = arith.divsi %add3A_214, %jit3A : i32
      %sign3A = arith.constant 0 : i32
      %sign3A_215 = arith.cmpi sgt, %add3A_214, %sign3A : i32
      %sign3A_216 = arith.extui %sign3A_215 : i1 to i32
      %sign3A_217 = arith.constant 0 : i32
      %sign3A_218 = arith.cmpi slt, %add3A_214, %sign3A_217 : i32
      %sign3A_219 = arith.extui %sign3A_218 : i1 to i32
      %sign3A_220 = arith.subi %sign3A_216, %sign3A_219 : i32
      %sign3A_221 = arith.constant 0 : i32
      %sign3A_222 = arith.cmpi sgt, %jit3A, %sign3A_221 : i32
      %sign3A_223 = arith.extui %sign3A_222 : i1 to i32
      %sign3A_224 = arith.constant 0 : i32
      %sign3A_225 = arith.cmpi slt, %jit3A, %sign3A_224 : i32
      %sign3A_226 = arith.extui %sign3A_225 : i1 to i32
      %sign3A_227 = arith.subi %sign3A_223, %sign3A_226 : i32
      %ne3A = arith.cmpi ne, %sign3A_220, %sign3A_227 : i32
      %rem3A = arith.remsi %add3A_214, %jit3A : i32
      %ne3A_228 = arith.constant 0 : i32
      %ne3A_229 = arith.cmpi ne, %rem3A, %ne3A_228 : i32
      %and3A = arith.andi %ne3A, %ne3A_229 : i1
      %sub3A = arith.constant 1 : i32
      %sub3A_230 = arith.subi %div3A, %sub3A : i32
      %select_n3A = arith.select %and3A, %sub3A_230, %div3A : i32
      %parallel_loop3A = arith.constant 0 : i32
      %parallel_loop3A_231 = arith.constant 48 : i32
      %parallel_loop3A_232 = arith.constant 1 : i32
      scf.for %parallel_loop3A_233 = %parallel_loop3A to %parallel_loop3A_231 step %parallel_loop3A_232  : i32 {
        %parallel_loop3A_234 = arith.constant 16 : i32
        %parallel_loop3A_235 = arith.muli %parallel_loop3A_233, %parallel_loop3A_234 : i32
        %parallel_loop3A_236 = arith.index_cast %add3A_214 : i32 to index
        %parallel_loop3A_237 = arith.index_cast %parallel_loop3A_235 : i32 to index
        %parallel_loop3A_238 = tpu.vector_load %arg10[%parallel_loop3A_236, %parallel_loop3A_237] {strides = array<i32>} : memref<32x768xf32, #tpu.memory_space<vmem>>, vector<16xf32>,
        %parallel_loop3A_239 = arith.index_cast %select_n3A : i32 to index
        %parallel_loop3A_240 = arith.index_cast %parallel_loop3A_235 : i32 to index
        %parallel_loop3A_241 = tpu.vector_load %arg11[%parallel_loop3A_239, %parallel_loop3A_240] {strides = array<i32>} : memref<2x768xf32, #tpu.memory_space<vmem>>, vector<16xf32>,
        %parallel_loop3A_242 = arith.addf %parallel_loop3A_238, %parallel_loop3A_241 : vector<16xf32>
        %parallel_loop3A_243 = arith.index_cast %add3A_214 : i32 to index
        %parallel_loop3A_244 = arith.index_cast %parallel_loop3A_235 : i32 to index
        %parallel_loop3A_245 = tpu.vector_load %arg10[%parallel_loop3A_243, %parallel_loop3A_244] {strides = array<i32>} : memref<32x768xf32, #tpu.memory_space<vmem>>, vector<16xf32>,
        tpu.vector_store %arg10[%parallel_loop3A_243, %parallel_loop3A_244], %parallel_loop3A_242 {strides = array<i32>} : memref<32x768xf32, #tpu.memory_space<vmem>>, vector<16xf32>,
      } {sc.loop_unroll_factor = 8 : i64, sc.parallel_access}
    }
    %scan3A_6 = arith.constant 32 : i32
    %iota3A = tpu.iota {dimensions = array<i32: 0>} : vector<16xi32>
    %dma_start3A = arith.constant 0 : i32
    %dma_start3A_7 = arith.constant 0 : i32
    %dma_start3A_8 = arith.constant 0 : i32
    %dma_start3A_9 = arith.constant 0 : i32
    %dma_start3A_10 = tpu.memref_slice %arg12[%dma_start3A_7, %dma_start3A_8, %dma_start3A_9] : memref<8x16x768xf32, #tpu.memory_space<vmem>> -> memref<1x16x768xf32, #tpu.memory_space<vmem>>
    %dma_start3A_11 = tpu.memref_squeeze %dma_start3A_10 : memref<1x16x768xf32, #tpu.memory_space<vmem>> -> memref<16x768xf32, #tpu.memory_space<vmem>>
    %dma_start3A_12 = arith.constant 0 : i32
    %dma_start3A_13 = tpu.memref_slice %arg8[%dma_start3A, %dma_start3A_12] : memref<16x128xi32, #tpu.memory_space<vmem>> -> memref<1x16xi32, #tpu.memory_space<vmem>>
    %dma_start3A_14 = tpu.memref_squeeze %dma_start3A_13 : memref<1x16xi32, #tpu.memory_space<vmem>> -> memref<16xi32, #tpu.memory_space<vmem>>
    %dma_start3A_15 = arith.constant 0 : i32
    %dma_start3A_16 = arith.constant 0 : i32
    %dma_start3A_17 = tpu.memref_slice %arg4[%dma_start3A_15, %dma_start3A_16] : memref<100000x768xf32, #tpu.memory_space<hbm>> -> memref<100000x768xf32, #tpu.memory_space<hbm>>
    tpu.enqueue_indirect_dma source(%dma_start3A_17 : memref<100000x768xf32, #tpu.memory_space<hbm>>) target(%dma_start3A_11 : memref<16x768xf32, #tpu.memory_space<vmem>>) offsets(%dma_start3A_14 : memref<16xi32, #tpu.memory_space<vmem>>) semaphore(%arg13 : memref<!tpu.dma_semaphore, #tpu.memory_space<semaphore_mem>>)
    %dma_start3A_18 = arith.constant 0 : i32
    %dma_start3A_19 = arith.constant 1 : i32
    %dma_start3A_20 = arith.constant 0 : i32
    %dma_start3A_21 = arith.constant 0 : i32
    %dma_start3A_22 = tpu.memref_slice %arg12[%dma_start3A_19, %dma_start3A_20, %dma_start3A_21] : memref<8x16x768xf32, #tpu.memory_space<vmem>> -> memref<1x16x768xf32, #tpu.memory_space<vmem>>
    %dma_start3A_23 = tpu.memref_squeeze %dma_start3A_22 : memref<1x16x768xf32, #tpu.memory_space<vmem>> -> memref<16x768xf32, #tpu.memory_space<vmem>>
    %dma_start3A_24 = arith.constant 16 : i32
    %dma_start3A_25 = tpu.memref_slice %arg8[%dma_start3A_18, %dma_start3A_24] : memref<16x128xi32, #tpu.memory_space<vmem>> -> memref<1x16xi32, #tpu.memory_space<vmem>>
    %dma_start3A_26 = tpu.memref_squeeze %dma_start3A_25 : memref<1x16xi32, #tpu.memory_space<vmem>> -> memref<16xi32, #tpu.memory_space<vmem>>
    %dma_start3A_27 = arith.constant 0 : i32
    %dma_start3A_28 = arith.constant 0 : i32
    %dma_start3A_29 = tpu.memref_slice %arg4[%dma_start3A_27, %dma_start3A_28] : memref<100000x768xf32, #tpu.memory_space<hbm>> -> memref<100000x768xf32, #tpu.memory_space<hbm>>
    tpu.enqueue_indirect_dma source(%dma_start3A_29 : memref<100000x768xf32, #tpu.memory_space<hbm>>) target(%dma_start3A_23 : memref<16x768xf32, #tpu.memory_space<vmem>>) offsets(%dma_start3A_26 : memref<16xi32, #tpu.memory_space<vmem>>) semaphore(%arg14 : memref<!tpu.dma_semaphore, #tpu.memory_space<semaphore_mem>>)
    %dma_start3A_30 = arith.constant 0 : i32
    %dma_start3A_31 = arith.constant 2 : i32
    %dma_start3A_32 = arith.constant 0 : i32
    %dma_start3A_33 = arith.constant 0 : i32
    %dma_start3A_34 = tpu.memref_slice %arg12[%dma_start3A_31, %dma_start3A_32, %dma_start3A_33] : memref<8x16x768xf32, #tpu.memory_space<vmem>> -> memref<1x16x768xf32, #tpu.memory_space<vmem>>
    %dma_start3A_35 = tpu.memref_squeeze %dma_start3A_34 : memref<1x16x768xf32, #tpu.memory_space<vmem>> -> memref<16x768xf32, #tpu.memory_space<vmem>>
    %dma_start3A_36 = arith.constant 32 : i32
    %dma_start3A_37 = tpu.memref_slice %arg8[%dma_start3A_30, %dma_start3A_36] : memref<16x128xi32, #tpu.memory_space<vmem>> -> memref<1x16xi32, #tpu.memory_space<vmem>>
    %dma_start3A_38 = tpu.memref_squeeze %dma_start3A_37 : memref<1x16xi32, #tpu.memory_space<vmem>> -> memref<16xi32, #tpu.memory_space<vmem>>
    %dma_start3A_39 = arith.constant 0 : i32
    %dma_start3A_40 = arith.constant 0 : i32
    %dma_start3A_41 = tpu.memref_slice %arg4[%dma_start3A_39, %dma_start3A_40] : memref<100000x768xf32, #tpu.memory_space<hbm>> -> memref<100000x768xf32, #tpu.memory_space<hbm>>
    tpu.enqueue_indirect_dma source(%dma_start3A_41 : memref<100000x768xf32, #tpu.memory_space<hbm>>) target(%dma_start3A_35 : memref<16x768xf32, #tpu.memory_space<vmem>>) offsets(%dma_start3A_38 : memref<16xi32, #tpu.memory_space<vmem>>) semaphore(%arg15 : memref<!tpu.dma_semaphore, #tpu.memory_space<semaphore_mem>>)
    %dma_start3A_42 = arith.constant 0 : i32
    %dma_start3A_43 = arith.constant 3 : i32
    %dma_start3A_44 = arith.constant 0 : i32
    %dma_start3A_45 = arith.constant 0 : i32
    %dma_start3A_46 = tpu.memref_slice %arg12[%dma_start3A_43, %dma_start3A_44, %dma_start3A_45] : memref<8x16x768xf32, #tpu.memory_space<vmem>> -> memref<1x16x768xf32, #tpu.memory_space<vmem>>
    %dma_start3A_47 = tpu.memref_squeeze %dma_start3A_46 : memref<1x16x768xf32, #tpu.memory_space<vmem>> -> memref<16x768xf32, #tpu.memory_space<vmem>>
    %dma_start3A_48 = arith.constant 48 : i32
    %dma_start3A_49 = tpu.memref_slice %arg8[%dma_start3A_42, %dma_start3A_48] : memref<16x128xi32, #tpu.memory_space<vmem>> -> memref<1x16xi32, #tpu.memory_space<vmem>>
    %dma_start3A_50 = tpu.memref_squeeze %dma_start3A_49 : memref<1x16xi32, #tpu.memory_space<vmem>> -> memref<16xi32, #tpu.memory_space<vmem>>
    %dma_start3A_51 = arith.constant 0 : i32
    %dma_start3A_52 = arith.constant 0 : i32
    %dma_start3A_53 = tpu.memref_slice %arg4[%dma_start3A_51, %dma_start3A_52] : memref<100000x768xf32, #tpu.memory_space<hbm>> -> memref<100000x768xf32, #tpu.memory_space<hbm>>
    tpu.enqueue_indirect_dma source(%dma_start3A_53 : memref<100000x768xf32, #tpu.memory_space<hbm>>) target(%dma_start3A_47 : memref<16x768xf32, #tpu.memory_space<vmem>>) offsets(%dma_start3A_50 : memref<16xi32, #tpu.memory_space<vmem>>) semaphore(%arg16 : memref<!tpu.dma_semaphore, #tpu.memory_space<semaphore_mem>>)
    %dma_start3A_54 = arith.constant 0 : i32
    %dma_start3A_55 = arith.constant 4 : i32
    %dma_start3A_56 = arith.constant 0 : i32
    %dma_start3A_57 = arith.constant 0 : i32
    %dma_start3A_58 = tpu.memref_slice %arg12[%dma_start3A_55, %dma_start3A_56, %dma_start3A_57] : memref<8x16x768xf32, #tpu.memory_space<vmem>> -> memref<1x16x768xf32, #tpu.memory_space<vmem>>
    %dma_start3A_59 = tpu.memref_squeeze %dma_start3A_58 : memref<1x16x768xf32, #tpu.memory_space<vmem>> -> memref<16x768xf32, #tpu.memory_space<vmem>>
    %dma_start3A_60 = arith.constant 64 : i32
    %dma_start3A_61 = tpu.memref_slice %arg8[%dma_start3A_54, %dma_start3A_60] : memref<16x128xi32, #tpu.memory_space<vmem>> -> memref<1x16xi32, #tpu.memory_space<vmem>>
    %dma_start3A_62 = tpu.memref_squeeze %dma_start3A_61 : memref<1x16xi32, #tpu.memory_space<vmem>> -> memref<16xi32, #tpu.memory_space<vmem>>
    %dma_start3A_63 = arith.constant 0 : i32
    %dma_start3A_64 = arith.constant 0 : i32
    %dma_start3A_65 = tpu.memref_slice %arg4[%dma_start3A_63, %dma_start3A_64] : memref<100000x768xf32, #tpu.memory_space<hbm>> -> memref<100000x768xf32, #tpu.memory_space<hbm>>
    tpu.enqueue_indirect_dma source(%dma_start3A_65 : memref<100000x768xf32, #tpu.memory_space<hbm>>) target(%dma_start3A_59 : memref<16x768xf32, #tpu.memory_space<vmem>>) offsets(%dma_start3A_62 : memref<16xi32, #tpu.memory_space<vmem>>) semaphore(%arg17 : memref<!tpu.dma_semaphore, #tpu.memory_space<semaphore_mem>>)
    %dma_start3A_66 = arith.constant 0 : i32
    %dma_start3A_67 = arith.constant 5 : i32
    %dma_start3A_68 = arith.constant 0 : i32
    %dma_start3A_69 = arith.constant 0 : i32
    %dma_start3A_70 = tpu.memref_slice %arg12[%dma_start3A_67, %dma_start3A_68, %dma_start3A_69] : memref<8x16x768xf32, #tpu.memory_space<vmem>> -> memref<1x16x768xf32, #tpu.memory_space<vmem>>
    %dma_start3A_71 = tpu.memref_squeeze %dma_start3A_70 : memref<1x16x768xf32, #tpu.memory_space<vmem>> -> memref<16x768xf32, #tpu.memory_space<vmem>>
    %dma_start3A_72 = arith.constant 80 : i32
    %dma_start3A_73 = tpu.memref_slice %arg8[%dma_start3A_66, %dma_start3A_72] : memref<16x128xi32, #tpu.memory_space<vmem>> -> memref<1x16xi32, #tpu.memory_space<vmem>>
    %dma_start3A_74 = tpu.memref_squeeze %dma_start3A_73 : memref<1x16xi32, #tpu.memory_space<vmem>> -> memref<16xi32, #tpu.memory_space<vmem>>
    %dma_start3A_75 = arith.constant 0 : i32
    %dma_start3A_76 = arith.constant 0 : i32
    %dma_start3A_77 = tpu.memref_slice %arg4[%dma_start3A_75, %dma_start3A_76] : memref<100000x768xf32, #tpu.memory_space<hbm>> -> memref<100000x768xf32, #tpu.memory_space<hbm>>
    tpu.enqueue_indirect_dma source(%dma_start3A_77 : memref<100000x768xf32, #tpu.memory_space<hbm>>) target(%dma_start3A_71 : memref<16x768xf32, #tpu.memory_space<vmem>>) offsets(%dma_start3A_74 : memref<16xi32, #tpu.memory_space<vmem>>) semaphore(%arg18 : memref<!tpu.dma_semaphore, #tpu.memory_space<semaphore_mem>>)
    %scan3A_78 = arith.constant 0 : i32
    %scan3A_79 = arith.constant 16 : i32
    %scan3A_80 = arith.addi %scan3A_78, %scan3A_79 : i32
    %scan3A_81 = arith.constant 1 : i32
    scf.for %scan3A_210 = %scan3A_78 to %scan3A_80 step %scan3A_81  : i32 {
      %mul3A_211 = arith.constant 8 : i32
      %mul3A_212 = arith.muli %scan3A_210, %mul3A_211 : i32
      %add3A_213 = arith.constant 0 : i32
      %add3A_214 = arith.addi %add3A_213, %mul3A_212 : i32
      %add3A_215 = arith.constant 0 : i32
      %add3A_216 = arith.addi %add3A_214, %add3A_215 : i32
      %jit3A = arith.constant 8 : i32
      %div3A = arith.divsi %add3A_216, %jit3A : i32
      %sign3A = arith.constant 0 : i32
      %sign3A_217 = arith.cmpi sgt, %add3A_216, %sign3A : i32
      %sign3A_218 = arith.extui %sign3A_217 : i1 to i32
      %sign3A_219 = arith.constant 0 : i32
      %sign3A_220 = arith.cmpi slt, %add3A_216, %sign3A_219 : i32
      %sign3A_221 = arith.extui %sign3A_220 : i1 to i32
      %sign3A_222 = arith.subi %sign3A_218, %sign3A_221 : i32
      %sign3A_223 = arith.constant 0 : i32
      %sign3A_224 = arith.cmpi sgt, %jit3A, %sign3A_223 : i32
      %sign3A_225 = arith.extui %sign3A_224 : i1 to i32
      %sign3A_226 = arith.constant 0 : i32
      %sign3A_227 = arith.cmpi slt, %jit3A, %sign3A_226 : i32
      %sign3A_228 = arith.extui %sign3A_227 : i1 to i32
      %sign3A_229 = arith.subi %sign3A_225, %sign3A_228 : i32
      %ne3A = arith.cmpi ne, %sign3A_222, %sign3A_229 : i32
      %rem3A = arith.remsi %add3A_216, %jit3A : i32
      %ne3A_230 = arith.constant 0 : i32
      %ne3A_231 = arith.cmpi ne, %rem3A, %ne3A_230 : i32
      %and3A = arith.andi %ne3A, %ne3A_231 : i1
      %sub3A = arith.constant 1 : i32
      %sub3A_232 = arith.subi %div3A, %sub3A : i32
      %select_n3A = arith.select %and3A, %sub3A_232, %div3A : i32
      %jit3A_233 = arith.constant 8 : i32
      %eq3A = arith.constant 0 : i32
      %eq3A_234 = arith.cmpi eq, %jit3A_233, %eq3A : i32
      %jit3A_235 = arith.constant 1 : i32
      %select_n3A_236 = arith.select %eq3A_234, %jit3A_235, %jit3A_233 : i32
      %rem3A_237 = arith.remsi %add3A_216, %select_n3A_236 : i32
      %ne3A_238 = arith.constant 0 : i32
      %ne3A_239 = arith.cmpi ne, %rem3A_237, %ne3A_238 : i32
      %lt3A = arith.constant 0 : i32
      %lt3A_240 = arith.cmpi slt, %rem3A_237, %lt3A : i32
      %lt3A_241 = arith.constant 0 : i32
      %lt3A_242 = arith.cmpi slt, %select_n3A_236, %lt3A_241 : i32
      %ne3A_243 = arith.xori %lt3A_240, %lt3A_242 : i1
      %and3A_244 = arith.andi %ne3A_243, %ne3A_239 : i1
      %add3A_245 = arith.addi %rem3A_237, %select_n3A_236 : i32
      %select_n3A_246 = arith.select %and3A_244, %add3A_245, %rem3A_237 : i32
      %mul3A_247 = arith.constant 16 : i32
      %mul3A_248 = arith.muli %select_n3A_246, %mul3A_247 : i32
      %dma_wait3A_249 = arith.constant 0 : i32
      %dma_wait3A_250 = arith.constant 0 : i32
      %dma_wait3A_251 = arith.constant 0 : i32
      %dma_wait3A_252 = tpu.memref_slice %arg12[%dma_wait3A_249, %dma_wait3A_250, %dma_wait3A_251] : memref<8x16x768xf32, #tpu.memory_space<vmem>> -> memref<1x16x768xf32, #tpu.memory_space<vmem>>
      %dma_wait3A_253 = tpu.memref_squeeze %dma_wait3A_252 : memref<1x16x768xf32, #tpu.memory_space<vmem>> -> memref<16x768xf32, #tpu.memory_space<vmem>>
      %dma_wait3A_254 = tpu.memref_slice %arg8[%select_n3A, %mul3A_248] : memref<16x128xi32, #tpu.memory_space<vmem>> -> memref<1x16xi32, #tpu.memory_space<vmem>>
      %dma_wait3A_255 = tpu.memref_squeeze %dma_wait3A_254 : memref<1x16xi32, #tpu.memory_space<vmem>> -> memref<16xi32, #tpu.memory_space<vmem>>
      %dma_wait3A_256 = arith.constant 0 : i32
      %dma_wait3A_257 = arith.constant 0 : i32
      %dma_wait3A_258 = tpu.memref_slice %arg4[%dma_wait3A_256, %dma_wait3A_257] : memref<100000x768xf32, #tpu.memory_space<hbm>> -> memref<100000x768xf32, #tpu.memory_space<hbm>>
      tpu.wait_indirect_dma semaphore(%arg13 : memref<!tpu.dma_semaphore, #tpu.memory_space<semaphore_mem>>) src(%dma_wait3A_258 : memref<100000x768xf32, #tpu.memory_space<hbm>>) dst(%dma_wait3A_253 : memref<16x768xf32, #tpu.memory_space<vmem>>)
      %jit3A_259 = arith.constant 8 : i32
      %div3A_260 = arith.divsi %add3A_216, %jit3A_259 : i32
      %sign3A_261 = arith.constant 0 : i32
      %sign3A_262 = arith.cmpi sgt, %add3A_216, %sign3A_261 : i32
      %sign3A_263 = arith.extui %sign3A_262 : i1 to i32
      %sign3A_264 = arith.constant 0 : i32
      %sign3A_265 = arith.cmpi slt, %add3A_216, %sign3A_264 : i32
      %sign3A_266 = arith.extui %sign3A_265 : i1 to i32
      %sign3A_267 = arith.subi %sign3A_263, %sign3A_266 : i32
      %sign3A_268 = arith.constant 0 : i32
      %sign3A_269 = arith.cmpi sgt, %jit3A_259, %sign3A_268 : i32
      %sign3A_270 = arith.extui %sign3A_269 : i1 to i32
      %sign3A_271 = arith.constant 0 : i32
      %sign3A_272 = arith.cmpi slt, %jit3A_259, %sign3A_271 : i32
      %sign3A_273 = arith.extui %sign3A_272 : i1 to i32
      %sign3A_274 = arith.subi %sign3A_270, %sign3A_273 : i32
      %ne3A_275 = arith.cmpi ne, %sign3A_267, %sign3A_274 : i32
      %rem3A_276 = arith.remsi %add3A_216, %jit3A_259 : i32
      %ne3A_277 = arith.constant 0 : i32
      %ne3A_278 = arith.cmpi ne, %rem3A_276, %ne3A_277 : i32
      %and3A_279 = arith.andi %ne3A_275, %ne3A_278 : i1
      %sub3A_280 = arith.constant 1 : i32
      %sub3A_281 = arith.subi %div3A_260, %sub3A_280 : i32
      %select_n3A_282 = arith.select %and3A_279, %sub3A_281, %div3A_260 : i32
      %jit3A_283 = arith.constant 8 : i32
      %eq3A_284 = arith.constant 0 : i32
      %eq3A_285 = arith.cmpi eq, %jit3A_283, %eq3A_284 : i32
      %jit3A_286 = arith.constant 1 : i32
      %select_n3A_287 = arith.select %eq3A_285, %jit3A_286, %jit3A_283 : i32
      %rem3A_288 = arith.remsi %add3A_216, %select_n3A_287 : i32
      %ne3A_289 = arith.constant 0 : i32
      %ne3A_290 = arith.cmpi ne, %rem3A_288, %ne3A_289 : i32
      %lt3A_291 = arith.constant 0 : i32
      %lt3A_292 = arith.cmpi slt, %rem3A_288, %lt3A_291 : i32
      %lt3A_293 = arith.constant 0 : i32
      %lt3A_294 = arith.cmpi slt, %select_n3A_287, %lt3A_293 : i32
      %ne3A_295 = arith.xori %lt3A_292, %lt3A_294 : i1
      %and3A_296 = arith.andi %ne3A_295, %ne3A_290 : i1
      %add3A_297 = arith.addi %rem3A_288, %select_n3A_287 : i32
      %select_n3A_298 = arith.select %and3A_296, %add3A_297, %rem3A_288 : i32
      %mul3A_299 = arith.constant 16 : i32
      %mul3A_300 = arith.muli %select_n3A_298, %mul3A_299 : i32
      %get3A = arith.index_cast %select_n3A_282 : i32 to index
      %get3A_301 = arith.index_cast %mul3A_300 : i32 to index
      %get3A_302 = tpu.vector_load %arg9[%get3A, %get3A_301] {strides = array<i32>} : memref<16x128xi32, #tpu.memory_space<vmem>>, vector<16xi32>,
      %parallel_loop3A = arith.constant 0 : i32
      %parallel_loop3A_303 = arith.constant 16 : i32
      %parallel_loop3A_304 = arith.constant 1 : i32
      scf.for %parallel_loop3A_1193 = %parallel_loop3A to %parallel_loop3A_303 step %parallel_loop3A_304  : i32 {
        %parallel_loop3A_1194 = vector.broadcast %parallel_loop3A_1193 : i32 to vector<16xi32>
        %parallel_loop3A_1195 = arith.cmpi eq, %iota3A, %parallel_loop3A_1194 : vector<16xi32>
        %parallel_loop3A_1196 = arith.constant 0 : i32
        %parallel_loop3A_1197 = vector.broadcast %parallel_loop3A_1196 : i32 to vector<16xi32>
        %parallel_loop3A_1198 = arith.select %parallel_loop3A_1195, %get3A_302, %parallel_loop3A_1197 : vector<16xi1>, vector<16xi32>
        %parallel_loop3A_1199 = arith.constant true
        %parallel_loop3A_1200 = vector.broadcast %parallel_loop3A_1199 : i1 to vector<16xi1>
        %parallel_loop3A_1201 = tpu.scan <sum>, %parallel_loop3A_1198 masked %parallel_loop3A_1200 : vector<16xi32>, vector<16xi1> -> vector<16xi32>
        %parallel_loop3A_1202 = vector.extract %parallel_loop3A_1201[15] : i32 from vector<16xi32>
        %parallel_loop3A_1203 = arith.constant 16 : i32
        %parallel_loop3A_1204 = arith.muli %parallel_loop3A_1202, %parallel_loop3A_1203 : i32
        %parallel_loop3A_1205 = arith.addi %parallel_loop3A_1204, %parallel_loop3A_1193 : i32
        %parallel_loop3A_1206 = arith.constant 0 : i32
        %parallel_loop3A_1207 = arith.constant 48 : i32
        %parallel_loop3A_1208 = arith.constant 1 : i32
        scf.for %parallel_loop3A_1209 = %parallel_loop3A_1206 to %parallel_loop3A_1207 step %parallel_loop3A_1208  : i32 {
          %parallel_loop3A_1210 = arith.constant 16 : i32
          %parallel_loop3A_1211 = arith.muli %parallel_loop3A_1209, %parallel_loop3A_1210 : i32
          %parallel_loop3A_1212 = arith.constant 0 : i32
          %parallel_loop3A_1213 = arith.index_cast %parallel_loop3A_1212 : i32 to index
          %parallel_loop3A_1214 = arith.index_cast %parallel_loop3A_1193 : i32 to index
          %parallel_loop3A_1215 = arith.index_cast %parallel_loop3A_1211 : i32 to index
          %parallel_loop3A_1216 = tpu.vector_load %arg12[%parallel_loop3A_1213, %parallel_loop3A_1214, %parallel_loop3A_1215] {strides = array<i32>} : memref<8x16x768xf32, #tpu.memory_space<vmem>>, vector<16xf32>,
          %parallel_loop3A_1217 = arith.index_cast %parallel_loop3A_1205 : i32 to index
          %parallel_loop3A_1218 = arith.index_cast %parallel_loop3A_1211 : i32 to index
          %parallel_loop3A_1219 = tpu.vector_load %arg10[%parallel_loop3A_1217, %parallel_loop3A_1218] {strides = array<i32>} : memref<32x768xf32, #tpu.memory_space<vmem>>, vector<16xf32>,
          %parallel_loop3A_1220 = arith.addf %parallel_loop3A_1216, %parallel_loop3A_1219 : vector<16xf32>
          %parallel_loop3A_1221 = arith.constant 0 : i32
          %parallel_loop3A_1222 = arith.index_cast %parallel_loop3A_1221 : i32 to index
          %parallel_loop3A_1223 = arith.index_cast %parallel_loop3A_1193 : i32 to index
          %parallel_loop3A_1224 = arith.index_cast %parallel_loop3A_1211 : i32 to index
          %parallel_loop3A_1225 = tpu.vector_load %arg12[%parallel_loop3A_1222, %parallel_loop3A_1223, %parallel_loop3A_1224] {strides = array<i32>} : memref<8x16x768xf32, #tpu.memory_space<vmem>>, vector<16xf32>,
          tpu.vector_store %arg12[%parallel_loop3A_1222, %parallel_loop3A_1223, %parallel_loop3A_1224], %parallel_loop3A_1220 {strides = array<i32>} : memref<8x16x768xf32, #tpu.memory_space<vmem>>, vector<16xf32>,
        } {sc.loop_unroll_factor = 8 : i64, sc.parallel_access}
      } {sc.loop_unroll_factor = 1 : i64, sc.parallel_access}
      %dma_start3A_305 = arith.constant 0 : i32
      %dma_start3A_306 = arith.constant 0 : i32
      %dma_start3A_307 = arith.constant 0 : i32
      %dma_start3A_308 = tpu.memref_slice %arg12[%dma_start3A_305, %dma_start3A_306, %dma_start3A_307] : memref<8x16x768xf32, #tpu.memory_space<vmem>> -> memref<1x16x768xf32, #tpu.memory_space<vmem>>
      %dma_start3A_309 = tpu.memref_squeeze %dma_start3A_308 : memref<1x16x768xf32, #tpu.memory_space<vmem>> -> memref<16x768xf32, #tpu.memory_space<vmem>>
      %dma_start3A_310 = arith.constant 0 : i32
      %dma_start3A_311 = tpu.memref_slice %arg7[%add3A_216, %mul3A_2, %dma_start3A_310] : memref<128x512x768xf32, #tpu.memory_space<hbm>> -> memref<1x16x768xf32, #tpu.memory_space<hbm>>
      %dma_start3A_312 = tpu.memref_squeeze %dma_start3A_311 : memref<1x16x768xf32, #tpu.memory_space<hbm>> -> memref<16x768xf32, #tpu.memory_space<hbm>>
      %dma_start3A_313 = arith.constant 0 : i32
      %dma_start3A_314 = tpu.memref_slice %arg7[%add3A_216, %mul3A_2, %dma_start3A_313] : memref<128x512x768xf32, #tpu.memory_space<hbm>> -> memref<1x16x768xf32, #tpu.memory_space<hbm>>
      %dma_start3A_315 = tpu.memref_squeeze %dma_start3A_314 : memref<1x16x768xf32, #tpu.memory_space<hbm>> -> memref<16x768xf32, #tpu.memory_space<hbm>>
      %dma_start3A_316 = arith.constant 0 : i32
      %dma_start3A_317 = arith.constant 0 : i32
      %dma_start3A_318 = tpu.memref_slice %arg12[%dma_start3A_305, %dma_start3A_316, %dma_start3A_317] : memref<8x16x768xf32, #tpu.memory_space<vmem>> -> memref<1x16x768xf32, #tpu.memory_space<vmem>>
      %dma_start3A_319 = tpu.memref_squeeze %dma_start3A_318 : memref<1x16x768xf32, #tpu.memory_space<vmem>> -> memref<16x768xf32, #tpu.memory_space<vmem>>
      tpu.enqueue_dma source(%dma_start3A_319 : memref<16x768xf32, #tpu.memory_space<vmem>>) target(%dma_start3A_315 : memref<16x768xf32, #tpu.memory_space<hbm>>) target_semaphore(%arg21 : memref<!tpu.dma_semaphore, #tpu.memory_space<semaphore_mem>>)
      %add3A_320 = arith.constant 6 : i32
      %add3A_321 = arith.addi %add3A_216, %add3A_320 : i32
      %lt3A_322 = arith.constant 128 : i32
      %lt3A_323 = arith.cmpi slt, %add3A_321, %lt3A_322 : i32
      %convert_element_type3A = arith.extui %lt3A_323 : i1 to i32
      %cond3A = arith.constant 0 : i32
      %cond3A_324 = arith.cmpi ne, %convert_element_type3A, %cond3A : i32
      scf.if %cond3A_324 {
        %ge3A = arith.constant 8 : i32
        %ge3A_1193 = arith.cmpi sge, %add3A_321, %ge3A : i32
        %convert_element_type3A_1194 = arith.extui %ge3A_1193 : i1 to i32
        %cond3A_1195 = arith.constant 0 : i32
        %cond3A_1196 = arith.cmpi ne, %convert_element_type3A_1194, %cond3A_1195 : i32
        scf.if %cond3A_1196 {
          %dma_wait3A_1249 = arith.constant 6 : i32
          %dma_wait3A_1250 = arith.constant 0 : i32
          %dma_wait3A_1251 = arith.constant 0 : i32
          %dma_wait3A_1252 = arith.constant 0 : i32
          %dma_wait3A_1253 = tpu.memref_slice %arg12[%dma_wait3A_1249, %dma_wait3A_1251, %dma_wait3A_1252] : memref<8x16x768xf32, #tpu.memory_space<vmem>> -> memref<1x16x768xf32, #tpu.memory_space<vmem>>
          %dma_wait3A_1254 = tpu.memref_squeeze %dma_wait3A_1253 : memref<1x16x768xf32, #tpu.memory_space<vmem>> -> memref<16x768xf32, #tpu.memory_space<vmem>>
          %dma_wait3A_1255 = arith.constant 0 : i32
          %dma_wait3A_1256 = tpu.memref_slice %arg7[%dma_wait3A_1250, %mul3A_2, %dma_wait3A_1255] : memref<128x512x768xf32, #tpu.memory_space<hbm>> -> memref<1x16x768xf32, #tpu.memory_space<hbm>>
          %dma_wait3A_1257 = tpu.memref_squeeze %dma_wait3A_1256 : memref<1x16x768xf32, #tpu.memory_space<hbm>> -> memref<16x768xf32, #tpu.memory_space<hbm>>
          %dma_wait3A_1258 = arith.constant 0 : i32
          %dma_wait3A_1259 = tpu.memref_slice %arg7[%dma_wait3A_1250, %mul3A_2, %dma_wait3A_1258] : memref<128x512x768xf32, #tpu.memory_space<hbm>> -> memref<1x16x768xf32, #tpu.memory_space<hbm>>
          %dma_wait3A_1260 = tpu.memref_squeeze %dma_wait3A_1259 : memref<1x16x768xf32, #tpu.memory_space<hbm>> -> memref<16x768xf32, #tpu.memory_space<hbm>>
          %dma_wait3A_1261 = arith.constant 0 : i32
          %dma_wait3A_1262 = arith.constant 0 : i32
          %dma_wait3A_1263 = tpu.memref_slice %arg12[%dma_wait3A_1249, %dma_wait3A_1261, %dma_wait3A_1262] : memref<8x16x768xf32, #tpu.memory_space<vmem>> -> memref<1x16x768xf32, #tpu.memory_space<vmem>>
          %dma_wait3A_1264 = tpu.memref_squeeze %dma_wait3A_1263 : memref<1x16x768xf32, #tpu.memory_space<vmem>> -> memref<16x768xf32, #tpu.memory_space<vmem>>
          tpu.wait_dma2 semaphore(%arg27 : memref<!tpu.dma_semaphore, #tpu.memory_space<semaphore_mem>>) src(%dma_wait3A_1264 : memref<16x768xf32, #tpu.memory_space<vmem>>) dst(%dma_wait3A_1260 : memref<16x768xf32, #tpu.memory_space<hbm>>)
        } else {
        }
        %jit3A_1197 = arith.constant 8 : i32
        %div3A_1198 = arith.divsi %add3A_321, %jit3A_1197 : i32
        %sign3A_1199 = arith.constant 0 : i32
        %sign3A_1200 = arith.cmpi sgt, %add3A_321, %sign3A_1199 : i32
        %sign3A_1201 = arith.extui %sign3A_1200 : i1 to i32
        %sign3A_1202 = arith.constant 0 : i32
        %sign3A_1203 = arith.cmpi slt, %add3A_321, %sign3A_1202 : i32
        %sign3A_1204 = arith.extui %sign3A_1203 : i1 to i32
        %sign3A_1205 = arith.subi %sign3A_1201, %sign3A_1204 : i32
        %sign3A_1206 = arith.constant 0 : i32
        %sign3A_1207 = arith.cmpi sgt, %jit3A_1197, %sign3A_1206 : i32
        %sign3A_1208 = arith.extui %sign3A_1207 : i1 to i32
        %sign3A_1209 = arith.constant 0 : i32
        %sign3A_1210 = arith.cmpi slt, %jit3A_1197, %sign3A_1209 : i32
        %sign3A_1211 = arith.extui %sign3A_1210 : i1 to i32
        %sign3A_1212 = arith.subi %sign3A_1208, %sign3A_1211 : i32
        %ne3A_1213 = arith.cmpi ne, %sign3A_1205, %sign3A_1212 : i32
        %rem3A_1214 = arith.remsi %add3A_321, %jit3A_1197 : i32
        %ne3A_1215 = arith.constant 0 : i32
        %ne3A_1216 = arith.cmpi ne, %rem3A_1214, %ne3A_1215 : i32
        %and3A_1217 = arith.andi %ne3A_1213, %ne3A_1216 : i1
        %sub3A_1218 = arith.constant 1 : i32
        %sub3A_1219 = arith.subi %div3A_1198, %sub3A_1218 : i32
        %select_n3A_1220 = arith.select %and3A_1217, %sub3A_1219, %div3A_1198 : i32
        %jit3A_1221 = arith.constant 8 : i32
        %eq3A_1222 = arith.constant 0 : i32
        %eq3A_1223 = arith.cmpi eq, %jit3A_1221, %eq3A_1222 : i32
        %jit3A_1224 = arith.constant 1 : i32
        %select_n3A_1225 = arith.select %eq3A_1223, %jit3A_1224, %jit3A_1221 : i32
        %rem3A_1226 = arith.remsi %add3A_321, %select_n3A_1225 : i32
        %ne3A_1227 = arith.constant 0 : i32
        %ne3A_1228 = arith.cmpi ne, %rem3A_1226, %ne3A_1227 : i32
        %lt3A_1229 = arith.constant 0 : i32
        %lt3A_1230 = arith.cmpi slt, %rem3A_1226, %lt3A_1229 : i32
        %lt3A_1231 = arith.constant 0 : i32
        %lt3A_1232 = arith.cmpi slt, %select_n3A_1225, %lt3A_1231 : i32
        %ne3A_1233 = arith.xori %lt3A_1230, %lt3A_1232 : i1
        %and3A_1234 = arith.andi %ne3A_1233, %ne3A_1228 : i1
        %add3A_1235 = arith.addi %rem3A_1226, %select_n3A_1225 : i32
        %select_n3A_1236 = arith.select %and3A_1234, %add3A_1235, %rem3A_1226 : i32
        %mul3A_1237 = arith.constant 16 : i32
        %mul3A_1238 = arith.muli %select_n3A_1236, %mul3A_1237 : i32
        %dma_start3A_1239 = arith.constant 6 : i32
        %dma_start3A_1240 = arith.constant 0 : i32
        %dma_start3A_1241 = arith.constant 0 : i32
        %dma_start3A_1242 = tpu.memref_slice %arg12[%dma_start3A_1239, %dma_start3A_1240, %dma_start3A_1241] : memref<8x16x768xf32, #tpu.memory_space<vmem>> -> memref<1x16x768xf32, #tpu.memory_space<vmem>>
        %dma_start3A_1243 = tpu.memref_squeeze %dma_start3A_1242 : memref<1x16x768xf32, #tpu.memory_space<vmem>> -> memref<16x768xf32, #tpu.memory_space<vmem>>
        %dma_start3A_1244 = tpu.memref_slice %arg8[%select_n3A_1220, %mul3A_1238] : memref<16x128xi32, #tpu.memory_space<vmem>> -> memref<1x16xi32, #tpu.memory_space<vmem>>
        %dma_start3A_1245 = tpu.memref_squeeze %dma_start3A_1244 : memref<1x16xi32, #tpu.memory_space<vmem>> -> memref<16xi32, #tpu.memory_space<vmem>>
        %dma_start3A_1246 = arith.constant 0 : i32
        %dma_start3A_1247 = arith.constant 0 : i32
        %dma_start3A_1248 = tpu.memref_slice %arg4[%dma_start3A_1246, %dma_start3A_1247] : memref<100000x768xf32, #tpu.memory_space<hbm>> -> memref<100000x768xf32, #tpu.memory_space<hbm>>
        tpu.enqueue_indirect_dma source(%dma_start3A_1248 : memref<100000x768xf32, #tpu.memory_space<hbm>>) target(%dma_start3A_1243 : memref<16x768xf32, #tpu.memory_space<vmem>>) offsets(%dma_start3A_1245 : memref<16xi32, #tpu.memory_space<vmem>>) semaphore(%arg19 : memref<!tpu.dma_semaphore, #tpu.memory_space<semaphore_mem>>)
      } else {
      }
      %add3A_325 = arith.constant 1 : i32
      %add3A_326 = arith.addi %add3A_214, %add3A_325 : i32
      %jit3A_327 = arith.constant 8 : i32
      %div3A_328 = arith.divsi %add3A_326, %jit3A_327 : i32
      %sign3A_329 = arith.constant 0 : i32
      %sign3A_330 = arith.cmpi sgt, %add3A_326, %sign3A_329 : i32
      %sign3A_331 = arith.extui %sign3A_330 : i1 to i32
      %sign3A_332 = arith.constant 0 : i32
      %sign3A_333 = arith.cmpi slt, %add3A_326, %sign3A_332 : i32
      %sign3A_334 = arith.extui %sign3A_333 : i1 to i32
      %sign3A_335 = arith.subi %sign3A_331, %sign3A_334 : i32
      %sign3A_336 = arith.constant 0 : i32
      %sign3A_337 = arith.cmpi sgt, %jit3A_327, %sign3A_336 : i32
      %sign3A_338 = arith.extui %sign3A_337 : i1 to i32
      %sign3A_339 = arith.constant 0 : i32
      %sign3A_340 = arith.cmpi slt, %jit3A_327, %sign3A_339 : i32
      %sign3A_341 = arith.extui %sign3A_340 : i1 to i32
      %sign3A_342 = arith.subi %sign3A_338, %sign3A_341 : i32
      %ne3A_343 = arith.cmpi ne, %sign3A_335, %sign3A_342 : i32
      %rem3A_344 = arith.remsi %add3A_326, %jit3A_327 : i32
      %ne3A_345 = arith.constant 0 : i32
      %ne3A_346 = arith.cmpi ne, %rem3A_344, %ne3A_345 : i32
      %and3A_347 = arith.andi %ne3A_343, %ne3A_346 : i1
      %sub3A_348 = arith.constant 1 : i32
      %sub3A_349 = arith.subi %div3A_328, %sub3A_348 : i32
      %select_n3A_350 = arith.select %and3A_347, %sub3A_349, %div3A_328 : i32
      %jit3A_351 = arith.constant 8 : i32
      %eq3A_352 = arith.constant 0 : i32
      %eq3A_353 = arith.cmpi eq, %jit3A_351, %eq3A_352 : i32
      %jit3A_354 = arith.constant 1 : i32
      %select_n3A_355 = arith.select %eq3A_353, %jit3A_354, %jit3A_351 : i32
      %rem3A_356 = arith.remsi %add3A_326, %select_n3A_355 : i32
      %ne3A_357 = arith.constant 0 : i32
      %ne3A_358 = arith.cmpi ne, %rem3A_356, %ne3A_357 : i32
      %lt3A_359 = arith.constant 0 : i32
      %lt3A_360 = arith.cmpi slt, %rem3A_356, %lt3A_359 : i32
      %lt3A_361 = arith.constant 0 : i32
      %lt3A_362 = arith.cmpi slt, %select_n3A_355, %lt3A_361 : i32
      %ne3A_363 = arith.xori %lt3A_360, %lt3A_362 : i1
      %and3A_364 = arith.andi %ne3A_363, %ne3A_358 : i1
      %add3A_365 = arith.addi %rem3A_356, %select_n3A_355 : i32
      %select_n3A_366 = arith.select %and3A_364, %add3A_365, %rem3A_356 : i32
      %mul3A_367 = arith.constant 16 : i32
      %mul3A_368 = arith.muli %select_n3A_366, %mul3A_367 : i32
      %dma_wait3A_369 = arith.constant 1 : i32
      %dma_wait3A_370 = arith.constant 0 : i32
      %dma_wait3A_371 = arith.constant 0 : i32
      %dma_wait3A_372 = tpu.memref_slice %arg12[%dma_wait3A_369, %dma_wait3A_370, %dma_wait3A_371] : memref<8x16x768xf32, #tpu.memory_space<vmem>> -> memref<1x16x768xf32, #tpu.memory_space<vmem>>
      %dma_wait3A_373 = tpu.memref_squeeze %dma_wait3A_372 : memref<1x16x768xf32, #tpu.memory_space<vmem>> -> memref<16x768xf32, #tpu.memory_space<vmem>>
      %dma_wait3A_374 = tpu.memref_slice %arg8[%select_n3A_350, %mul3A_368] : memref<16x128xi32, #tpu.memory_space<vmem>> -> memref<1x16xi32, #tpu.memory_space<vmem>>
      %dma_wait3A_375 = tpu.memref_squeeze %dma_wait3A_374 : memref<1x16xi32, #tpu.memory_space<vmem>> -> memref<16xi32, #tpu.memory_space<vmem>>
      %dma_wait3A_376 = arith.constant 0 : i32
      %dma_wait3A_377 = arith.constant 0 : i32
      %dma_wait3A_378 = tpu.memref_slice %arg4[%dma_wait3A_376, %dma_wait3A_377] : memref<100000x768xf32, #tpu.memory_space<hbm>> -> memref<100000x768xf32, #tpu.memory_space<hbm>>
      tpu.wait_indirect_dma semaphore(%arg14 : memref<!tpu.dma_semaphore, #tpu.memory_space<semaphore_mem>>) src(%dma_wait3A_378 : memref<100000x768xf32, #tpu.memory_space<hbm>>) dst(%dma_wait3A_373 : memref<16x768xf32, #tpu.memory_space<vmem>>)
      %jit3A_379 = arith.constant 8 : i32
      %div3A_380 = arith.divsi %add3A_326, %jit3A_379 : i32
      %sign3A_381 = arith.constant 0 : i32
      %sign3A_382 = arith.cmpi sgt, %add3A_326, %sign3A_381 : i32
      %sign3A_383 = arith.extui %sign3A_382 : i1 to i32
      %sign3A_384 = arith.constant 0 : i32
      %sign3A_385 = arith.cmpi slt, %add3A_326, %sign3A_384 : i32
      %sign3A_386 = arith.extui %sign3A_385 : i1 to i32
      %sign3A_387 = arith.subi %sign3A_383, %sign3A_386 : i32
      %sign3A_388 = arith.constant 0 : i32
      %sign3A_389 = arith.cmpi sgt, %jit3A_379, %sign3A_388 : i32
      %sign3A_390 = arith.extui %sign3A_389 : i1 to i32
      %sign3A_391 = arith.constant 0 : i32
      %sign3A_392 = arith.cmpi slt, %jit3A_379, %sign3A_391 : i32
      %sign3A_393 = arith.extui %sign3A_392 : i1 to i32
      %sign3A_394 = arith.subi %sign3A_390, %sign3A_393 : i32
      %ne3A_395 = arith.cmpi ne, %sign3A_387, %sign3A_394 : i32
      %rem3A_396 = arith.remsi %add3A_326, %jit3A_379 : i32
      %ne3A_397 = arith.constant 0 : i32
      %ne3A_398 = arith.cmpi ne, %rem3A_396, %ne3A_397 : i32
      %and3A_399 = arith.andi %ne3A_395, %ne3A_398 : i1
      %sub3A_400 = arith.constant 1 : i32
      %sub3A_401 = arith.subi %div3A_380, %sub3A_400 : i32
      %select_n3A_402 = arith.select %and3A_399, %sub3A_401, %div3A_380 : i32
      %jit3A_403 = arith.constant 8 : i32
      %eq3A_404 = arith.constant 0 : i32
      %eq3A_405 = arith.cmpi eq, %jit3A_403, %eq3A_404 : i32
      %jit3A_406 = arith.constant 1 : i32
      %select_n3A_407 = arith.select %eq3A_405, %jit3A_406, %jit3A_403 : i32
      %rem3A_408 = arith.remsi %add3A_326, %select_n3A_407 : i32
      %ne3A_409 = arith.constant 0 : i32
      %ne3A_410 = arith.cmpi ne, %rem3A_408, %ne3A_409 : i32
      %lt3A_411 = arith.constant 0 : i32
      %lt3A_412 = arith.cmpi slt, %rem3A_408, %lt3A_411 : i32
      %lt3A_413 = arith.constant 0 : i32
      %lt3A_414 = arith.cmpi slt, %select_n3A_407, %lt3A_413 : i32
      %ne3A_415 = arith.xori %lt3A_412, %lt3A_414 : i1
      %and3A_416 = arith.andi %ne3A_415, %ne3A_410 : i1
      %add3A_417 = arith.addi %rem3A_408, %select_n3A_407 : i32
      %select_n3A_418 = arith.select %and3A_416, %add3A_417, %rem3A_408 : i32
      %mul3A_419 = arith.constant 16 : i32
      %mul3A_420 = arith.muli %select_n3A_418, %mul3A_419 : i32
      %get3A_421 = arith.index_cast %select_n3A_402 : i32 to index
      %get3A_422 = arith.index_cast %mul3A_420 : i32 to index
      %get3A_423 = tpu.vector_load %arg9[%get3A_421, %get3A_422] {strides = array<i32>} : memref<16x128xi32, #tpu.memory_space<vmem>>, vector<16xi32>,
      %parallel_loop3A_424 = arith.constant 0 : i32
      %parallel_loop3A_425 = arith.constant 16 : i32
      %parallel_loop3A_426 = arith.constant 1 : i32
      scf.for %parallel_loop3A_1193 = %parallel_loop3A_424 to %parallel_loop3A_425 step %parallel_loop3A_426  : i32 {
        %parallel_loop3A_1194 = vector.broadcast %parallel_loop3A_1193 : i32 to vector<16xi32>
        %parallel_loop3A_1195 = arith.cmpi eq, %iota3A, %parallel_loop3A_1194 : vector<16xi32>
        %parallel_loop3A_1196 = arith.constant 0 : i32
        %parallel_loop3A_1197 = vector.broadcast %parallel_loop3A_1196 : i32 to vector<16xi32>
        %parallel_loop3A_1198 = arith.select %parallel_loop3A_1195, %get3A_423, %parallel_loop3A_1197 : vector<16xi1>, vector<16xi32>
        %parallel_loop3A_1199 = arith.constant true
        %parallel_loop3A_1200 = vector.broadcast %parallel_loop3A_1199 : i1 to vector<16xi1>
        %parallel_loop3A_1201 = tpu.scan <sum>, %parallel_loop3A_1198 masked %parallel_loop3A_1200 : vector<16xi32>, vector<16xi1> -> vector<16xi32>
        %parallel_loop3A_1202 = vector.extract %parallel_loop3A_1201[15] : i32 from vector<16xi32>
        %parallel_loop3A_1203 = arith.constant 16 : i32
        %parallel_loop3A_1204 = arith.muli %parallel_loop3A_1202, %parallel_loop3A_1203 : i32
        %parallel_loop3A_1205 = arith.addi %parallel_loop3A_1204, %parallel_loop3A_1193 : i32
        %parallel_loop3A_1206 = arith.constant 0 : i32
        %parallel_loop3A_1207 = arith.constant 48 : i32
        %parallel_loop3A_1208 = arith.constant 1 : i32
        scf.for %parallel_loop3A_1209 = %parallel_loop3A_1206 to %parallel_loop3A_1207 step %parallel_loop3A_1208  : i32 {
          %parallel_loop3A_1210 = arith.constant 16 : i32
          %parallel_loop3A_1211 = arith.muli %parallel_loop3A_1209, %parallel_loop3A_1210 : i32
          %parallel_loop3A_1212 = arith.constant 1 : i32
          %parallel_loop3A_1213 = arith.index_cast %parallel_loop3A_1212 : i32 to index
          %parallel_loop3A_1214 = arith.index_cast %parallel_loop3A_1193 : i32 to index
          %parallel_loop3A_1215 = arith.index_cast %parallel_loop3A_1211 : i32 to index
          %parallel_loop3A_1216 = tpu.vector_load %arg12[%parallel_loop3A_1213, %parallel_loop3A_1214, %parallel_loop3A_1215] {strides = array<i32>} : memref<8x16x768xf32, #tpu.memory_space<vmem>>, vector<16xf32>,
          %parallel_loop3A_1217 = arith.index_cast %parallel_loop3A_1205 : i32 to index
          %parallel_loop3A_1218 = arith.index_cast %parallel_loop3A_1211 : i32 to index
          %parallel_loop3A_1219 = tpu.vector_load %arg10[%parallel_loop3A_1217, %parallel_loop3A_1218] {strides = array<i32>} : memref<32x768xf32, #tpu.memory_space<vmem>>, vector<16xf32>,
          %parallel_loop3A_1220 = arith.addf %parallel_loop3A_1216, %parallel_loop3A_1219 : vector<16xf32>
          %parallel_loop3A_1221 = arith.constant 1 : i32
          %parallel_loop3A_1222 = arith.index_cast %parallel_loop3A_1221 : i32 to index
          %parallel_loop3A_1223 = arith.index_cast %parallel_loop3A_1193 : i32 to index
          %parallel_loop3A_1224 = arith.index_cast %parallel_loop3A_1211 : i32 to index
          %parallel_loop3A_1225 = tpu.vector_load %arg12[%parallel_loop3A_1222, %parallel_loop3A_1223, %parallel_loop3A_1224] {strides = array<i32>} : memref<8x16x768xf32, #tpu.memory_space<vmem>>, vector<16xf32>,
          tpu.vector_store %arg12[%parallel_loop3A_1222, %parallel_loop3A_1223, %parallel_loop3A_1224], %parallel_loop3A_1220 {strides = array<i32>} : memref<8x16x768xf32, #tpu.memory_space<vmem>>, vector<16xf32>,
        } {sc.loop_unroll_factor = 8 : i64, sc.parallel_access}
      } {sc.loop_unroll_factor = 1 : i64, sc.parallel_access}
      %dma_start3A_427 = arith.constant 1 : i32
      %dma_start3A_428 = arith.constant 0 : i32
      %dma_start3A_429 = arith.constant 0 : i32
      %dma_start3A_430 = tpu.memref_slice %arg12[%dma_start3A_427, %dma_start3A_428, %dma_start3A_429] : memref<8x16x768xf32, #tpu.memory_space<vmem>> -> memref<1x16x768xf32, #tpu.memory_space<vmem>>
      %dma_start3A_431 = tpu.memref_squeeze %dma_start3A_430 : memref<1x16x768xf32, #tpu.memory_space<vmem>> -> memref<16x768xf32, #tpu.memory_space<vmem>>
      %dma_start3A_432 = arith.constant 0 : i32
      %dma_start3A_433 = tpu.memref_slice %arg7[%add3A_326, %mul3A_2, %dma_start3A_432] : memref<128x512x768xf32, #tpu.memory_space<hbm>> -> memref<1x16x768xf32, #tpu.memory_space<hbm>>
      %dma_start3A_434 = tpu.memref_squeeze %dma_start3A_433 : memref<1x16x768xf32, #tpu.memory_space<hbm>> -> memref<16x768xf32, #tpu.memory_space<hbm>>
      %dma_start3A_435 = arith.constant 0 : i32
      %dma_start3A_436 = tpu.memref_slice %arg7[%add3A_326, %mul3A_2, %dma_start3A_435] : memref<128x512x768xf32, #tpu.memory_space<hbm>> -> memref<1x16x768xf32, #tpu.memory_space<hbm>>
      %dma_start3A_437 = tpu.memref_squeeze %dma_start3A_436 : memref<1x16x768xf32, #tpu.memory_space<hbm>> -> memref<16x768xf32, #tpu.memory_space<hbm>>
      %dma_start3A_438 = arith.constant 0 : i32
      %dma_start3A_439 = arith.constant 0 : i32
      %dma_start3A_440 = tpu.memref_slice %arg12[%dma_start3A_427, %dma_start3A_438, %dma_start3A_439] : memref<8x16x768xf32, #tpu.memory_space<vmem>> -> memref<1x16x768xf32, #tpu.memory_space<vmem>>
      %dma_start3A_441 = tpu.memref_squeeze %dma_start3A_440 : memref<1x16x768xf32, #tpu.memory_space<vmem>> -> memref<16x768xf32, #tpu.memory_space<vmem>>
      tpu.enqueue_dma source(%dma_start3A_441 : memref<16x768xf32, #tpu.memory_space<vmem>>) target(%dma_start3A_437 : memref<16x768xf32, #tpu.memory_space<hbm>>) target_semaphore(%arg22 : memref<!tpu.dma_semaphore, #tpu.memory_space<semaphore_mem>>)
      %add3A_442 = arith.constant 6 : i32
      %add3A_443 = arith.addi %add3A_326, %add3A_442 : i32
      %lt3A_444 = arith.constant 128 : i32
      %lt3A_445 = arith.cmpi slt, %add3A_443, %lt3A_444 : i32
      %convert_element_type3A_446 = arith.extui %lt3A_445 : i1 to i32
      %cond3A_447 = arith.constant 0 : i32
      %cond3A_448 = arith.cmpi ne, %convert_element_type3A_446, %cond3A_447 : i32
      scf.if %cond3A_448 {
        %ge3A = arith.constant 8 : i32
        %ge3A_1193 = arith.cmpi sge, %add3A_443, %ge3A : i32
        %convert_element_type3A_1194 = arith.extui %ge3A_1193 : i1 to i32
        %cond3A_1195 = arith.constant 0 : i32
        %cond3A_1196 = arith.cmpi ne, %convert_element_type3A_1194, %cond3A_1195 : i32
        scf.if %cond3A_1196 {
          %dma_wait3A_1249 = arith.constant 7 : i32
          %dma_wait3A_1250 = arith.constant 0 : i32
          %dma_wait3A_1251 = arith.constant 0 : i32
          %dma_wait3A_1252 = arith.constant 0 : i32
          %dma_wait3A_1253 = tpu.memref_slice %arg12[%dma_wait3A_1249, %dma_wait3A_1251, %dma_wait3A_1252] : memref<8x16x768xf32, #tpu.memory_space<vmem>> -> memref<1x16x768xf32, #tpu.memory_space<vmem>>
          %dma_wait3A_1254 = tpu.memref_squeeze %dma_wait3A_1253 : memref<1x16x768xf32, #tpu.memory_space<vmem>> -> memref<16x768xf32, #tpu.memory_space<vmem>>
          %dma_wait3A_1255 = arith.constant 0 : i32
          %dma_wait3A_1256 = tpu.memref_slice %arg7[%dma_wait3A_1250, %mul3A_2, %dma_wait3A_1255] : memref<128x512x768xf32, #tpu.memory_space<hbm>> -> memref<1x16x768xf32, #tpu.memory_space<hbm>>
          %dma_wait3A_1257 = tpu.memref_squeeze %dma_wait3A_1256 : memref<1x16x768xf32, #tpu.memory_space<hbm>> -> memref<16x768xf32, #tpu.memory_space<hbm>>
          %dma_wait3A_1258 = arith.constant 0 : i32
          %dma_wait3A_1259 = tpu.memref_slice %arg7[%dma_wait3A_1250, %mul3A_2, %dma_wait3A_1258] : memref<128x512x768xf32, #tpu.memory_space<hbm>> -> memref<1x16x768xf32, #tpu.memory_space<hbm>>
          %dma_wait3A_1260 = tpu.memref_squeeze %dma_wait3A_1259 : memref<1x16x768xf32, #tpu.memory_space<hbm>> -> memref<16x768xf32, #tpu.memory_space<hbm>>
          %dma_wait3A_1261 = arith.constant 0 : i32
          %dma_wait3A_1262 = arith.constant 0 : i32
          %dma_wait3A_1263 = tpu.memref_slice %arg12[%dma_wait3A_1249, %dma_wait3A_1261, %dma_wait3A_1262] : memref<8x16x768xf32, #tpu.memory_space<vmem>> -> memref<1x16x768xf32, #tpu.memory_space<vmem>>
          %dma_wait3A_1264 = tpu.memref_squeeze %dma_wait3A_1263 : memref<1x16x768xf32, #tpu.memory_space<vmem>> -> memref<16x768xf32, #tpu.memory_space<vmem>>
          tpu.wait_dma2 semaphore(%arg28 : memref<!tpu.dma_semaphore, #tpu.memory_space<semaphore_mem>>) src(%dma_wait3A_1264 : memref<16x768xf32, #tpu.memory_space<vmem>>) dst(%dma_wait3A_1260 : memref<16x768xf32, #tpu.memory_space<hbm>>)
        } else {
        }
        %jit3A_1197 = arith.constant 8 : i32
        %div3A_1198 = arith.divsi %add3A_443, %jit3A_1197 : i32
        %sign3A_1199 = arith.constant 0 : i32
        %sign3A_1200 = arith.cmpi sgt, %add3A_443, %sign3A_1199 : i32
        %sign3A_1201 = arith.extui %sign3A_1200 : i1 to i32
        %sign3A_1202 = arith.constant 0 : i32
        %sign3A_1203 = arith.cmpi slt, %add3A_443, %sign3A_1202 : i32
        %sign3A_1204 = arith.extui %sign3A_1203 : i1 to i32
        %sign3A_1205 = arith.subi %sign3A_1201, %sign3A_1204 : i32
        %sign3A_1206 = arith.constant 0 : i32
        %sign3A_1207 = arith.cmpi sgt, %jit3A_1197, %sign3A_1206 : i32
        %sign3A_1208 = arith.extui %sign3A_1207 : i1 to i32
        %sign3A_1209 = arith.constant 0 : i32
        %sign3A_1210 = arith.cmpi slt, %jit3A_1197, %sign3A_1209 : i32
        %sign3A_1211 = arith.extui %sign3A_1210 : i1 to i32
        %sign3A_1212 = arith.subi %sign3A_1208, %sign3A_1211 : i32
        %ne3A_1213 = arith.cmpi ne, %sign3A_1205, %sign3A_1212 : i32
        %rem3A_1214 = arith.remsi %add3A_443, %jit3A_1197 : i32
        %ne3A_1215 = arith.constant 0 : i32
        %ne3A_1216 = arith.cmpi ne, %rem3A_1214, %ne3A_1215 : i32
        %and3A_1217 = arith.andi %ne3A_1213, %ne3A_1216 : i1
        %sub3A_1218 = arith.constant 1 : i32
        %sub3A_1219 = arith.subi %div3A_1198, %sub3A_1218 : i32
        %select_n3A_1220 = arith.select %and3A_1217, %sub3A_1219, %div3A_1198 : i32
        %jit3A_1221 = arith.constant 8 : i32
        %eq3A_1222 = arith.constant 0 : i32
        %eq3A_1223 = arith.cmpi eq, %jit3A_1221, %eq3A_1222 : i32
        %jit3A_1224 = arith.constant 1 : i32
        %select_n3A_1225 = arith.select %eq3A_1223, %jit3A_1224, %jit3A_1221 : i32
        %rem3A_1226 = arith.remsi %add3A_443, %select_n3A_1225 : i32
        %ne3A_1227 = arith.constant 0 : i32
        %ne3A_1228 = arith.cmpi ne, %rem3A_1226, %ne3A_1227 : i32
        %lt3A_1229 = arith.constant 0 : i32
        %lt3A_1230 = arith.cmpi slt, %rem3A_1226, %lt3A_1229 : i32
        %lt3A_1231 = arith.constant 0 : i32
        %lt3A_1232 = arith.cmpi slt, %select_n3A_1225, %lt3A_1231 : i32
        %ne3A_1233 = arith.xori %lt3A_1230, %lt3A_1232 : i1
        %and3A_1234 = arith.andi %ne3A_1233, %ne3A_1228 : i1
        %add3A_1235 = arith.addi %rem3A_1226, %select_n3A_1225 : i32
        %select_n3A_1236 = arith.select %and3A_1234, %add3A_1235, %rem3A_1226 : i32
        %mul3A_1237 = arith.constant 16 : i32
        %mul3A_1238 = arith.muli %select_n3A_1236, %mul3A_1237 : i32
        %dma_start3A_1239 = arith.constant 7 : i32
        %dma_start3A_1240 = arith.constant 0 : i32
        %dma_start3A_1241 = arith.constant 0 : i32
        %dma_start3A_1242 = tpu.memref_slice %arg12[%dma_start3A_1239, %dma_start3A_1240, %dma_start3A_1241] : memref<8x16x768xf32, #tpu.memory_space<vmem>> -> memref<1x16x768xf32, #tpu.memory_space<vmem>>
        %dma_start3A_1243 = tpu.memref_squeeze %dma_start3A_1242 : memref<1x16x768xf32, #tpu.memory_space<vmem>> -> memref<16x768xf32, #tpu.memory_space<vmem>>
        %dma_start3A_1244 = tpu.memref_slice %arg8[%select_n3A_1220, %mul3A_1238] : memref<16x128xi32, #tpu.memory_space<vmem>> -> memref<1x16xi32, #tpu.memory_space<vmem>>
        %dma_start3A_1245 = tpu.memref_squeeze %dma_start3A_1244 : memref<1x16xi32, #tpu.memory_space<vmem>> -> memref<16xi32, #tpu.memory_space<vmem>>
        %dma_start3A_1246 = arith.constant 0 : i32
        %dma_start3A_1247 = arith.constant 0 : i32
        %dma_start3A_1248 = tpu.memref_slice %arg4[%dma_start3A_1246, %dma_start3A_1247] : memref<100000x768xf32, #tpu.memory_space<hbm>> -> memref<100000x768xf32, #tpu.memory_space<hbm>>
        tpu.enqueue_indirect_dma source(%dma_start3A_1248 : memref<100000x768xf32, #tpu.memory_space<hbm>>) target(%dma_start3A_1243 : memref<16x768xf32, #tpu.memory_space<vmem>>) offsets(%dma_start3A_1245 : memref<16xi32, #tpu.memory_space<vmem>>) semaphore(%arg20 : memref<!tpu.dma_semaphore, #tpu.memory_space<semaphore_mem>>)
      } else {
      }
      %add3A_449 = arith.constant 2 : i32
      %add3A_450 = arith.addi %add3A_214, %add3A_449 : i32
      %jit3A_451 = arith.constant 8 : i32
      %div3A_452 = arith.divsi %add3A_450, %jit3A_451 : i32
      %sign3A_453 = arith.constant 0 : i32
      %sign3A_454 = arith.cmpi sgt, %add3A_450, %sign3A_453 : i32
      %sign3A_455 = arith.extui %sign3A_454 : i1 to i32
      %sign3A_456 = arith.constant 0 : i32
      %sign3A_457 = arith.cmpi slt, %add3A_450, %sign3A_456 : i32
      %sign3A_458 = arith.extui %sign3A_457 : i1 to i32
      %sign3A_459 = arith.subi %sign3A_455, %sign3A_458 : i32
      %sign3A_460 = arith.constant 0 : i32
      %sign3A_461 = arith.cmpi sgt, %jit3A_451, %sign3A_460 : i32
      %sign3A_462 = arith.extui %sign3A_461 : i1 to i32
      %sign3A_463 = arith.constant 0 : i32
      %sign3A_464 = arith.cmpi slt, %jit3A_451, %sign3A_463 : i32
      %sign3A_465 = arith.extui %sign3A_464 : i1 to i32
      %sign3A_466 = arith.subi %sign3A_462, %sign3A_465 : i32
      %ne3A_467 = arith.cmpi ne, %sign3A_459, %sign3A_466 : i32
      %rem3A_468 = arith.remsi %add3A_450, %jit3A_451 : i32
      %ne3A_469 = arith.constant 0 : i32
      %ne3A_470 = arith.cmpi ne, %rem3A_468, %ne3A_469 : i32
      %and3A_471 = arith.andi %ne3A_467, %ne3A_470 : i1
      %sub3A_472 = arith.constant 1 : i32
      %sub3A_473 = arith.subi %div3A_452, %sub3A_472 : i32
      %select_n3A_474 = arith.select %and3A_471, %sub3A_473, %div3A_452 : i32
      %jit3A_475 = arith.constant 8 : i32
      %eq3A_476 = arith.constant 0 : i32
      %eq3A_477 = arith.cmpi eq, %jit3A_475, %eq3A_476 : i32
      %jit3A_478 = arith.constant 1 : i32
      %select_n3A_479 = arith.select %eq3A_477, %jit3A_478, %jit3A_475 : i32
      %rem3A_480 = arith.remsi %add3A_450, %select_n3A_479 : i32
      %ne3A_481 = arith.constant 0 : i32
      %ne3A_482 = arith.cmpi ne, %rem3A_480, %ne3A_481 : i32
      %lt3A_483 = arith.constant 0 : i32
      %lt3A_484 = arith.cmpi slt, %rem3A_480, %lt3A_483 : i32
      %lt3A_485 = arith.constant 0 : i32
      %lt3A_486 = arith.cmpi slt, %select_n3A_479, %lt3A_485 : i32
      %ne3A_487 = arith.xori %lt3A_484, %lt3A_486 : i1
      %and3A_488 = arith.andi %ne3A_487, %ne3A_482 : i1
      %add3A_489 = arith.addi %rem3A_480, %select_n3A_479 : i32
      %select_n3A_490 = arith.select %and3A_488, %add3A_489, %rem3A_480 : i32
      %mul3A_491 = arith.constant 16 : i32
      %mul3A_492 = arith.muli %select_n3A_490, %mul3A_491 : i32
      %dma_wait3A_493 = arith.constant 2 : i32
      %dma_wait3A_494 = arith.constant 0 : i32
      %dma_wait3A_495 = arith.constant 0 : i32
      %dma_wait3A_496 = tpu.memref_slice %arg12[%dma_wait3A_493, %dma_wait3A_494, %dma_wait3A_495] : memref<8x16x768xf32, #tpu.memory_space<vmem>> -> memref<1x16x768xf32, #tpu.memory_space<vmem>>
      %dma_wait3A_497 = tpu.memref_squeeze %dma_wait3A_496 : memref<1x16x768xf32, #tpu.memory_space<vmem>> -> memref<16x768xf32, #tpu.memory_space<vmem>>
      %dma_wait3A_498 = tpu.memref_slice %arg8[%select_n3A_474, %mul3A_492] : memref<16x128xi32, #tpu.memory_space<vmem>> -> memref<1x16xi32, #tpu.memory_space<vmem>>
      %dma_wait3A_499 = tpu.memref_squeeze %dma_wait3A_498 : memref<1x16xi32, #tpu.memory_space<vmem>> -> memref<16xi32, #tpu.memory_space<vmem>>
      %dma_wait3A_500 = arith.constant 0 : i32
      %dma_wait3A_501 = arith.constant 0 : i32
      %dma_wait3A_502 = tpu.memref_slice %arg4[%dma_wait3A_500, %dma_wait3A_501] : memref<100000x768xf32, #tpu.memory_space<hbm>> -> memref<100000x768xf32, #tpu.memory_space<hbm>>
      tpu.wait_indirect_dma semaphore(%arg15 : memref<!tpu.dma_semaphore, #tpu.memory_space<semaphore_mem>>) src(%dma_wait3A_502 : memref<100000x768xf32, #tpu.memory_space<hbm>>) dst(%dma_wait3A_497 : memref<16x768xf32, #tpu.memory_space<vmem>>)
      %jit3A_503 = arith.constant 8 : i32
      %div3A_504 = arith.divsi %add3A_450, %jit3A_503 : i32
      %sign3A_505 = arith.constant 0 : i32
      %sign3A_506 = arith.cmpi sgt, %add3A_450, %sign3A_505 : i32
      %sign3A_507 = arith.extui %sign3A_506 : i1 to i32
      %sign3A_508 = arith.constant 0 : i32
      %sign3A_509 = arith.cmpi slt, %add3A_450, %sign3A_508 : i32
      %sign3A_510 = arith.extui %sign3A_509 : i1 to i32
      %sign3A_511 = arith.subi %sign3A_507, %sign3A_510 : i32
      %sign3A_512 = arith.constant 0 : i32
      %sign3A_513 = arith.cmpi sgt, %jit3A_503, %sign3A_512 : i32
      %sign3A_514 = arith.extui %sign3A_513 : i1 to i32
      %sign3A_515 = arith.constant 0 : i32
      %sign3A_516 = arith.cmpi slt, %jit3A_503, %sign3A_515 : i32
      %sign3A_517 = arith.extui %sign3A_516 : i1 to i32
      %sign3A_518 = arith.subi %sign3A_514, %sign3A_517 : i32
      %ne3A_519 = arith.cmpi ne, %sign3A_511, %sign3A_518 : i32
      %rem3A_520 = arith.remsi %add3A_450, %jit3A_503 : i32
      %ne3A_521 = arith.constant 0 : i32
      %ne3A_522 = arith.cmpi ne, %rem3A_520, %ne3A_521 : i32
      %and3A_523 = arith.andi %ne3A_519, %ne3A_522 : i1
      %sub3A_524 = arith.constant 1 : i32
      %sub3A_525 = arith.subi %div3A_504, %sub3A_524 : i32
      %select_n3A_526 = arith.select %and3A_523, %sub3A_525, %div3A_504 : i32
      %jit3A_527 = arith.constant 8 : i32
      %eq3A_528 = arith.constant 0 : i32
      %eq3A_529 = arith.cmpi eq, %jit3A_527, %eq3A_528 : i32
      %jit3A_530 = arith.constant 1 : i32
      %select_n3A_531 = arith.select %eq3A_529, %jit3A_530, %jit3A_527 : i32
      %rem3A_532 = arith.remsi %add3A_450, %select_n3A_531 : i32
      %ne3A_533 = arith.constant 0 : i32
      %ne3A_534 = arith.cmpi ne, %rem3A_532, %ne3A_533 : i32
      %lt3A_535 = arith.constant 0 : i32
      %lt3A_536 = arith.cmpi slt, %rem3A_532, %lt3A_535 : i32
      %lt3A_537 = arith.constant 0 : i32
      %lt3A_538 = arith.cmpi slt, %select_n3A_531, %lt3A_537 : i32
      %ne3A_539 = arith.xori %lt3A_536, %lt3A_538 : i1
      %and3A_540 = arith.andi %ne3A_539, %ne3A_534 : i1
      %add3A_541 = arith.addi %rem3A_532, %select_n3A_531 : i32
      %select_n3A_542 = arith.select %and3A_540, %add3A_541, %rem3A_532 : i32
      %mul3A_543 = arith.constant 16 : i32
      %mul3A_544 = arith.muli %select_n3A_542, %mul3A_543 : i32
      %get3A_545 = arith.index_cast %select_n3A_526 : i32 to index
      %get3A_546 = arith.index_cast %mul3A_544 : i32 to index
      %get3A_547 = tpu.vector_load %arg9[%get3A_545, %get3A_546] {strides = array<i32>} : memref<16x128xi32, #tpu.memory_space<vmem>>, vector<16xi32>,
      %parallel_loop3A_548 = arith.constant 0 : i32
      %parallel_loop3A_549 = arith.constant 16 : i32
      %parallel_loop3A_550 = arith.constant 1 : i32
      scf.for %parallel_loop3A_1193 = %parallel_loop3A_548 to %parallel_loop3A_549 step %parallel_loop3A_550  : i32 {
        %parallel_loop3A_1194 = vector.broadcast %parallel_loop3A_1193 : i32 to vector<16xi32>
        %parallel_loop3A_1195 = arith.cmpi eq, %iota3A, %parallel_loop3A_1194 : vector<16xi32>
        %parallel_loop3A_1196 = arith.constant 0 : i32
        %parallel_loop3A_1197 = vector.broadcast %parallel_loop3A_1196 : i32 to vector<16xi32>
        %parallel_loop3A_1198 = arith.select %parallel_loop3A_1195, %get3A_547, %parallel_loop3A_1197 : vector<16xi1>, vector<16xi32>
        %parallel_loop3A_1199 = arith.constant true
        %parallel_loop3A_1200 = vector.broadcast %parallel_loop3A_1199 : i1 to vector<16xi1>
        %parallel_loop3A_1201 = tpu.scan <sum>, %parallel_loop3A_1198 masked %parallel_loop3A_1200 : vector<16xi32>, vector<16xi1> -> vector<16xi32>
        %parallel_loop3A_1202 = vector.extract %parallel_loop3A_1201[15] : i32 from vector<16xi32>
        %parallel_loop3A_1203 = arith.constant 16 : i32
        %parallel_loop3A_1204 = arith.muli %parallel_loop3A_1202, %parallel_loop3A_1203 : i32
        %parallel_loop3A_1205 = arith.addi %parallel_loop3A_1204, %parallel_loop3A_1193 : i32
        %parallel_loop3A_1206 = arith.constant 0 : i32
        %parallel_loop3A_1207 = arith.constant 48 : i32
        %parallel_loop3A_1208 = arith.constant 1 : i32
        scf.for %parallel_loop3A_1209 = %parallel_loop3A_1206 to %parallel_loop3A_1207 step %parallel_loop3A_1208  : i32 {
          %parallel_loop3A_1210 = arith.constant 16 : i32
          %parallel_loop3A_1211 = arith.muli %parallel_loop3A_1209, %parallel_loop3A_1210 : i32
          %parallel_loop3A_1212 = arith.constant 2 : i32
          %parallel_loop3A_1213 = arith.index_cast %parallel_loop3A_1212 : i32 to index
          %parallel_loop3A_1214 = arith.index_cast %parallel_loop3A_1193 : i32 to index
          %parallel_loop3A_1215 = arith.index_cast %parallel_loop3A_1211 : i32 to index
          %parallel_loop3A_1216 = tpu.vector_load %arg12[%parallel_loop3A_1213, %parallel_loop3A_1214, %parallel_loop3A_1215] {strides = array<i32>} : memref<8x16x768xf32, #tpu.memory_space<vmem>>, vector<16xf32>,
          %parallel_loop3A_1217 = arith.index_cast %parallel_loop3A_1205 : i32 to index
          %parallel_loop3A_1218 = arith.index_cast %parallel_loop3A_1211 : i32 to index
          %parallel_loop3A_1219 = tpu.vector_load %arg10[%parallel_loop3A_1217, %parallel_loop3A_1218] {strides = array<i32>} : memref<32x768xf32, #tpu.memory_space<vmem>>, vector<16xf32>,
          %parallel_loop3A_1220 = arith.addf %parallel_loop3A_1216, %parallel_loop3A_1219 : vector<16xf32>
          %parallel_loop3A_1221 = arith.constant 2 : i32
          %parallel_loop3A_1222 = arith.index_cast %parallel_loop3A_1221 : i32 to index
          %parallel_loop3A_1223 = arith.index_cast %parallel_loop3A_1193 : i32 to index
          %parallel_loop3A_1224 = arith.index_cast %parallel_loop3A_1211 : i32 to index
          %parallel_loop3A_1225 = tpu.vector_load %arg12[%parallel_loop3A_1222, %parallel_loop3A_1223, %parallel_loop3A_1224] {strides = array<i32>} : memref<8x16x768xf32, #tpu.memory_space<vmem>>, vector<16xf32>,
          tpu.vector_store %arg12[%parallel_loop3A_1222, %parallel_loop3A_1223, %parallel_loop3A_1224], %parallel_loop3A_1220 {strides = array<i32>} : memref<8x16x768xf32, #tpu.memory_space<vmem>>, vector<16xf32>,
        } {sc.loop_unroll_factor = 8 : i64, sc.parallel_access}
      } {sc.loop_unroll_factor = 1 : i64, sc.parallel_access}
      %dma_start3A_551 = arith.constant 2 : i32
      %dma_start3A_552 = arith.constant 0 : i32
      %dma_start3A_553 = arith.constant 0 : i32
      %dma_start3A_554 = tpu.memref_slice %arg12[%dma_start3A_551, %dma_start3A_552, %dma_start3A_553] : memref<8x16x768xf32, #tpu.memory_space<vmem>> -> memref<1x16x768xf32, #tpu.memory_space<vmem>>
      %dma_start3A_555 = tpu.memref_squeeze %dma_start3A_554 : memref<1x16x768xf32, #tpu.memory_space<vmem>> -> memref<16x768xf32, #tpu.memory_space<vmem>>
      %dma_start3A_556 = arith.constant 0 : i32
      %dma_start3A_557 = tpu.memref_slice %arg7[%add3A_450, %mul3A_2, %dma_start3A_556] : memref<128x512x768xf32, #tpu.memory_space<hbm>> -> memref<1x16x768xf32, #tpu.memory_space<hbm>>
      %dma_start3A_558 = tpu.memref_squeeze %dma_start3A_557 : memref<1x16x768xf32, #tpu.memory_space<hbm>> -> memref<16x768xf32, #tpu.memory_space<hbm>>
      %dma_start3A_559 = arith.constant 0 : i32
      %dma_start3A_560 = tpu.memref_slice %arg7[%add3A_450, %mul3A_2, %dma_start3A_559] : memref<128x512x768xf32, #tpu.memory_space<hbm>> -> memref<1x16x768xf32, #tpu.memory_space<hbm>>
      %dma_start3A_561 = tpu.memref_squeeze %dma_start3A_560 : memref<1x16x768xf32, #tpu.memory_space<hbm>> -> memref<16x768xf32, #tpu.memory_space<hbm>>
      %dma_start3A_562 = arith.constant 0 : i32
      %dma_start3A_563 = arith.constant 0 : i32
      %dma_start3A_564 = tpu.memref_slice %arg12[%dma_start3A_551, %dma_start3A_562, %dma_start3A_563] : memref<8x16x768xf32, #tpu.memory_space<vmem>> -> memref<1x16x768xf32, #tpu.memory_space<vmem>>
      %dma_start3A_565 = tpu.memref_squeeze %dma_start3A_564 : memref<1x16x768xf32, #tpu.memory_space<vmem>> -> memref<16x768xf32, #tpu.memory_space<vmem>>
      tpu.enqueue_dma source(%dma_start3A_565 : memref<16x768xf32, #tpu.memory_space<vmem>>) target(%dma_start3A_561 : memref<16x768xf32, #tpu.memory_space<hbm>>) target_semaphore(%arg23 : memref<!tpu.dma_semaphore, #tpu.memory_space<semaphore_mem>>)
      %add3A_566 = arith.constant 6 : i32
      %add3A_567 = arith.addi %add3A_450, %add3A_566 : i32
      %lt3A_568 = arith.constant 128 : i32
      %lt3A_569 = arith.cmpi slt, %add3A_567, %lt3A_568 : i32
      %convert_element_type3A_570 = arith.extui %lt3A_569 : i1 to i32
      %cond3A_571 = arith.constant 0 : i32
      %cond3A_572 = arith.cmpi ne, %convert_element_type3A_570, %cond3A_571 : i32
      scf.if %cond3A_572 {
        %ge3A = arith.constant 8 : i32
        %ge3A_1193 = arith.cmpi sge, %add3A_567, %ge3A : i32
        %convert_element_type3A_1194 = arith.extui %ge3A_1193 : i1 to i32
        %cond3A_1195 = arith.constant 0 : i32
        %cond3A_1196 = arith.cmpi ne, %convert_element_type3A_1194, %cond3A_1195 : i32
        scf.if %cond3A_1196 {
          %dma_wait3A_1249 = arith.constant 0 : i32
          %dma_wait3A_1250 = arith.constant 0 : i32
          %dma_wait3A_1251 = arith.constant 0 : i32
          %dma_wait3A_1252 = arith.constant 0 : i32
          %dma_wait3A_1253 = tpu.memref_slice %arg12[%dma_wait3A_1249, %dma_wait3A_1251, %dma_wait3A_1252] : memref<8x16x768xf32, #tpu.memory_space<vmem>> -> memref<1x16x768xf32, #tpu.memory_space<vmem>>
          %dma_wait3A_1254 = tpu.memref_squeeze %dma_wait3A_1253 : memref<1x16x768xf32, #tpu.memory_space<vmem>> -> memref<16x768xf32, #tpu.memory_space<vmem>>
          %dma_wait3A_1255 = arith.constant 0 : i32
          %dma_wait3A_1256 = tpu.memref_slice %arg7[%dma_wait3A_1250, %mul3A_2, %dma_wait3A_1255] : memref<128x512x768xf32, #tpu.memory_space<hbm>> -> memref<1x16x768xf32, #tpu.memory_space<hbm>>
          %dma_wait3A_1257 = tpu.memref_squeeze %dma_wait3A_1256 : memref<1x16x768xf32, #tpu.memory_space<hbm>> -> memref<16x768xf32, #tpu.memory_space<hbm>>
          %dma_wait3A_1258 = arith.constant 0 : i32
          %dma_wait3A_1259 = tpu.memref_slice %arg7[%dma_wait3A_1250, %mul3A_2, %dma_wait3A_1258] : memref<128x512x768xf32, #tpu.memory_space<hbm>> -> memref<1x16x768xf32, #tpu.memory_space<hbm>>
          %dma_wait3A_1260 = tpu.memref_squeeze %dma_wait3A_1259 : memref<1x16x768xf32, #tpu.memory_space<hbm>> -> memref<16x768xf32, #tpu.memory_space<hbm>>
          %dma_wait3A_1261 = arith.constant 0 : i32
          %dma_wait3A_1262 = arith.constant 0 : i32
          %dma_wait3A_1263 = tpu.memref_slice %arg12[%dma_wait3A_1249, %dma_wait3A_1261, %dma_wait3A_1262] : memref<8x16x768xf32, #tpu.memory_space<vmem>> -> memref<1x16x768xf32, #tpu.memory_space<vmem>>
          %dma_wait3A_1264 = tpu.memref_squeeze %dma_wait3A_1263 : memref<1x16x768xf32, #tpu.memory_space<vmem>> -> memref<16x768xf32, #tpu.memory_space<vmem>>
          tpu.wait_dma2 semaphore(%arg21 : memref<!tpu.dma_semaphore, #tpu.memory_space<semaphore_mem>>) src(%dma_wait3A_1264 : memref<16x768xf32, #tpu.memory_space<vmem>>) dst(%dma_wait3A_1260 : memref<16x768xf32, #tpu.memory_space<hbm>>)
        } else {
        }
        %jit3A_1197 = arith.constant 8 : i32
        %div3A_1198 = arith.divsi %add3A_567, %jit3A_1197 : i32
        %sign3A_1199 = arith.constant 0 : i32
        %sign3A_1200 = arith.cmpi sgt, %add3A_567, %sign3A_1199 : i32
        %sign3A_1201 = arith.extui %sign3A_1200 : i1 to i32
        %sign3A_1202 = arith.constant 0 : i32
        %sign3A_1203 = arith.cmpi slt, %add3A_567, %sign3A_1202 : i32
        %sign3A_1204 = arith.extui %sign3A_1203 : i1 to i32
        %sign3A_1205 = arith.subi %sign3A_1201, %sign3A_1204 : i32
        %sign3A_1206 = arith.constant 0 : i32
        %sign3A_1207 = arith.cmpi sgt, %jit3A_1197, %sign3A_1206 : i32
        %sign3A_1208 = arith.extui %sign3A_1207 : i1 to i32
        %sign3A_1209 = arith.constant 0 : i32
        %sign3A_1210 = arith.cmpi slt, %jit3A_1197, %sign3A_1209 : i32
        %sign3A_1211 = arith.extui %sign3A_1210 : i1 to i32
        %sign3A_1212 = arith.subi %sign3A_1208, %sign3A_1211 : i32
        %ne3A_1213 = arith.cmpi ne, %sign3A_1205, %sign3A_1212 : i32
        %rem3A_1214 = arith.remsi %add3A_567, %jit3A_1197 : i32
        %ne3A_1215 = arith.constant 0 : i32
        %ne3A_1216 = arith.cmpi ne, %rem3A_1214, %ne3A_1215 : i32
        %and3A_1217 = arith.andi %ne3A_1213, %ne3A_1216 : i1
        %sub3A_1218 = arith.constant 1 : i32
        %sub3A_1219 = arith.subi %div3A_1198, %sub3A_1218 : i32
        %select_n3A_1220 = arith.select %and3A_1217, %sub3A_1219, %div3A_1198 : i32
        %jit3A_1221 = arith.constant 8 : i32
        %eq3A_1222 = arith.constant 0 : i32
        %eq3A_1223 = arith.cmpi eq, %jit3A_1221, %eq3A_1222 : i32
        %jit3A_1224 = arith.constant 1 : i32
        %select_n3A_1225 = arith.select %eq3A_1223, %jit3A_1224, %jit3A_1221 : i32
        %rem3A_1226 = arith.remsi %add3A_567, %select_n3A_1225 : i32
        %ne3A_1227 = arith.constant 0 : i32
        %ne3A_1228 = arith.cmpi ne, %rem3A_1226, %ne3A_1227 : i32
        %lt3A_1229 = arith.constant 0 : i32
        %lt3A_1230 = arith.cmpi slt, %rem3A_1226, %lt3A_1229 : i32
        %lt3A_1231 = arith.constant 0 : i32
        %lt3A_1232 = arith.cmpi slt, %select_n3A_1225, %lt3A_1231 : i32
        %ne3A_1233 = arith.xori %lt3A_1230, %lt3A_1232 : i1
        %and3A_1234 = arith.andi %ne3A_1233, %ne3A_1228 : i1
        %add3A_1235 = arith.addi %rem3A_1226, %select_n3A_1225 : i32
        %select_n3A_1236 = arith.select %and3A_1234, %add3A_1235, %rem3A_1226 : i32
        %mul3A_1237 = arith.constant 16 : i32
        %mul3A_1238 = arith.muli %select_n3A_1236, %mul3A_1237 : i32
        %dma_start3A_1239 = arith.constant 0 : i32
        %dma_start3A_1240 = arith.constant 0 : i32
        %dma_start3A_1241 = arith.constant 0 : i32
        %dma_start3A_1242 = tpu.memref_slice %arg12[%dma_start3A_1239, %dma_start3A_1240, %dma_start3A_1241] : memref<8x16x768xf32, #tpu.memory_space<vmem>> -> memref<1x16x768xf32, #tpu.memory_space<vmem>>
        %dma_start3A_1243 = tpu.memref_squeeze %dma_start3A_1242 : memref<1x16x768xf32, #tpu.memory_space<vmem>> -> memref<16x768xf32, #tpu.memory_space<vmem>>
        %dma_start3A_1244 = tpu.memref_slice %arg8[%select_n3A_1220, %mul3A_1238] : memref<16x128xi32, #tpu.memory_space<vmem>> -> memref<1x16xi32, #tpu.memory_space<vmem>>
        %dma_start3A_1245 = tpu.memref_squeeze %dma_start3A_1244 : memref<1x16xi32, #tpu.memory_space<vmem>> -> memref<16xi32, #tpu.memory_space<vmem>>
        %dma_start3A_1246 = arith.constant 0 : i32
        %dma_start3A_1247 = arith.constant 0 : i32
        %dma_start3A_1248 = tpu.memref_slice %arg4[%dma_start3A_1246, %dma_start3A_1247] : memref<100000x768xf32, #tpu.memory_space<hbm>> -> memref<100000x768xf32, #tpu.memory_space<hbm>>
        tpu.enqueue_indirect_dma source(%dma_start3A_1248 : memref<100000x768xf32, #tpu.memory_space<hbm>>) target(%dma_start3A_1243 : memref<16x768xf32, #tpu.memory_space<vmem>>) offsets(%dma_start3A_1245 : memref<16xi32, #tpu.memory_space<vmem>>) semaphore(%arg13 : memref<!tpu.dma_semaphore, #tpu.memory_space<semaphore_mem>>)
      } else {
      }
      %add3A_573 = arith.constant 3 : i32
      %add3A_574 = arith.addi %add3A_214, %add3A_573 : i32
      %jit3A_575 = arith.constant 8 : i32
      %div3A_576 = arith.divsi %add3A_574, %jit3A_575 : i32
      %sign3A_577 = arith.constant 0 : i32
      %sign3A_578 = arith.cmpi sgt, %add3A_574, %sign3A_577 : i32
      %sign3A_579 = arith.extui %sign3A_578 : i1 to i32
      %sign3A_580 = arith.constant 0 : i32
      %sign3A_581 = arith.cmpi slt, %add3A_574, %sign3A_580 : i32
      %sign3A_582 = arith.extui %sign3A_581 : i1 to i32
      %sign3A_583 = arith.subi %sign3A_579, %sign3A_582 : i32
      %sign3A_584 = arith.constant 0 : i32
      %sign3A_585 = arith.cmpi sgt, %jit3A_575, %sign3A_584 : i32
      %sign3A_586 = arith.extui %sign3A_585 : i1 to i32
      %sign3A_587 = arith.constant 0 : i32
      %sign3A_588 = arith.cmpi slt, %jit3A_575, %sign3A_587 : i32
      %sign3A_589 = arith.extui %sign3A_588 : i1 to i32
      %sign3A_590 = arith.subi %sign3A_586, %sign3A_589 : i32
      %ne3A_591 = arith.cmpi ne, %sign3A_583, %sign3A_590 : i32
      %rem3A_592 = arith.remsi %add3A_574, %jit3A_575 : i32
      %ne3A_593 = arith.constant 0 : i32
      %ne3A_594 = arith.cmpi ne, %rem3A_592, %ne3A_593 : i32
      %and3A_595 = arith.andi %ne3A_591, %ne3A_594 : i1
      %sub3A_596 = arith.constant 1 : i32
      %sub3A_597 = arith.subi %div3A_576, %sub3A_596 : i32
      %select_n3A_598 = arith.select %and3A_595, %sub3A_597, %div3A_576 : i32
      %jit3A_599 = arith.constant 8 : i32
      %eq3A_600 = arith.constant 0 : i32
      %eq3A_601 = arith.cmpi eq, %jit3A_599, %eq3A_600 : i32
      %jit3A_602 = arith.constant 1 : i32
      %select_n3A_603 = arith.select %eq3A_601, %jit3A_602, %jit3A_599 : i32
      %rem3A_604 = arith.remsi %add3A_574, %select_n3A_603 : i32
      %ne3A_605 = arith.constant 0 : i32
      %ne3A_606 = arith.cmpi ne, %rem3A_604, %ne3A_605 : i32
      %lt3A_607 = arith.constant 0 : i32
      %lt3A_608 = arith.cmpi slt, %rem3A_604, %lt3A_607 : i32
      %lt3A_609 = arith.constant 0 : i32
      %lt3A_610 = arith.cmpi slt, %select_n3A_603, %lt3A_609 : i32
      %ne3A_611 = arith.xori %lt3A_608, %lt3A_610 : i1
      %and3A_612 = arith.andi %ne3A_611, %ne3A_606 : i1
      %add3A_613 = arith.addi %rem3A_604, %select_n3A_603 : i32
      %select_n3A_614 = arith.select %and3A_612, %add3A_613, %rem3A_604 : i32
      %mul3A_615 = arith.constant 16 : i32
      %mul3A_616 = arith.muli %select_n3A_614, %mul3A_615 : i32
      %dma_wait3A_617 = arith.constant 3 : i32
      %dma_wait3A_618 = arith.constant 0 : i32
      %dma_wait3A_619 = arith.constant 0 : i32
      %dma_wait3A_620 = tpu.memref_slice %arg12[%dma_wait3A_617, %dma_wait3A_618, %dma_wait3A_619] : memref<8x16x768xf32, #tpu.memory_space<vmem>> -> memref<1x16x768xf32, #tpu.memory_space<vmem>>
      %dma_wait3A_621 = tpu.memref_squeeze %dma_wait3A_620 : memref<1x16x768xf32, #tpu.memory_space<vmem>> -> memref<16x768xf32, #tpu.memory_space<vmem>>
      %dma_wait3A_622 = tpu.memref_slice %arg8[%select_n3A_598, %mul3A_616] : memref<16x128xi32, #tpu.memory_space<vmem>> -> memref<1x16xi32, #tpu.memory_space<vmem>>
      %dma_wait3A_623 = tpu.memref_squeeze %dma_wait3A_622 : memref<1x16xi32, #tpu.memory_space<vmem>> -> memref<16xi32, #tpu.memory_space<vmem>>
      %dma_wait3A_624 = arith.constant 0 : i32
      %dma_wait3A_625 = arith.constant 0 : i32
      %dma_wait3A_626 = tpu.memref_slice %arg4[%dma_wait3A_624, %dma_wait3A_625] : memref<100000x768xf32, #tpu.memory_space<hbm>> -> memref<100000x768xf32, #tpu.memory_space<hbm>>
      tpu.wait_indirect_dma semaphore(%arg16 : memref<!tpu.dma_semaphore, #tpu.memory_space<semaphore_mem>>) src(%dma_wait3A_626 : memref<100000x768xf32, #tpu.memory_space<hbm>>) dst(%dma_wait3A_621 : memref<16x768xf32, #tpu.memory_space<vmem>>)
      %jit3A_627 = arith.constant 8 : i32
      %div3A_628 = arith.divsi %add3A_574, %jit3A_627 : i32
      %sign3A_629 = arith.constant 0 : i32
      %sign3A_630 = arith.cmpi sgt, %add3A_574, %sign3A_629 : i32
      %sign3A_631 = arith.extui %sign3A_630 : i1 to i32
      %sign3A_632 = arith.constant 0 : i32
      %sign3A_633 = arith.cmpi slt, %add3A_574, %sign3A_632 : i32
      %sign3A_634 = arith.extui %sign3A_633 : i1 to i32
      %sign3A_635 = arith.subi %sign3A_631, %sign3A_634 : i32
      %sign3A_636 = arith.constant 0 : i32
      %sign3A_637 = arith.cmpi sgt, %jit3A_627, %sign3A_636 : i32
      %sign3A_638 = arith.extui %sign3A_637 : i1 to i32
      %sign3A_639 = arith.constant 0 : i32
      %sign3A_640 = arith.cmpi slt, %jit3A_627, %sign3A_639 : i32
      %sign3A_641 = arith.extui %sign3A_640 : i1 to i32
      %sign3A_642 = arith.subi %sign3A_638, %sign3A_641 : i32
      %ne3A_643 = arith.cmpi ne, %sign3A_635, %sign3A_642 : i32
      %rem3A_644 = arith.remsi %add3A_574, %jit3A_627 : i32
      %ne3A_645 = arith.constant 0 : i32
      %ne3A_646 = arith.cmpi ne, %rem3A_644, %ne3A_645 : i32
      %and3A_647 = arith.andi %ne3A_643, %ne3A_646 : i1
      %sub3A_648 = arith.constant 1 : i32
      %sub3A_649 = arith.subi %div3A_628, %sub3A_648 : i32
      %select_n3A_650 = arith.select %and3A_647, %sub3A_649, %div3A_628 : i32
      %jit3A_651 = arith.constant 8 : i32
      %eq3A_652 = arith.constant 0 : i32
      %eq3A_653 = arith.cmpi eq, %jit3A_651, %eq3A_652 : i32
      %jit3A_654 = arith.constant 1 : i32
      %select_n3A_655 = arith.select %eq3A_653, %jit3A_654, %jit3A_651 : i32
      %rem3A_656 = arith.remsi %add3A_574, %select_n3A_655 : i32
      %ne3A_657 = arith.constant 0 : i32
      %ne3A_658 = arith.cmpi ne, %rem3A_656, %ne3A_657 : i32
      %lt3A_659 = arith.constant 0 : i32
      %lt3A_660 = arith.cmpi slt, %rem3A_656, %lt3A_659 : i32
      %lt3A_661 = arith.constant 0 : i32
      %lt3A_662 = arith.cmpi slt, %select_n3A_655, %lt3A_661 : i32
      %ne3A_663 = arith.xori %lt3A_660, %lt3A_662 : i1
      %and3A_664 = arith.andi %ne3A_663, %ne3A_658 : i1
      %add3A_665 = arith.addi %rem3A_656, %select_n3A_655 : i32
      %select_n3A_666 = arith.select %and3A_664, %add3A_665, %rem3A_656 : i32
      %mul3A_667 = arith.constant 16 : i32
      %mul3A_668 = arith.muli %select_n3A_666, %mul3A_667 : i32
      %get3A_669 = arith.index_cast %select_n3A_650 : i32 to index
      %get3A_670 = arith.index_cast %mul3A_668 : i32 to index
      %get3A_671 = tpu.vector_load %arg9[%get3A_669, %get3A_670] {strides = array<i32>} : memref<16x128xi32, #tpu.memory_space<vmem>>, vector<16xi32>,
      %parallel_loop3A_672 = arith.constant 0 : i32
      %parallel_loop3A_673 = arith.constant 16 : i32
      %parallel_loop3A_674 = arith.constant 1 : i32
      scf.for %parallel_loop3A_1193 = %parallel_loop3A_672 to %parallel_loop3A_673 step %parallel_loop3A_674  : i32 {
        %parallel_loop3A_1194 = vector.broadcast %parallel_loop3A_1193 : i32 to vector<16xi32>
        %parallel_loop3A_1195 = arith.cmpi eq, %iota3A, %parallel_loop3A_1194 : vector<16xi32>
        %parallel_loop3A_1196 = arith.constant 0 : i32
        %parallel_loop3A_1197 = vector.broadcast %parallel_loop3A_1196 : i32 to vector<16xi32>
        %parallel_loop3A_1198 = arith.select %parallel_loop3A_1195, %get3A_671, %parallel_loop3A_1197 : vector<16xi1>, vector<16xi32>
        %parallel_loop3A_1199 = arith.constant true
        %parallel_loop3A_1200 = vector.broadcast %parallel_loop3A_1199 : i1 to vector<16xi1>
        %parallel_loop3A_1201 = tpu.scan <sum>, %parallel_loop3A_1198 masked %parallel_loop3A_1200 : vector<16xi32>, vector<16xi1> -> vector<16xi32>
        %parallel_loop3A_1202 = vector.extract %parallel_loop3A_1201[15] : i32 from vector<16xi32>
        %parallel_loop3A_1203 = arith.constant 16 : i32
        %parallel_loop3A_1204 = arith.muli %parallel_loop3A_1202, %parallel_loop3A_1203 : i32
        %parallel_loop3A_1205 = arith.addi %parallel_loop3A_1204, %parallel_loop3A_1193 : i32
        %parallel_loop3A_1206 = arith.constant 0 : i32
        %parallel_loop3A_1207 = arith.constant 48 : i32
        %parallel_loop3A_1208 = arith.constant 1 : i32
        scf.for %parallel_loop3A_1209 = %parallel_loop3A_1206 to %parallel_loop3A_1207 step %parallel_loop3A_1208  : i32 {
          %parallel_loop3A_1210 = arith.constant 16 : i32
          %parallel_loop3A_1211 = arith.muli %parallel_loop3A_1209, %parallel_loop3A_1210 : i32
          %parallel_loop3A_1212 = arith.constant 3 : i32
          %parallel_loop3A_1213 = arith.index_cast %parallel_loop3A_1212 : i32 to index
          %parallel_loop3A_1214 = arith.index_cast %parallel_loop3A_1193 : i32 to index
          %parallel_loop3A_1215 = arith.index_cast %parallel_loop3A_1211 : i32 to index
          %parallel_loop3A_1216 = tpu.vector_load %arg12[%parallel_loop3A_1213, %parallel_loop3A_1214, %parallel_loop3A_1215] {strides = array<i32>} : memref<8x16x768xf32, #tpu.memory_space<vmem>>, vector<16xf32>,
          %parallel_loop3A_1217 = arith.index_cast %parallel_loop3A_1205 : i32 to index
          %parallel_loop3A_1218 = arith.index_cast %parallel_loop3A_1211 : i32 to index
          %parallel_loop3A_1219 = tpu.vector_load %arg10[%parallel_loop3A_1217, %parallel_loop3A_1218] {strides = array<i32>} : memref<32x768xf32, #tpu.memory_space<vmem>>, vector<16xf32>,
          %parallel_loop3A_1220 = arith.addf %parallel_loop3A_1216, %parallel_loop3A_1219 : vector<16xf32>
          %parallel_loop3A_1221 = arith.constant 3 : i32
          %parallel_loop3A_1222 = arith.index_cast %parallel_loop3A_1221 : i32 to index
          %parallel_loop3A_1223 = arith.index_cast %parallel_loop3A_1193 : i32 to index
          %parallel_loop3A_1224 = arith.index_cast %parallel_loop3A_1211 : i32 to index
          %parallel_loop3A_1225 = tpu.vector_load %arg12[%parallel_loop3A_1222, %parallel_loop3A_1223, %parallel_loop3A_1224] {strides = array<i32>} : memref<8x16x768xf32, #tpu.memory_space<vmem>>, vector<16xf32>,
          tpu.vector_store %arg12[%parallel_loop3A_1222, %parallel_loop3A_1223, %parallel_loop3A_1224], %parallel_loop3A_1220 {strides = array<i32>} : memref<8x16x768xf32, #tpu.memory_space<vmem>>, vector<16xf32>,
        } {sc.loop_unroll_factor = 8 : i64, sc.parallel_access}
      } {sc.loop_unroll_factor = 1 : i64, sc.parallel_access}
      %dma_start3A_675 = arith.constant 3 : i32
      %dma_start3A_676 = arith.constant 0 : i32
      %dma_start3A_677 = arith.constant 0 : i32
      %dma_start3A_678 = tpu.memref_slice %arg12[%dma_start3A_675, %dma_start3A_676, %dma_start3A_677] : memref<8x16x768xf32, #tpu.memory_space<vmem>> -> memref<1x16x768xf32, #tpu.memory_space<vmem>>
      %dma_start3A_679 = tpu.memref_squeeze %dma_start3A_678 : memref<1x16x768xf32, #tpu.memory_space<vmem>> -> memref<16x768xf32, #tpu.memory_space<vmem>>
      %dma_start3A_680 = arith.constant 0 : i32
      %dma_start3A_681 = tpu.memref_slice %arg7[%add3A_574, %mul3A_2, %dma_start3A_680] : memref<128x512x768xf32, #tpu.memory_space<hbm>> -> memref<1x16x768xf32, #tpu.memory_space<hbm>>
      %dma_start3A_682 = tpu.memref_squeeze %dma_start3A_681 : memref<1x16x768xf32, #tpu.memory_space<hbm>> -> memref<16x768xf32, #tpu.memory_space<hbm>>
      %dma_start3A_683 = arith.constant 0 : i32
      %dma_start3A_684 = tpu.memref_slice %arg7[%add3A_574, %mul3A_2, %dma_start3A_683] : memref<128x512x768xf32, #tpu.memory_space<hbm>> -> memref<1x16x768xf32, #tpu.memory_space<hbm>>
      %dma_start3A_685 = tpu.memref_squeeze %dma_start3A_684 : memref<1x16x768xf32, #tpu.memory_space<hbm>> -> memref<16x768xf32, #tpu.memory_space<hbm>>
      %dma_start3A_686 = arith.constant 0 : i32
      %dma_start3A_687 = arith.constant 0 : i32
      %dma_start3A_688 = tpu.memref_slice %arg12[%dma_start3A_675, %dma_start3A_686, %dma_start3A_687] : memref<8x16x768xf32, #tpu.memory_space<vmem>> -> memref<1x16x768xf32, #tpu.memory_space<vmem>>
      %dma_start3A_689 = tpu.memref_squeeze %dma_start3A_688 : memref<1x16x768xf32, #tpu.memory_space<vmem>> -> memref<16x768xf32, #tpu.memory_space<vmem>>
      tpu.enqueue_dma source(%dma_start3A_689 : memref<16x768xf32, #tpu.memory_space<vmem>>) target(%dma_start3A_685 : memref<16x768xf32, #tpu.memory_space<hbm>>) target_semaphore(%arg24 : memref<!tpu.dma_semaphore, #tpu.memory_space<semaphore_mem>>)
      %add3A_690 = arith.constant 6 : i32
      %add3A_691 = arith.addi %add3A_574, %add3A_690 : i32
      %lt3A_692 = arith.constant 128 : i32
      %lt3A_693 = arith.cmpi slt, %add3A_691, %lt3A_692 : i32
      %convert_element_type3A_694 = arith.extui %lt3A_693 : i1 to i32
      %cond3A_695 = arith.constant 0 : i32
      %cond3A_696 = arith.cmpi ne, %convert_element_type3A_694, %cond3A_695 : i32
      scf.if %cond3A_696 {
        %ge3A = arith.constant 8 : i32
        %ge3A_1193 = arith.cmpi sge, %add3A_691, %ge3A : i32
        %convert_element_type3A_1194 = arith.extui %ge3A_1193 : i1 to i32
        %cond3A_1195 = arith.constant 0 : i32
        %cond3A_1196 = arith.cmpi ne, %convert_element_type3A_1194, %cond3A_1195 : i32
        scf.if %cond3A_1196 {
          %dma_wait3A_1249 = arith.constant 1 : i32
          %dma_wait3A_1250 = arith.constant 0 : i32
          %dma_wait3A_1251 = arith.constant 0 : i32
          %dma_wait3A_1252 = arith.constant 0 : i32
          %dma_wait3A_1253 = tpu.memref_slice %arg12[%dma_wait3A_1249, %dma_wait3A_1251, %dma_wait3A_1252] : memref<8x16x768xf32, #tpu.memory_space<vmem>> -> memref<1x16x768xf32, #tpu.memory_space<vmem>>
          %dma_wait3A_1254 = tpu.memref_squeeze %dma_wait3A_1253 : memref<1x16x768xf32, #tpu.memory_space<vmem>> -> memref<16x768xf32, #tpu.memory_space<vmem>>
          %dma_wait3A_1255 = arith.constant 0 : i32
          %dma_wait3A_1256 = tpu.memref_slice %arg7[%dma_wait3A_1250, %mul3A_2, %dma_wait3A_1255] : memref<128x512x768xf32, #tpu.memory_space<hbm>> -> memref<1x16x768xf32, #tpu.memory_space<hbm>>
          %dma_wait3A_1257 = tpu.memref_squeeze %dma_wait3A_1256 : memref<1x16x768xf32, #tpu.memory_space<hbm>> -> memref<16x768xf32, #tpu.memory_space<hbm>>
          %dma_wait3A_1258 = arith.constant 0 : i32
          %dma_wait3A_1259 = tpu.memref_slice %arg7[%dma_wait3A_1250, %mul3A_2, %dma_wait3A_1258] : memref<128x512x768xf32, #tpu.memory_space<hbm>> -> memref<1x16x768xf32, #tpu.memory_space<hbm>>
          %dma_wait3A_1260 = tpu.memref_squeeze %dma_wait3A_1259 : memref<1x16x768xf32, #tpu.memory_space<hbm>> -> memref<16x768xf32, #tpu.memory_space<hbm>>
          %dma_wait3A_1261 = arith.constant 0 : i32
          %dma_wait3A_1262 = arith.constant 0 : i32
          %dma_wait3A_1263 = tpu.memref_slice %arg12[%dma_wait3A_1249, %dma_wait3A_1261, %dma_wait3A_1262] : memref<8x16x768xf32, #tpu.memory_space<vmem>> -> memref<1x16x768xf32, #tpu.memory_space<vmem>>
          %dma_wait3A_1264 = tpu.memref_squeeze %dma_wait3A_1263 : memref<1x16x768xf32, #tpu.memory_space<vmem>> -> memref<16x768xf32, #tpu.memory_space<vmem>>
          tpu.wait_dma2 semaphore(%arg22 : memref<!tpu.dma_semaphore, #tpu.memory_space<semaphore_mem>>) src(%dma_wait3A_1264 : memref<16x768xf32, #tpu.memory_space<vmem>>) dst(%dma_wait3A_1260 : memref<16x768xf32, #tpu.memory_space<hbm>>)
        } else {
        }
        %jit3A_1197 = arith.constant 8 : i32
        %div3A_1198 = arith.divsi %add3A_691, %jit3A_1197 : i32
        %sign3A_1199 = arith.constant 0 : i32
        %sign3A_1200 = arith.cmpi sgt, %add3A_691, %sign3A_1199 : i32
        %sign3A_1201 = arith.extui %sign3A_1200 : i1 to i32
        %sign3A_1202 = arith.constant 0 : i32
        %sign3A_1203 = arith.cmpi slt, %add3A_691, %sign3A_1202 : i32
        %sign3A_1204 = arith.extui %sign3A_1203 : i1 to i32
        %sign3A_1205 = arith.subi %sign3A_1201, %sign3A_1204 : i32
        %sign3A_1206 = arith.constant 0 : i32
        %sign3A_1207 = arith.cmpi sgt, %jit3A_1197, %sign3A_1206 : i32
        %sign3A_1208 = arith.extui %sign3A_1207 : i1 to i32
        %sign3A_1209 = arith.constant 0 : i32
        %sign3A_1210 = arith.cmpi slt, %jit3A_1197, %sign3A_1209 : i32
        %sign3A_1211 = arith.extui %sign3A_1210 : i1 to i32
        %sign3A_1212 = arith.subi %sign3A_1208, %sign3A_1211 : i32
        %ne3A_1213 = arith.cmpi ne, %sign3A_1205, %sign3A_1212 : i32
        %rem3A_1214 = arith.remsi %add3A_691, %jit3A_1197 : i32
        %ne3A_1215 = arith.constant 0 : i32
        %ne3A_1216 = arith.cmpi ne, %rem3A_1214, %ne3A_1215 : i32
        %and3A_1217 = arith.andi %ne3A_1213, %ne3A_1216 : i1
        %sub3A_1218 = arith.constant 1 : i32
        %sub3A_1219 = arith.subi %div3A_1198, %sub3A_1218 : i32
        %select_n3A_1220 = arith.select %and3A_1217, %sub3A_1219, %div3A_1198 : i32
        %jit3A_1221 = arith.constant 8 : i32
        %eq3A_1222 = arith.constant 0 : i32
        %eq3A_1223 = arith.cmpi eq, %jit3A_1221, %eq3A_1222 : i32
        %jit3A_1224 = arith.constant 1 : i32
        %select_n3A_1225 = arith.select %eq3A_1223, %jit3A_1224, %jit3A_1221 : i32
        %rem3A_1226 = arith.remsi %add3A_691, %select_n3A_1225 : i32
        %ne3A_1227 = arith.constant 0 : i32
        %ne3A_1228 = arith.cmpi ne, %rem3A_1226, %ne3A_1227 : i32
        %lt3A_1229 = arith.constant 0 : i32
        %lt3A_1230 = arith.cmpi slt, %rem3A_1226, %lt3A_1229 : i32
        %lt3A_1231 = arith.constant 0 : i32
        %lt3A_1232 = arith.cmpi slt, %select_n3A_1225, %lt3A_1231 : i32
        %ne3A_1233 = arith.xori %lt3A_1230, %lt3A_1232 : i1
        %and3A_1234 = arith.andi %ne3A_1233, %ne3A_1228 : i1
        %add3A_1235 = arith.addi %rem3A_1226, %select_n3A_1225 : i32
        %select_n3A_1236 = arith.select %and3A_1234, %add3A_1235, %rem3A_1226 : i32
        %mul3A_1237 = arith.constant 16 : i32
        %mul3A_1238 = arith.muli %select_n3A_1236, %mul3A_1237 : i32
        %dma_start3A_1239 = arith.constant 1 : i32
        %dma_start3A_1240 = arith.constant 0 : i32
        %dma_start3A_1241 = arith.constant 0 : i32
        %dma_start3A_1242 = tpu.memref_slice %arg12[%dma_start3A_1239, %dma_start3A_1240, %dma_start3A_1241] : memref<8x16x768xf32, #tpu.memory_space<vmem>> -> memref<1x16x768xf32, #tpu.memory_space<vmem>>
        %dma_start3A_1243 = tpu.memref_squeeze %dma_start3A_1242 : memref<1x16x768xf32, #tpu.memory_space<vmem>> -> memref<16x768xf32, #tpu.memory_space<vmem>>
        %dma_start3A_1244 = tpu.memref_slice %arg8[%select_n3A_1220, %mul3A_1238] : memref<16x128xi32, #tpu.memory_space<vmem>> -> memref<1x16xi32, #tpu.memory_space<vmem>>
        %dma_start3A_1245 = tpu.memref_squeeze %dma_start3A_1244 : memref<1x16xi32, #tpu.memory_space<vmem>> -> memref<16xi32, #tpu.memory_space<vmem>>
        %dma_start3A_1246 = arith.constant 0 : i32
        %dma_start3A_1247 = arith.constant 0 : i32
        %dma_start3A_1248 = tpu.memref_slice %arg4[%dma_start3A_1246, %dma_start3A_1247] : memref<100000x768xf32, #tpu.memory_space<hbm>> -> memref<100000x768xf32, #tpu.memory_space<hbm>>
        tpu.enqueue_indirect_dma source(%dma_start3A_1248 : memref<100000x768xf32, #tpu.memory_space<hbm>>) target(%dma_start3A_1243 : memref<16x768xf32, #tpu.memory_space<vmem>>) offsets(%dma_start3A_1245 : memref<16xi32, #tpu.memory_space<vmem>>) semaphore(%arg14 : memref<!tpu.dma_semaphore, #tpu.memory_space<semaphore_mem>>)
      } else {
      }
      %add3A_697 = arith.constant 4 : i32
      %add3A_698 = arith.addi %add3A_214, %add3A_697 : i32
      %jit3A_699 = arith.constant 8 : i32
      %div3A_700 = arith.divsi %add3A_698, %jit3A_699 : i32
      %sign3A_701 = arith.constant 0 : i32
      %sign3A_702 = arith.cmpi sgt, %add3A_698, %sign3A_701 : i32
      %sign3A_703 = arith.extui %sign3A_702 : i1 to i32
      %sign3A_704 = arith.constant 0 : i32
      %sign3A_705 = arith.cmpi slt, %add3A_698, %sign3A_704 : i32
      %sign3A_706 = arith.extui %sign3A_705 : i1 to i32
      %sign3A_707 = arith.subi %sign3A_703, %sign3A_706 : i32
      %sign3A_708 = arith.constant 0 : i32
      %sign3A_709 = arith.cmpi sgt, %jit3A_699, %sign3A_708 : i32
      %sign3A_710 = arith.extui %sign3A_709 : i1 to i32
      %sign3A_711 = arith.constant 0 : i32
      %sign3A_712 = arith.cmpi slt, %jit3A_699, %sign3A_711 : i32
      %sign3A_713 = arith.extui %sign3A_712 : i1 to i32
      %sign3A_714 = arith.subi %sign3A_710, %sign3A_713 : i32
      %ne3A_715 = arith.cmpi ne, %sign3A_707, %sign3A_714 : i32
      %rem3A_716 = arith.remsi %add3A_698, %jit3A_699 : i32
      %ne3A_717 = arith.constant 0 : i32
      %ne3A_718 = arith.cmpi ne, %rem3A_716, %ne3A_717 : i32
      %and3A_719 = arith.andi %ne3A_715, %ne3A_718 : i1
      %sub3A_720 = arith.constant 1 : i32
      %sub3A_721 = arith.subi %div3A_700, %sub3A_720 : i32
      %select_n3A_722 = arith.select %and3A_719, %sub3A_721, %div3A_700 : i32
      %jit3A_723 = arith.constant 8 : i32
      %eq3A_724 = arith.constant 0 : i32
      %eq3A_725 = arith.cmpi eq, %jit3A_723, %eq3A_724 : i32
      %jit3A_726 = arith.constant 1 : i32
      %select_n3A_727 = arith.select %eq3A_725, %jit3A_726, %jit3A_723 : i32
      %rem3A_728 = arith.remsi %add3A_698, %select_n3A_727 : i32
      %ne3A_729 = arith.constant 0 : i32
      %ne3A_730 = arith.cmpi ne, %rem3A_728, %ne3A_729 : i32
      %lt3A_731 = arith.constant 0 : i32
      %lt3A_732 = arith.cmpi slt, %rem3A_728, %lt3A_731 : i32
      %lt3A_733 = arith.constant 0 : i32
      %lt3A_734 = arith.cmpi slt, %select_n3A_727, %lt3A_733 : i32
      %ne3A_735 = arith.xori %lt3A_732, %lt3A_734 : i1
      %and3A_736 = arith.andi %ne3A_735, %ne3A_730 : i1
      %add3A_737 = arith.addi %rem3A_728, %select_n3A_727 : i32
      %select_n3A_738 = arith.select %and3A_736, %add3A_737, %rem3A_728 : i32
      %mul3A_739 = arith.constant 16 : i32
      %mul3A_740 = arith.muli %select_n3A_738, %mul3A_739 : i32
      %dma_wait3A_741 = arith.constant 4 : i32
      %dma_wait3A_742 = arith.constant 0 : i32
      %dma_wait3A_743 = arith.constant 0 : i32
      %dma_wait3A_744 = tpu.memref_slice %arg12[%dma_wait3A_741, %dma_wait3A_742, %dma_wait3A_743] : memref<8x16x768xf32, #tpu.memory_space<vmem>> -> memref<1x16x768xf32, #tpu.memory_space<vmem>>
      %dma_wait3A_745 = tpu.memref_squeeze %dma_wait3A_744 : memref<1x16x768xf32, #tpu.memory_space<vmem>> -> memref<16x768xf32, #tpu.memory_space<vmem>>
      %dma_wait3A_746 = tpu.memref_slice %arg8[%select_n3A_722, %mul3A_740] : memref<16x128xi32, #tpu.memory_space<vmem>> -> memref<1x16xi32, #tpu.memory_space<vmem>>
      %dma_wait3A_747 = tpu.memref_squeeze %dma_wait3A_746 : memref<1x16xi32, #tpu.memory_space<vmem>> -> memref<16xi32, #tpu.memory_space<vmem>>
      %dma_wait3A_748 = arith.constant 0 : i32
      %dma_wait3A_749 = arith.constant 0 : i32
      %dma_wait3A_750 = tpu.memref_slice %arg4[%dma_wait3A_748, %dma_wait3A_749] : memref<100000x768xf32, #tpu.memory_space<hbm>> -> memref<100000x768xf32, #tpu.memory_space<hbm>>
      tpu.wait_indirect_dma semaphore(%arg17 : memref<!tpu.dma_semaphore, #tpu.memory_space<semaphore_mem>>) src(%dma_wait3A_750 : memref<100000x768xf32, #tpu.memory_space<hbm>>) dst(%dma_wait3A_745 : memref<16x768xf32, #tpu.memory_space<vmem>>)
      %jit3A_751 = arith.constant 8 : i32
      %div3A_752 = arith.divsi %add3A_698, %jit3A_751 : i32
      %sign3A_753 = arith.constant 0 : i32
      %sign3A_754 = arith.cmpi sgt, %add3A_698, %sign3A_753 : i32
      %sign3A_755 = arith.extui %sign3A_754 : i1 to i32
      %sign3A_756 = arith.constant 0 : i32
      %sign3A_757 = arith.cmpi slt, %add3A_698, %sign3A_756 : i32
      %sign3A_758 = arith.extui %sign3A_757 : i1 to i32
      %sign3A_759 = arith.subi %sign3A_755, %sign3A_758 : i32
      %sign3A_760 = arith.constant 0 : i32
      %sign3A_761 = arith.cmpi sgt, %jit3A_751, %sign3A_760 : i32
      %sign3A_762 = arith.extui %sign3A_761 : i1 to i32
      %sign3A_763 = arith.constant 0 : i32
      %sign3A_764 = arith.cmpi slt, %jit3A_751, %sign3A_763 : i32
      %sign3A_765 = arith.extui %sign3A_764 : i1 to i32
      %sign3A_766 = arith.subi %sign3A_762, %sign3A_765 : i32
      %ne3A_767 = arith.cmpi ne, %sign3A_759, %sign3A_766 : i32
      %rem3A_768 = arith.remsi %add3A_698, %jit3A_751 : i32
      %ne3A_769 = arith.constant 0 : i32
      %ne3A_770 = arith.cmpi ne, %rem3A_768, %ne3A_769 : i32
      %and3A_771 = arith.andi %ne3A_767, %ne3A_770 : i1
      %sub3A_772 = arith.constant 1 : i32
      %sub3A_773 = arith.subi %div3A_752, %sub3A_772 : i32
      %select_n3A_774 = arith.select %and3A_771, %sub3A_773, %div3A_752 : i32
      %jit3A_775 = arith.constant 8 : i32
      %eq3A_776 = arith.constant 0 : i32
      %eq3A_777 = arith.cmpi eq, %jit3A_775, %eq3A_776 : i32
      %jit3A_778 = arith.constant 1 : i32
      %select_n3A_779 = arith.select %eq3A_777, %jit3A_778, %jit3A_775 : i32
      %rem3A_780 = arith.remsi %add3A_698, %select_n3A_779 : i32
      %ne3A_781 = arith.constant 0 : i32
      %ne3A_782 = arith.cmpi ne, %rem3A_780, %ne3A_781 : i32
      %lt3A_783 = arith.constant 0 : i32
      %lt3A_784 = arith.cmpi slt, %rem3A_780, %lt3A_783 : i32
      %lt3A_785 = arith.constant 0 : i32
      %lt3A_786 = arith.cmpi slt, %select_n3A_779, %lt3A_785 : i32
      %ne3A_787 = arith.xori %lt3A_784, %lt3A_786 : i1
      %and3A_788 = arith.andi %ne3A_787, %ne3A_782 : i1
      %add3A_789 = arith.addi %rem3A_780, %select_n3A_779 : i32
      %select_n3A_790 = arith.select %and3A_788, %add3A_789, %rem3A_780 : i32
      %mul3A_791 = arith.constant 16 : i32
      %mul3A_792 = arith.muli %select_n3A_790, %mul3A_791 : i32
      %get3A_793 = arith.index_cast %select_n3A_774 : i32 to index
      %get3A_794 = arith.index_cast %mul3A_792 : i32 to index
      %get3A_795 = tpu.vector_load %arg9[%get3A_793, %get3A_794] {strides = array<i32>} : memref<16x128xi32, #tpu.memory_space<vmem>>, vector<16xi32>,
      %parallel_loop3A_796 = arith.constant 0 : i32
      %parallel_loop3A_797 = arith.constant 16 : i32
      %parallel_loop3A_798 = arith.constant 1 : i32
      scf.for %parallel_loop3A_1193 = %parallel_loop3A_796 to %parallel_loop3A_797 step %parallel_loop3A_798  : i32 {
        %parallel_loop3A_1194 = vector.broadcast %parallel_loop3A_1193 : i32 to vector<16xi32>
        %parallel_loop3A_1195 = arith.cmpi eq, %iota3A, %parallel_loop3A_1194 : vector<16xi32>
        %parallel_loop3A_1196 = arith.constant 0 : i32
        %parallel_loop3A_1197 = vector.broadcast %parallel_loop3A_1196 : i32 to vector<16xi32>
        %parallel_loop3A_1198 = arith.select %parallel_loop3A_1195, %get3A_795, %parallel_loop3A_1197 : vector<16xi1>, vector<16xi32>
        %parallel_loop3A_1199 = arith.constant true
        %parallel_loop3A_1200 = vector.broadcast %parallel_loop3A_1199 : i1 to vector<16xi1>
        %parallel_loop3A_1201 = tpu.scan <sum>, %parallel_loop3A_1198 masked %parallel_loop3A_1200 : vector<16xi32>, vector<16xi1> -> vector<16xi32>
        %parallel_loop3A_1202 = vector.extract %parallel_loop3A_1201[15] : i32 from vector<16xi32>
        %parallel_loop3A_1203 = arith.constant 16 : i32
        %parallel_loop3A_1204 = arith.muli %parallel_loop3A_1202, %parallel_loop3A_1203 : i32
        %parallel_loop3A_1205 = arith.addi %parallel_loop3A_1204, %parallel_loop3A_1193 : i32
        %parallel_loop3A_1206 = arith.constant 0 : i32
        %parallel_loop3A_1207 = arith.constant 48 : i32
        %parallel_loop3A_1208 = arith.constant 1 : i32
        scf.for %parallel_loop3A_1209 = %parallel_loop3A_1206 to %parallel_loop3A_1207 step %parallel_loop3A_1208  : i32 {
          %parallel_loop3A_1210 = arith.constant 16 : i32
          %parallel_loop3A_1211 = arith.muli %parallel_loop3A_1209, %parallel_loop3A_1210 : i32
          %parallel_loop3A_1212 = arith.constant 4 : i32
          %parallel_loop3A_1213 = arith.index_cast %parallel_loop3A_1212 : i32 to index
          %parallel_loop3A_1214 = arith.index_cast %parallel_loop3A_1193 : i32 to index
          %parallel_loop3A_1215 = arith.index_cast %parallel_loop3A_1211 : i32 to index
          %parallel_loop3A_1216 = tpu.vector_load %arg12[%parallel_loop3A_1213, %parallel_loop3A_1214, %parallel_loop3A_1215] {strides = array<i32>} : memref<8x16x768xf32, #tpu.memory_space<vmem>>, vector<16xf32>,
          %parallel_loop3A_1217 = arith.index_cast %parallel_loop3A_1205 : i32 to index
          %parallel_loop3A_1218 = arith.index_cast %parallel_loop3A_1211 : i32 to index
          %parallel_loop3A_1219 = tpu.vector_load %arg10[%parallel_loop3A_1217, %parallel_loop3A_1218] {strides = array<i32>} : memref<32x768xf32, #tpu.memory_space<vmem>>, vector<16xf32>,
          %parallel_loop3A_1220 = arith.addf %parallel_loop3A_1216, %parallel_loop3A_1219 : vector<16xf32>
          %parallel_loop3A_1221 = arith.constant 4 : i32
          %parallel_loop3A_1222 = arith.index_cast %parallel_loop3A_1221 : i32 to index
          %parallel_loop3A_1223 = arith.index_cast %parallel_loop3A_1193 : i32 to index
          %parallel_loop3A_1224 = arith.index_cast %parallel_loop3A_1211 : i32 to index
          %parallel_loop3A_1225 = tpu.vector_load %arg12[%parallel_loop3A_1222, %parallel_loop3A_1223, %parallel_loop3A_1224] {strides = array<i32>} : memref<8x16x768xf32, #tpu.memory_space<vmem>>, vector<16xf32>,
          tpu.vector_store %arg12[%parallel_loop3A_1222, %parallel_loop3A_1223, %parallel_loop3A_1224], %parallel_loop3A_1220 {strides = array<i32>} : memref<8x16x768xf32, #tpu.memory_space<vmem>>, vector<16xf32>,
        } {sc.loop_unroll_factor = 8 : i64, sc.parallel_access}
      } {sc.loop_unroll_factor = 1 : i64, sc.parallel_access}
      %dma_start3A_799 = arith.constant 4 : i32
      %dma_start3A_800 = arith.constant 0 : i32
      %dma_start3A_801 = arith.constant 0 : i32
      %dma_start3A_802 = tpu.memref_slice %arg12[%dma_start3A_799, %dma_start3A_800, %dma_start3A_801] : memref<8x16x768xf32, #tpu.memory_space<vmem>> -> memref<1x16x768xf32, #tpu.memory_space<vmem>>
      %dma_start3A_803 = tpu.memref_squeeze %dma_start3A_802 : memref<1x16x768xf32, #tpu.memory_space<vmem>> -> memref<16x768xf32, #tpu.memory_space<vmem>>
      %dma_start3A_804 = arith.constant 0 : i32
      %dma_start3A_805 = tpu.memref_slice %arg7[%add3A_698, %mul3A_2, %dma_start3A_804] : memref<128x512x768xf32, #tpu.memory_space<hbm>> -> memref<1x16x768xf32, #tpu.memory_space<hbm>>
      %dma_start3A_806 = tpu.memref_squeeze %dma_start3A_805 : memref<1x16x768xf32, #tpu.memory_space<hbm>> -> memref<16x768xf32, #tpu.memory_space<hbm>>
      %dma_start3A_807 = arith.constant 0 : i32
      %dma_start3A_808 = tpu.memref_slice %arg7[%add3A_698, %mul3A_2, %dma_start3A_807] : memref<128x512x768xf32, #tpu.memory_space<hbm>> -> memref<1x16x768xf32, #tpu.memory_space<hbm>>
      %dma_start3A_809 = tpu.memref_squeeze %dma_start3A_808 : memref<1x16x768xf32, #tpu.memory_space<hbm>> -> memref<16x768xf32, #tpu.memory_space<hbm>>
      %dma_start3A_810 = arith.constant 0 : i32
      %dma_start3A_811 = arith.constant 0 : i32
      %dma_start3A_812 = tpu.memref_slice %arg12[%dma_start3A_799, %dma_start3A_810, %dma_start3A_811] : memref<8x16x768xf32, #tpu.memory_space<vmem>> -> memref<1x16x768xf32, #tpu.memory_space<vmem>>
      %dma_start3A_813 = tpu.memref_squeeze %dma_start3A_812 : memref<1x16x768xf32, #tpu.memory_space<vmem>> -> memref<16x768xf32, #tpu.memory_space<vmem>>
      tpu.enqueue_dma source(%dma_start3A_813 : memref<16x768xf32, #tpu.memory_space<vmem>>) target(%dma_start3A_809 : memref<16x768xf32, #tpu.memory_space<hbm>>) target_semaphore(%arg25 : memref<!tpu.dma_semaphore, #tpu.memory_space<semaphore_mem>>)
      %add3A_814 = arith.constant 6 : i32
      %add3A_815 = arith.addi %add3A_698, %add3A_814 : i32
      %lt3A_816 = arith.constant 128 : i32
      %lt3A_817 = arith.cmpi slt, %add3A_815, %lt3A_816 : i32
      %convert_element_type3A_818 = arith.extui %lt3A_817 : i1 to i32
      %cond3A_819 = arith.constant 0 : i32
      %cond3A_820 = arith.cmpi ne, %convert_element_type3A_818, %cond3A_819 : i32
      scf.if %cond3A_820 {
        %ge3A = arith.constant 8 : i32
        %ge3A_1193 = arith.cmpi sge, %add3A_815, %ge3A : i32
        %convert_element_type3A_1194 = arith.extui %ge3A_1193 : i1 to i32
        %cond3A_1195 = arith.constant 0 : i32
        %cond3A_1196 = arith.cmpi ne, %convert_element_type3A_1194, %cond3A_1195 : i32
        scf.if %cond3A_1196 {
          %dma_wait3A_1249 = arith.constant 2 : i32
          %dma_wait3A_1250 = arith.constant 0 : i32
          %dma_wait3A_1251 = arith.constant 0 : i32
          %dma_wait3A_1252 = arith.constant 0 : i32
          %dma_wait3A_1253 = tpu.memref_slice %arg12[%dma_wait3A_1249, %dma_wait3A_1251, %dma_wait3A_1252] : memref<8x16x768xf32, #tpu.memory_space<vmem>> -> memref<1x16x768xf32, #tpu.memory_space<vmem>>
          %dma_wait3A_1254 = tpu.memref_squeeze %dma_wait3A_1253 : memref<1x16x768xf32, #tpu.memory_space<vmem>> -> memref<16x768xf32, #tpu.memory_space<vmem>>
          %dma_wait3A_1255 = arith.constant 0 : i32
          %dma_wait3A_1256 = tpu.memref_slice %arg7[%dma_wait3A_1250, %mul3A_2, %dma_wait3A_1255] : memref<128x512x768xf32, #tpu.memory_space<hbm>> -> memref<1x16x768xf32, #tpu.memory_space<hbm>>
          %dma_wait3A_1257 = tpu.memref_squeeze %dma_wait3A_1256 : memref<1x16x768xf32, #tpu.memory_space<hbm>> -> memref<16x768xf32, #tpu.memory_space<hbm>>
          %dma_wait3A_1258 = arith.constant 0 : i32
          %dma_wait3A_1259 = tpu.memref_slice %arg7[%dma_wait3A_1250, %mul3A_2, %dma_wait3A_1258] : memref<128x512x768xf32, #tpu.memory_space<hbm>> -> memref<1x16x768xf32, #tpu.memory_space<hbm>>
          %dma_wait3A_1260 = tpu.memref_squeeze %dma_wait3A_1259 : memref<1x16x768xf32, #tpu.memory_space<hbm>> -> memref<16x768xf32, #tpu.memory_space<hbm>>
          %dma_wait3A_1261 = arith.constant 0 : i32
          %dma_wait3A_1262 = arith.constant 0 : i32
          %dma_wait3A_1263 = tpu.memref_slice %arg12[%dma_wait3A_1249, %dma_wait3A_1261, %dma_wait3A_1262] : memref<8x16x768xf32, #tpu.memory_space<vmem>> -> memref<1x16x768xf32, #tpu.memory_space<vmem>>
          %dma_wait3A_1264 = tpu.memref_squeeze %dma_wait3A_1263 : memref<1x16x768xf32, #tpu.memory_space<vmem>> -> memref<16x768xf32, #tpu.memory_space<vmem>>
          tpu.wait_dma2 semaphore(%arg23 : memref<!tpu.dma_semaphore, #tpu.memory_space<semaphore_mem>>) src(%dma_wait3A_1264 : memref<16x768xf32, #tpu.memory_space<vmem>>) dst(%dma_wait3A_1260 : memref<16x768xf32, #tpu.memory_space<hbm>>)
        } else {
        }
        %jit3A_1197 = arith.constant 8 : i32
        %div3A_1198 = arith.divsi %add3A_815, %jit3A_1197 : i32
        %sign3A_1199 = arith.constant 0 : i32
        %sign3A_1200 = arith.cmpi sgt, %add3A_815, %sign3A_1199 : i32
        %sign3A_1201 = arith.extui %sign3A_1200 : i1 to i32
        %sign3A_1202 = arith.constant 0 : i32
        %sign3A_1203 = arith.cmpi slt, %add3A_815, %sign3A_1202 : i32
        %sign3A_1204 = arith.extui %sign3A_1203 : i1 to i32
        %sign3A_1205 = arith.subi %sign3A_1201, %sign3A_1204 : i32
        %sign3A_1206 = arith.constant 0 : i32
        %sign3A_1207 = arith.cmpi sgt, %jit3A_1197, %sign3A_1206 : i32
        %sign3A_1208 = arith.extui %sign3A_1207 : i1 to i32
        %sign3A_1209 = arith.constant 0 : i32
        %sign3A_1210 = arith.cmpi slt, %jit3A_1197, %sign3A_1209 : i32
        %sign3A_1211 = arith.extui %sign3A_1210 : i1 to i32
        %sign3A_1212 = arith.subi %sign3A_1208, %sign3A_1211 : i32
        %ne3A_1213 = arith.cmpi ne, %sign3A_1205, %sign3A_1212 : i32
        %rem3A_1214 = arith.remsi %add3A_815, %jit3A_1197 : i32
        %ne3A_1215 = arith.constant 0 : i32
        %ne3A_1216 = arith.cmpi ne, %rem3A_1214, %ne3A_1215 : i32
        %and3A_1217 = arith.andi %ne3A_1213, %ne3A_1216 : i1
        %sub3A_1218 = arith.constant 1 : i32
        %sub3A_1219 = arith.subi %div3A_1198, %sub3A_1218 : i32
        %select_n3A_1220 = arith.select %and3A_1217, %sub3A_1219, %div3A_1198 : i32
        %jit3A_1221 = arith.constant 8 : i32
        %eq3A_1222 = arith.constant 0 : i32
        %eq3A_1223 = arith.cmpi eq, %jit3A_1221, %eq3A_1222 : i32
        %jit3A_1224 = arith.constant 1 : i32
        %select_n3A_1225 = arith.select %eq3A_1223, %jit3A_1224, %jit3A_1221 : i32
        %rem3A_1226 = arith.remsi %add3A_815, %select_n3A_1225 : i32
        %ne3A_1227 = arith.constant 0 : i32
        %ne3A_1228 = arith.cmpi ne, %rem3A_1226, %ne3A_1227 : i32
        %lt3A_1229 = arith.constant 0 : i32
        %lt3A_1230 = arith.cmpi slt, %rem3A_1226, %lt3A_1229 : i32
        %lt3A_1231 = arith.constant 0 : i32
        %lt3A_1232 = arith.cmpi slt, %select_n3A_1225, %lt3A_1231 : i32
        %ne3A_1233 = arith.xori %lt3A_1230, %lt3A_1232 : i1
        %and3A_1234 = arith.andi %ne3A_1233, %ne3A_1228 : i1
        %add3A_1235 = arith.addi %rem3A_1226, %select_n3A_1225 : i32
        %select_n3A_1236 = arith.select %and3A_1234, %add3A_1235, %rem3A_1226 : i32
        %mul3A_1237 = arith.constant 16 : i32
        %mul3A_1238 = arith.muli %select_n3A_1236, %mul3A_1237 : i32
        %dma_start3A_1239 = arith.constant 2 : i32
        %dma_start3A_1240 = arith.constant 0 : i32
        %dma_start3A_1241 = arith.constant 0 : i32
        %dma_start3A_1242 = tpu.memref_slice %arg12[%dma_start3A_1239, %dma_start3A_1240, %dma_start3A_1241] : memref<8x16x768xf32, #tpu.memory_space<vmem>> -> memref<1x16x768xf32, #tpu.memory_space<vmem>>
        %dma_start3A_1243 = tpu.memref_squeeze %dma_start3A_1242 : memref<1x16x768xf32, #tpu.memory_space<vmem>> -> memref<16x768xf32, #tpu.memory_space<vmem>>
        %dma_start3A_1244 = tpu.memref_slice %arg8[%select_n3A_1220, %mul3A_1238] : memref<16x128xi32, #tpu.memory_space<vmem>> -> memref<1x16xi32, #tpu.memory_space<vmem>>
        %dma_start3A_1245 = tpu.memref_squeeze %dma_start3A_1244 : memref<1x16xi32, #tpu.memory_space<vmem>> -> memref<16xi32, #tpu.memory_space<vmem>>
        %dma_start3A_1246 = arith.constant 0 : i32
        %dma_start3A_1247 = arith.constant 0 : i32
        %dma_start3A_1248 = tpu.memref_slice %arg4[%dma_start3A_1246, %dma_start3A_1247] : memref<100000x768xf32, #tpu.memory_space<hbm>> -> memref<100000x768xf32, #tpu.memory_space<hbm>>
        tpu.enqueue_indirect_dma source(%dma_start3A_1248 : memref<100000x768xf32, #tpu.memory_space<hbm>>) target(%dma_start3A_1243 : memref<16x768xf32, #tpu.memory_space<vmem>>) offsets(%dma_start3A_1245 : memref<16xi32, #tpu.memory_space<vmem>>) semaphore(%arg15 : memref<!tpu.dma_semaphore, #tpu.memory_space<semaphore_mem>>)
      } else {
      }
      %add3A_821 = arith.constant 5 : i32
      %add3A_822 = arith.addi %add3A_214, %add3A_821 : i32
      %jit3A_823 = arith.constant 8 : i32
      %div3A_824 = arith.divsi %add3A_822, %jit3A_823 : i32
      %sign3A_825 = arith.constant 0 : i32
      %sign3A_826 = arith.cmpi sgt, %add3A_822, %sign3A_825 : i32
      %sign3A_827 = arith.extui %sign3A_826 : i1 to i32
      %sign3A_828 = arith.constant 0 : i32
      %sign3A_829 = arith.cmpi slt, %add3A_822, %sign3A_828 : i32
      %sign3A_830 = arith.extui %sign3A_829 : i1 to i32
      %sign3A_831 = arith.subi %sign3A_827, %sign3A_830 : i32
      %sign3A_832 = arith.constant 0 : i32
      %sign3A_833 = arith.cmpi sgt, %jit3A_823, %sign3A_832 : i32
      %sign3A_834 = arith.extui %sign3A_833 : i1 to i32
      %sign3A_835 = arith.constant 0 : i32
      %sign3A_836 = arith.cmpi slt, %jit3A_823, %sign3A_835 : i32
      %sign3A_837 = arith.extui %sign3A_836 : i1 to i32
      %sign3A_838 = arith.subi %sign3A_834, %sign3A_837 : i32
      %ne3A_839 = arith.cmpi ne, %sign3A_831, %sign3A_838 : i32
      %rem3A_840 = arith.remsi %add3A_822, %jit3A_823 : i32
      %ne3A_841 = arith.constant 0 : i32
      %ne3A_842 = arith.cmpi ne, %rem3A_840, %ne3A_841 : i32
      %and3A_843 = arith.andi %ne3A_839, %ne3A_842 : i1
      %sub3A_844 = arith.constant 1 : i32
      %sub3A_845 = arith.subi %div3A_824, %sub3A_844 : i32
      %select_n3A_846 = arith.select %and3A_843, %sub3A_845, %div3A_824 : i32
      %jit3A_847 = arith.constant 8 : i32
      %eq3A_848 = arith.constant 0 : i32
      %eq3A_849 = arith.cmpi eq, %jit3A_847, %eq3A_848 : i32
      %jit3A_850 = arith.constant 1 : i32
      %select_n3A_851 = arith.select %eq3A_849, %jit3A_850, %jit3A_847 : i32
      %rem3A_852 = arith.remsi %add3A_822, %select_n3A_851 : i32
      %ne3A_853 = arith.constant 0 : i32
      %ne3A_854 = arith.cmpi ne, %rem3A_852, %ne3A_853 : i32
      %lt3A_855 = arith.constant 0 : i32
      %lt3A_856 = arith.cmpi slt, %rem3A_852, %lt3A_855 : i32
      %lt3A_857 = arith.constant 0 : i32
      %lt3A_858 = arith.cmpi slt, %select_n3A_851, %lt3A_857 : i32
      %ne3A_859 = arith.xori %lt3A_856, %lt3A_858 : i1
      %and3A_860 = arith.andi %ne3A_859, %ne3A_854 : i1
      %add3A_861 = arith.addi %rem3A_852, %select_n3A_851 : i32
      %select_n3A_862 = arith.select %and3A_860, %add3A_861, %rem3A_852 : i32
      %mul3A_863 = arith.constant 16 : i32
      %mul3A_864 = arith.muli %select_n3A_862, %mul3A_863 : i32
      %dma_wait3A_865 = arith.constant 5 : i32
      %dma_wait3A_866 = arith.constant 0 : i32
      %dma_wait3A_867 = arith.constant 0 : i32
      %dma_wait3A_868 = tpu.memref_slice %arg12[%dma_wait3A_865, %dma_wait3A_866, %dma_wait3A_867] : memref<8x16x768xf32, #tpu.memory_space<vmem>> -> memref<1x16x768xf32, #tpu.memory_space<vmem>>
      %dma_wait3A_869 = tpu.memref_squeeze %dma_wait3A_868 : memref<1x16x768xf32, #tpu.memory_space<vmem>> -> memref<16x768xf32, #tpu.memory_space<vmem>>
      %dma_wait3A_870 = tpu.memref_slice %arg8[%select_n3A_846, %mul3A_864] : memref<16x128xi32, #tpu.memory_space<vmem>> -> memref<1x16xi32, #tpu.memory_space<vmem>>
      %dma_wait3A_871 = tpu.memref_squeeze %dma_wait3A_870 : memref<1x16xi32, #tpu.memory_space<vmem>> -> memref<16xi32, #tpu.memory_space<vmem>>
      %dma_wait3A_872 = arith.constant 0 : i32
      %dma_wait3A_873 = arith.constant 0 : i32
      %dma_wait3A_874 = tpu.memref_slice %arg4[%dma_wait3A_872, %dma_wait3A_873] : memref<100000x768xf32, #tpu.memory_space<hbm>> -> memref<100000x768xf32, #tpu.memory_space<hbm>>
      tpu.wait_indirect_dma semaphore(%arg18 : memref<!tpu.dma_semaphore, #tpu.memory_space<semaphore_mem>>) src(%dma_wait3A_874 : memref<100000x768xf32, #tpu.memory_space<hbm>>) dst(%dma_wait3A_869 : memref<16x768xf32, #tpu.memory_space<vmem>>)
      %jit3A_875 = arith.constant 8 : i32
      %div3A_876 = arith.divsi %add3A_822, %jit3A_875 : i32
      %sign3A_877 = arith.constant 0 : i32
      %sign3A_878 = arith.cmpi sgt, %add3A_822, %sign3A_877 : i32
      %sign3A_879 = arith.extui %sign3A_878 : i1 to i32
      %sign3A_880 = arith.constant 0 : i32
      %sign3A_881 = arith.cmpi slt, %add3A_822, %sign3A_880 : i32
      %sign3A_882 = arith.extui %sign3A_881 : i1 to i32
      %sign3A_883 = arith.subi %sign3A_879, %sign3A_882 : i32
      %sign3A_884 = arith.constant 0 : i32
      %sign3A_885 = arith.cmpi sgt, %jit3A_875, %sign3A_884 : i32
      %sign3A_886 = arith.extui %sign3A_885 : i1 to i32
      %sign3A_887 = arith.constant 0 : i32
      %sign3A_888 = arith.cmpi slt, %jit3A_875, %sign3A_887 : i32
      %sign3A_889 = arith.extui %sign3A_888 : i1 to i32
      %sign3A_890 = arith.subi %sign3A_886, %sign3A_889 : i32
      %ne3A_891 = arith.cmpi ne, %sign3A_883, %sign3A_890 : i32
      %rem3A_892 = arith.remsi %add3A_822, %jit3A_875 : i32
      %ne3A_893 = arith.constant 0 : i32
      %ne3A_894 = arith.cmpi ne, %rem3A_892, %ne3A_893 : i32
      %and3A_895 = arith.andi %ne3A_891, %ne3A_894 : i1
      %sub3A_896 = arith.constant 1 : i32
      %sub3A_897 = arith.subi %div3A_876, %sub3A_896 : i32
      %select_n3A_898 = arith.select %and3A_895, %sub3A_897, %div3A_876 : i32
      %jit3A_899 = arith.constant 8 : i32
      %eq3A_900 = arith.constant 0 : i32
      %eq3A_901 = arith.cmpi eq, %jit3A_899, %eq3A_900 : i32
      %jit3A_902 = arith.constant 1 : i32
      %select_n3A_903 = arith.select %eq3A_901, %jit3A_902, %jit3A_899 : i32
      %rem3A_904 = arith.remsi %add3A_822, %select_n3A_903 : i32
      %ne3A_905 = arith.constant 0 : i32
      %ne3A_906 = arith.cmpi ne, %rem3A_904, %ne3A_905 : i32
      %lt3A_907 = arith.constant 0 : i32
      %lt3A_908 = arith.cmpi slt, %rem3A_904, %lt3A_907 : i32
      %lt3A_909 = arith.constant 0 : i32
      %lt3A_910 = arith.cmpi slt, %select_n3A_903, %lt3A_909 : i32
      %ne3A_911 = arith.xori %lt3A_908, %lt3A_910 : i1
      %and3A_912 = arith.andi %ne3A_911, %ne3A_906 : i1
      %add3A_913 = arith.addi %rem3A_904, %select_n3A_903 : i32
      %select_n3A_914 = arith.select %and3A_912, %add3A_913, %rem3A_904 : i32
      %mul3A_915 = arith.constant 16 : i32
      %mul3A_916 = arith.muli %select_n3A_914, %mul3A_915 : i32
      %get3A_917 = arith.index_cast %select_n3A_898 : i32 to index
      %get3A_918 = arith.index_cast %mul3A_916 : i32 to index
      %get3A_919 = tpu.vector_load %arg9[%get3A_917, %get3A_918] {strides = array<i32>} : memref<16x128xi32, #tpu.memory_space<vmem>>, vector<16xi32>,
      %parallel_loop3A_920 = arith.constant 0 : i32
      %parallel_loop3A_921 = arith.constant 16 : i32
      %parallel_loop3A_922 = arith.constant 1 : i32
      scf.for %parallel_loop3A_1193 = %parallel_loop3A_920 to %parallel_loop3A_921 step %parallel_loop3A_922  : i32 {
        %parallel_loop3A_1194 = vector.broadcast %parallel_loop3A_1193 : i32 to vector<16xi32>
        %parallel_loop3A_1195 = arith.cmpi eq, %iota3A, %parallel_loop3A_1194 : vector<16xi32>
        %parallel_loop3A_1196 = arith.constant 0 : i32
        %parallel_loop3A_1197 = vector.broadcast %parallel_loop3A_1196 : i32 to vector<16xi32>
        %parallel_loop3A_1198 = arith.select %parallel_loop3A_1195, %get3A_919, %parallel_loop3A_1197 : vector<16xi1>, vector<16xi32>
        %parallel_loop3A_1199 = arith.constant true
        %parallel_loop3A_1200 = vector.broadcast %parallel_loop3A_1199 : i1 to vector<16xi1>
        %parallel_loop3A_1201 = tpu.scan <sum>, %parallel_loop3A_1198 masked %parallel_loop3A_1200 : vector<16xi32>, vector<16xi1> -> vector<16xi32>
        %parallel_loop3A_1202 = vector.extract %parallel_loop3A_1201[15] : i32 from vector<16xi32>
        %parallel_loop3A_1203 = arith.constant 16 : i32
        %parallel_loop3A_1204 = arith.muli %parallel_loop3A_1202, %parallel_loop3A_1203 : i32
        %parallel_loop3A_1205 = arith.addi %parallel_loop3A_1204, %parallel_loop3A_1193 : i32
        %parallel_loop3A_1206 = arith.constant 0 : i32
        %parallel_loop3A_1207 = arith.constant 48 : i32
        %parallel_loop3A_1208 = arith.constant 1 : i32
        scf.for %parallel_loop3A_1209 = %parallel_loop3A_1206 to %parallel_loop3A_1207 step %parallel_loop3A_1208  : i32 {
          %parallel_loop3A_1210 = arith.constant 16 : i32
          %parallel_loop3A_1211 = arith.muli %parallel_loop3A_1209, %parallel_loop3A_1210 : i32
          %parallel_loop3A_1212 = arith.constant 5 : i32
          %parallel_loop3A_1213 = arith.index_cast %parallel_loop3A_1212 : i32 to index
          %parallel_loop3A_1214 = arith.index_cast %parallel_loop3A_1193 : i32 to index
          %parallel_loop3A_1215 = arith.index_cast %parallel_loop3A_1211 : i32 to index
          %parallel_loop3A_1216 = tpu.vector_load %arg12[%parallel_loop3A_1213, %parallel_loop3A_1214, %parallel_loop3A_1215] {strides = array<i32>} : memref<8x16x768xf32, #tpu.memory_space<vmem>>, vector<16xf32>,
          %parallel_loop3A_1217 = arith.index_cast %parallel_loop3A_1205 : i32 to index
          %parallel_loop3A_1218 = arith.index_cast %parallel_loop3A_1211 : i32 to index
          %parallel_loop3A_1219 = tpu.vector_load %arg10[%parallel_loop3A_1217, %parallel_loop3A_1218] {strides = array<i32>} : memref<32x768xf32, #tpu.memory_space<vmem>>, vector<16xf32>,
          %parallel_loop3A_1220 = arith.addf %parallel_loop3A_1216, %parallel_loop3A_1219 : vector<16xf32>
          %parallel_loop3A_1221 = arith.constant 5 : i32
          %parallel_loop3A_1222 = arith.index_cast %parallel_loop3A_1221 : i32 to index
          %parallel_loop3A_1223 = arith.index_cast %parallel_loop3A_1193 : i32 to index
          %parallel_loop3A_1224 = arith.index_cast %parallel_loop3A_1211 : i32 to index
          %parallel_loop3A_1225 = tpu.vector_load %arg12[%parallel_loop3A_1222, %parallel_loop3A_1223, %parallel_loop3A_1224] {strides = array<i32>} : memref<8x16x768xf32, #tpu.memory_space<vmem>>, vector<16xf32>,
          tpu.vector_store %arg12[%parallel_loop3A_1222, %parallel_loop3A_1223, %parallel_loop3A_1224], %parallel_loop3A_1220 {strides = array<i32>} : memref<8x16x768xf32, #tpu.memory_space<vmem>>, vector<16xf32>,
        } {sc.loop_unroll_factor = 8 : i64, sc.parallel_access}
      } {sc.loop_unroll_factor = 1 : i64, sc.parallel_access}
      %dma_start3A_923 = arith.constant 5 : i32
      %dma_start3A_924 = arith.constant 0 : i32
      %dma_start3A_925 = arith.constant 0 : i32
      %dma_start3A_926 = tpu.memref_slice %arg12[%dma_start3A_923, %dma_start3A_924, %dma_start3A_925] : memref<8x16x768xf32, #tpu.memory_space<vmem>> -> memref<1x16x768xf32, #tpu.memory_space<vmem>>
      %dma_start3A_927 = tpu.memref_squeeze %dma_start3A_926 : memref<1x16x768xf32, #tpu.memory_space<vmem>> -> memref<16x768xf32, #tpu.memory_space<vmem>>
      %dma_start3A_928 = arith.constant 0 : i32
      %dma_start3A_929 = tpu.memref_slice %arg7[%add3A_822, %mul3A_2, %dma_start3A_928] : memref<128x512x768xf32, #tpu.memory_space<hbm>> -> memref<1x16x768xf32, #tpu.memory_space<hbm>>
      %dma_start3A_930 = tpu.memref_squeeze %dma_start3A_929 : memref<1x16x768xf32, #tpu.memory_space<hbm>> -> memref<16x768xf32, #tpu.memory_space<hbm>>
      %dma_start3A_931 = arith.constant 0 : i32
      %dma_start3A_932 = tpu.memref_slice %arg7[%add3A_822, %mul3A_2, %dma_start3A_931] : memref<128x512x768xf32, #tpu.memory_space<hbm>> -> memref<1x16x768xf32, #tpu.memory_space<hbm>>
      %dma_start3A_933 = tpu.memref_squeeze %dma_start3A_932 : memref<1x16x768xf32, #tpu.memory_space<hbm>> -> memref<16x768xf32, #tpu.memory_space<hbm>>
      %dma_start3A_934 = arith.constant 0 : i32
      %dma_start3A_935 = arith.constant 0 : i32
      %dma_start3A_936 = tpu.memref_slice %arg12[%dma_start3A_923, %dma_start3A_934, %dma_start3A_935] : memref<8x16x768xf32, #tpu.memory_space<vmem>> -> memref<1x16x768xf32, #tpu.memory_space<vmem>>
      %dma_start3A_937 = tpu.memref_squeeze %dma_start3A_936 : memref<1x16x768xf32, #tpu.memory_space<vmem>> -> memref<16x768xf32, #tpu.memory_space<vmem>>
      tpu.enqueue_dma source(%dma_start3A_937 : memref<16x768xf32, #tpu.memory_space<vmem>>) target(%dma_start3A_933 : memref<16x768xf32, #tpu.memory_space<hbm>>) target_semaphore(%arg26 : memref<!tpu.dma_semaphore, #tpu.memory_space<semaphore_mem>>)
      %add3A_938 = arith.constant 6 : i32
      %add3A_939 = arith.addi %add3A_822, %add3A_938 : i32
      %lt3A_940 = arith.constant 128 : i32
      %lt3A_941 = arith.cmpi slt, %add3A_939, %lt3A_940 : i32
      %convert_element_type3A_942 = arith.extui %lt3A_941 : i1 to i32
      %cond3A_943 = arith.constant 0 : i32
      %cond3A_944 = arith.cmpi ne, %convert_element_type3A_942, %cond3A_943 : i32
      scf.if %cond3A_944 {
        %ge3A = arith.constant 8 : i32
        %ge3A_1193 = arith.cmpi sge, %add3A_939, %ge3A : i32
        %convert_element_type3A_1194 = arith.extui %ge3A_1193 : i1 to i32
        %cond3A_1195 = arith.constant 0 : i32
        %cond3A_1196 = arith.cmpi ne, %convert_element_type3A_1194, %cond3A_1195 : i32
        scf.if %cond3A_1196 {
          %dma_wait3A_1249 = arith.constant 3 : i32
          %dma_wait3A_1250 = arith.constant 0 : i32
          %dma_wait3A_1251 = arith.constant 0 : i32
          %dma_wait3A_1252 = arith.constant 0 : i32
          %dma_wait3A_1253 = tpu.memref_slice %arg12[%dma_wait3A_1249, %dma_wait3A_1251, %dma_wait3A_1252] : memref<8x16x768xf32, #tpu.memory_space<vmem>> -> memref<1x16x768xf32, #tpu.memory_space<vmem>>
          %dma_wait3A_1254 = tpu.memref_squeeze %dma_wait3A_1253 : memref<1x16x768xf32, #tpu.memory_space<vmem>> -> memref<16x768xf32, #tpu.memory_space<vmem>>
          %dma_wait3A_1255 = arith.constant 0 : i32
          %dma_wait3A_1256 = tpu.memref_slice %arg7[%dma_wait3A_1250, %mul3A_2, %dma_wait3A_1255] : memref<128x512x768xf32, #tpu.memory_space<hbm>> -> memref<1x16x768xf32, #tpu.memory_space<hbm>>
          %dma_wait3A_1257 = tpu.memref_squeeze %dma_wait3A_1256 : memref<1x16x768xf32, #tpu.memory_space<hbm>> -> memref<16x768xf32, #tpu.memory_space<hbm>>
          %dma_wait3A_1258 = arith.constant 0 : i32
          %dma_wait3A_1259 = tpu.memref_slice %arg7[%dma_wait3A_1250, %mul3A_2, %dma_wait3A_1258] : memref<128x512x768xf32, #tpu.memory_space<hbm>> -> memref<1x16x768xf32, #tpu.memory_space<hbm>>
          %dma_wait3A_1260 = tpu.memref_squeeze %dma_wait3A_1259 : memref<1x16x768xf32, #tpu.memory_space<hbm>> -> memref<16x768xf32, #tpu.memory_space<hbm>>
          %dma_wait3A_1261 = arith.constant 0 : i32
          %dma_wait3A_1262 = arith.constant 0 : i32
          %dma_wait3A_1263 = tpu.memref_slice %arg12[%dma_wait3A_1249, %dma_wait3A_1261, %dma_wait3A_1262] : memref<8x16x768xf32, #tpu.memory_space<vmem>> -> memref<1x16x768xf32, #tpu.memory_space<vmem>>
          %dma_wait3A_1264 = tpu.memref_squeeze %dma_wait3A_1263 : memref<1x16x768xf32, #tpu.memory_space<vmem>> -> memref<16x768xf32, #tpu.memory_space<vmem>>
          tpu.wait_dma2 semaphore(%arg24 : memref<!tpu.dma_semaphore, #tpu.memory_space<semaphore_mem>>) src(%dma_wait3A_1264 : memref<16x768xf32, #tpu.memory_space<vmem>>) dst(%dma_wait3A_1260 : memref<16x768xf32, #tpu.memory_space<hbm>>)
        } else {
        }
        %jit3A_1197 = arith.constant 8 : i32
        %div3A_1198 = arith.divsi %add3A_939, %jit3A_1197 : i32
        %sign3A_1199 = arith.constant 0 : i32
        %sign3A_1200 = arith.cmpi sgt, %add3A_939, %sign3A_1199 : i32
        %sign3A_1201 = arith.extui %sign3A_1200 : i1 to i32
        %sign3A_1202 = arith.constant 0 : i32
        %sign3A_1203 = arith.cmpi slt, %add3A_939, %sign3A_1202 : i32
        %sign3A_1204 = arith.extui %sign3A_1203 : i1 to i32
        %sign3A_1205 = arith.subi %sign3A_1201, %sign3A_1204 : i32
        %sign3A_1206 = arith.constant 0 : i32
        %sign3A_1207 = arith.cmpi sgt, %jit3A_1197, %sign3A_1206 : i32
        %sign3A_1208 = arith.extui %sign3A_1207 : i1 to i32
        %sign3A_1209 = arith.constant 0 : i32
        %sign3A_1210 = arith.cmpi slt, %jit3A_1197, %sign3A_1209 : i32
        %sign3A_1211 = arith.extui %sign3A_1210 : i1 to i32
        %sign3A_1212 = arith.subi %sign3A_1208, %sign3A_1211 : i32
        %ne3A_1213 = arith.cmpi ne, %sign3A_1205, %sign3A_1212 : i32
        %rem3A_1214 = arith.remsi %add3A_939, %jit3A_1197 : i32
        %ne3A_1215 = arith.constant 0 : i32
        %ne3A_1216 = arith.cmpi ne, %rem3A_1214, %ne3A_1215 : i32
        %and3A_1217 = arith.andi %ne3A_1213, %ne3A_1216 : i1
        %sub3A_1218 = arith.constant 1 : i32
        %sub3A_1219 = arith.subi %div3A_1198, %sub3A_1218 : i32
        %select_n3A_1220 = arith.select %and3A_1217, %sub3A_1219, %div3A_1198 : i32
        %jit3A_1221 = arith.constant 8 : i32
        %eq3A_1222 = arith.constant 0 : i32
        %eq3A_1223 = arith.cmpi eq, %jit3A_1221, %eq3A_1222 : i32
        %jit3A_1224 = arith.constant 1 : i32
        %select_n3A_1225 = arith.select %eq3A_1223, %jit3A_1224, %jit3A_1221 : i32
        %rem3A_1226 = arith.remsi %add3A_939, %select_n3A_1225 : i32
        %ne3A_1227 = arith.constant 0 : i32
        %ne3A_1228 = arith.cmpi ne, %rem3A_1226, %ne3A_1227 : i32
        %lt3A_1229 = arith.constant 0 : i32
        %lt3A_1230 = arith.cmpi slt, %rem3A_1226, %lt3A_1229 : i32
        %lt3A_1231 = arith.constant 0 : i32
        %lt3A_1232 = arith.cmpi slt, %select_n3A_1225, %lt3A_1231 : i32
        %ne3A_1233 = arith.xori %lt3A_1230, %lt3A_1232 : i1
        %and3A_1234 = arith.andi %ne3A_1233, %ne3A_1228 : i1
        %add3A_1235 = arith.addi %rem3A_1226, %select_n3A_1225 : i32
        %select_n3A_1236 = arith.select %and3A_1234, %add3A_1235, %rem3A_1226 : i32
        %mul3A_1237 = arith.constant 16 : i32
        %mul3A_1238 = arith.muli %select_n3A_1236, %mul3A_1237 : i32
        %dma_start3A_1239 = arith.constant 3 : i32
        %dma_start3A_1240 = arith.constant 0 : i32
        %dma_start3A_1241 = arith.constant 0 : i32
        %dma_start3A_1242 = tpu.memref_slice %arg12[%dma_start3A_1239, %dma_start3A_1240, %dma_start3A_1241] : memref<8x16x768xf32, #tpu.memory_space<vmem>> -> memref<1x16x768xf32, #tpu.memory_space<vmem>>
        %dma_start3A_1243 = tpu.memref_squeeze %dma_start3A_1242 : memref<1x16x768xf32, #tpu.memory_space<vmem>> -> memref<16x768xf32, #tpu.memory_space<vmem>>
        %dma_start3A_1244 = tpu.memref_slice %arg8[%select_n3A_1220, %mul3A_1238] : memref<16x128xi32, #tpu.memory_space<vmem>> -> memref<1x16xi32, #tpu.memory_space<vmem>>
        %dma_start3A_1245 = tpu.memref_squeeze %dma_start3A_1244 : memref<1x16xi32, #tpu.memory_space<vmem>> -> memref<16xi32, #tpu.memory_space<vmem>>
        %dma_start3A_1246 = arith.constant 0 : i32
        %dma_start3A_1247 = arith.constant 0 : i32
        %dma_start3A_1248 = tpu.memref_slice %arg4[%dma_start3A_1246, %dma_start3A_1247] : memref<100000x768xf32, #tpu.memory_space<hbm>> -> memref<100000x768xf32, #tpu.memory_space<hbm>>
        tpu.enqueue_indirect_dma source(%dma_start3A_1248 : memref<100000x768xf32, #tpu.memory_space<hbm>>) target(%dma_start3A_1243 : memref<16x768xf32, #tpu.memory_space<vmem>>) offsets(%dma_start3A_1245 : memref<16xi32, #tpu.memory_space<vmem>>) semaphore(%arg16 : memref<!tpu.dma_semaphore, #tpu.memory_space<semaphore_mem>>)
      } else {
      }
      %add3A_945 = arith.constant 6 : i32
      %add3A_946 = arith.addi %add3A_214, %add3A_945 : i32
      %jit3A_947 = arith.constant 8 : i32
      %div3A_948 = arith.divsi %add3A_946, %jit3A_947 : i32
      %sign3A_949 = arith.constant 0 : i32
      %sign3A_950 = arith.cmpi sgt, %add3A_946, %sign3A_949 : i32
      %sign3A_951 = arith.extui %sign3A_950 : i1 to i32
      %sign3A_952 = arith.constant 0 : i32
      %sign3A_953 = arith.cmpi slt, %add3A_946, %sign3A_952 : i32
      %sign3A_954 = arith.extui %sign3A_953 : i1 to i32
      %sign3A_955 = arith.subi %sign3A_951, %sign3A_954 : i32
      %sign3A_956 = arith.constant 0 : i32
      %sign3A_957 = arith.cmpi sgt, %jit3A_947, %sign3A_956 : i32
      %sign3A_958 = arith.extui %sign3A_957 : i1 to i32
      %sign3A_959 = arith.constant 0 : i32
      %sign3A_960 = arith.cmpi slt, %jit3A_947, %sign3A_959 : i32
      %sign3A_961 = arith.extui %sign3A_960 : i1 to i32
      %sign3A_962 = arith.subi %sign3A_958, %sign3A_961 : i32
      %ne3A_963 = arith.cmpi ne, %sign3A_955, %sign3A_962 : i32
      %rem3A_964 = arith.remsi %add3A_946, %jit3A_947 : i32
      %ne3A_965 = arith.constant 0 : i32
      %ne3A_966 = arith.cmpi ne, %rem3A_964, %ne3A_965 : i32
      %and3A_967 = arith.andi %ne3A_963, %ne3A_966 : i1
      %sub3A_968 = arith.constant 1 : i32
      %sub3A_969 = arith.subi %div3A_948, %sub3A_968 : i32
      %select_n3A_970 = arith.select %and3A_967, %sub3A_969, %div3A_948 : i32
      %jit3A_971 = arith.constant 8 : i32
      %eq3A_972 = arith.constant 0 : i32
      %eq3A_973 = arith.cmpi eq, %jit3A_971, %eq3A_972 : i32
      %jit3A_974 = arith.constant 1 : i32
      %select_n3A_975 = arith.select %eq3A_973, %jit3A_974, %jit3A_971 : i32
      %rem3A_976 = arith.remsi %add3A_946, %select_n3A_975 : i32
      %ne3A_977 = arith.constant 0 : i32
      %ne3A_978 = arith.cmpi ne, %rem3A_976, %ne3A_977 : i32
      %lt3A_979 = arith.constant 0 : i32
      %lt3A_980 = arith.cmpi slt, %rem3A_976, %lt3A_979 : i32
      %lt3A_981 = arith.constant 0 : i32
      %lt3A_982 = arith.cmpi slt, %select_n3A_975, %lt3A_981 : i32
      %ne3A_983 = arith.xori %lt3A_980, %lt3A_982 : i1
      %and3A_984 = arith.andi %ne3A_983, %ne3A_978 : i1
      %add3A_985 = arith.addi %rem3A_976, %select_n3A_975 : i32
      %select_n3A_986 = arith.select %and3A_984, %add3A_985, %rem3A_976 : i32
      %mul3A_987 = arith.constant 16 : i32
      %mul3A_988 = arith.muli %select_n3A_986, %mul3A_987 : i32
      %dma_wait3A_989 = arith.constant 6 : i32
      %dma_wait3A_990 = arith.constant 0 : i32
      %dma_wait3A_991 = arith.constant 0 : i32
      %dma_wait3A_992 = tpu.memref_slice %arg12[%dma_wait3A_989, %dma_wait3A_990, %dma_wait3A_991] : memref<8x16x768xf32, #tpu.memory_space<vmem>> -> memref<1x16x768xf32, #tpu.memory_space<vmem>>
      %dma_wait3A_993 = tpu.memref_squeeze %dma_wait3A_992 : memref<1x16x768xf32, #tpu.memory_space<vmem>> -> memref<16x768xf32, #tpu.memory_space<vmem>>
      %dma_wait3A_994 = tpu.memref_slice %arg8[%select_n3A_970, %mul3A_988] : memref<16x128xi32, #tpu.memory_space<vmem>> -> memref<1x16xi32, #tpu.memory_space<vmem>>
      %dma_wait3A_995 = tpu.memref_squeeze %dma_wait3A_994 : memref<1x16xi32, #tpu.memory_space<vmem>> -> memref<16xi32, #tpu.memory_space<vmem>>
      %dma_wait3A_996 = arith.constant 0 : i32
      %dma_wait3A_997 = arith.constant 0 : i32
      %dma_wait3A_998 = tpu.memref_slice %arg4[%dma_wait3A_996, %dma_wait3A_997] : memref<100000x768xf32, #tpu.memory_space<hbm>> -> memref<100000x768xf32, #tpu.memory_space<hbm>>
      tpu.wait_indirect_dma semaphore(%arg19 : memref<!tpu.dma_semaphore, #tpu.memory_space<semaphore_mem>>) src(%dma_wait3A_998 : memref<100000x768xf32, #tpu.memory_space<hbm>>) dst(%dma_wait3A_993 : memref<16x768xf32, #tpu.memory_space<vmem>>)
      %jit3A_999 = arith.constant 8 : i32
      %div3A_1000 = arith.divsi %add3A_946, %jit3A_999 : i32
      %sign3A_1001 = arith.constant 0 : i32
      %sign3A_1002 = arith.cmpi sgt, %add3A_946, %sign3A_1001 : i32
      %sign3A_1003 = arith.extui %sign3A_1002 : i1 to i32
      %sign3A_1004 = arith.constant 0 : i32
      %sign3A_1005 = arith.cmpi slt, %add3A_946, %sign3A_1004 : i32
      %sign3A_1006 = arith.extui %sign3A_1005 : i1 to i32
      %sign3A_1007 = arith.subi %sign3A_1003, %sign3A_1006 : i32
      %sign3A_1008 = arith.constant 0 : i32
      %sign3A_1009 = arith.cmpi sgt, %jit3A_999, %sign3A_1008 : i32
      %sign3A_1010 = arith.extui %sign3A_1009 : i1 to i32
      %sign3A_1011 = arith.constant 0 : i32
      %sign3A_1012 = arith.cmpi slt, %jit3A_999, %sign3A_1011 : i32
      %sign3A_1013 = arith.extui %sign3A_1012 : i1 to i32
      %sign3A_1014 = arith.subi %sign3A_1010, %sign3A_1013 : i32
      %ne3A_1015 = arith.cmpi ne, %sign3A_1007, %sign3A_1014 : i32
      %rem3A_1016 = arith.remsi %add3A_946, %jit3A_999 : i32
      %ne3A_1017 = arith.constant 0 : i32
      %ne3A_1018 = arith.cmpi ne, %rem3A_1016, %ne3A_1017 : i32
      %and3A_1019 = arith.andi %ne3A_1015, %ne3A_1018 : i1
      %sub3A_1020 = arith.constant 1 : i32
      %sub3A_1021 = arith.subi %div3A_1000, %sub3A_1020 : i32
      %select_n3A_1022 = arith.select %and3A_1019, %sub3A_1021, %div3A_1000 : i32
      %jit3A_1023 = arith.constant 8 : i32
      %eq3A_1024 = arith.constant 0 : i32
      %eq3A_1025 = arith.cmpi eq, %jit3A_1023, %eq3A_1024 : i32
      %jit3A_1026 = arith.constant 1 : i32
      %select_n3A_1027 = arith.select %eq3A_1025, %jit3A_1026, %jit3A_1023 : i32
      %rem3A_1028 = arith.remsi %add3A_946, %select_n3A_1027 : i32
      %ne3A_1029 = arith.constant 0 : i32
      %ne3A_1030 = arith.cmpi ne, %rem3A_1028, %ne3A_1029 : i32
      %lt3A_1031 = arith.constant 0 : i32
      %lt3A_1032 = arith.cmpi slt, %rem3A_1028, %lt3A_1031 : i32
      %lt3A_1033 = arith.constant 0 : i32
      %lt3A_1034 = arith.cmpi slt, %select_n3A_1027, %lt3A_1033 : i32
      %ne3A_1035 = arith.xori %lt3A_1032, %lt3A_1034 : i1
      %and3A_1036 = arith.andi %ne3A_1035, %ne3A_1030 : i1
      %add3A_1037 = arith.addi %rem3A_1028, %select_n3A_1027 : i32
      %select_n3A_1038 = arith.select %and3A_1036, %add3A_1037, %rem3A_1028 : i32
      %mul3A_1039 = arith.constant 16 : i32
      %mul3A_1040 = arith.muli %select_n3A_1038, %mul3A_1039 : i32
      %get3A_1041 = arith.index_cast %select_n3A_1022 : i32 to index
      %get3A_1042 = arith.index_cast %mul3A_1040 : i32 to index
      %get3A_1043 = tpu.vector_load %arg9[%get3A_1041, %get3A_1042] {strides = array<i32>} : memref<16x128xi32, #tpu.memory_space<vmem>>, vector<16xi32>,
      %parallel_loop3A_1044 = arith.constant 0 : i32
      %parallel_loop3A_1045 = arith.constant 16 : i32
      %parallel_loop3A_1046 = arith.constant 1 : i32
      scf.for %parallel_loop3A_1193 = %parallel_loop3A_1044 to %parallel_loop3A_1045 step %parallel_loop3A_1046  : i32 {
        %parallel_loop3A_1194 = vector.broadcast %parallel_loop3A_1193 : i32 to vector<16xi32>
        %parallel_loop3A_1195 = arith.cmpi eq, %iota3A, %parallel_loop3A_1194 : vector<16xi32>
        %parallel_loop3A_1196 = arith.constant 0 : i32
        %parallel_loop3A_1197 = vector.broadcast %parallel_loop3A_1196 : i32 to vector<16xi32>
        %parallel_loop3A_1198 = arith.select %parallel_loop3A_1195, %get3A_1043, %parallel_loop3A_1197 : vector<16xi1>, vector<16xi32>
        %parallel_loop3A_1199 = arith.constant true
        %parallel_loop3A_1200 = vector.broadcast %parallel_loop3A_1199 : i1 to vector<16xi1>
        %parallel_loop3A_1201 = tpu.scan <sum>, %parallel_loop3A_1198 masked %parallel_loop3A_1200 : vector<16xi32>, vector<16xi1> -> vector<16xi32>
        %parallel_loop3A_1202 = vector.extract %parallel_loop3A_1201[15] : i32 from vector<16xi32>
        %parallel_loop3A_1203 = arith.constant 16 : i32
        %parallel_loop3A_1204 = arith.muli %parallel_loop3A_1202, %parallel_loop3A_1203 : i32
        %parallel_loop3A_1205 = arith.addi %parallel_loop3A_1204, %parallel_loop3A_1193 : i32
        %parallel_loop3A_1206 = arith.constant 0 : i32
        %parallel_loop3A_1207 = arith.constant 48 : i32
        %parallel_loop3A_1208 = arith.constant 1 : i32
        scf.for %parallel_loop3A_1209 = %parallel_loop3A_1206 to %parallel_loop3A_1207 step %parallel_loop3A_1208  : i32 {
          %parallel_loop3A_1210 = arith.constant 16 : i32
          %parallel_loop3A_1211 = arith.muli %parallel_loop3A_1209, %parallel_loop3A_1210 : i32
          %parallel_loop3A_1212 = arith.constant 6 : i32
          %parallel_loop3A_1213 = arith.index_cast %parallel_loop3A_1212 : i32 to index
          %parallel_loop3A_1214 = arith.index_cast %parallel_loop3A_1193 : i32 to index
          %parallel_loop3A_1215 = arith.index_cast %parallel_loop3A_1211 : i32 to index
          %parallel_loop3A_1216 = tpu.vector_load %arg12[%parallel_loop3A_1213, %parallel_loop3A_1214, %parallel_loop3A_1215] {strides = array<i32>} : memref<8x16x768xf32, #tpu.memory_space<vmem>>, vector<16xf32>,
          %parallel_loop3A_1217 = arith.index_cast %parallel_loop3A_1205 : i32 to index
          %parallel_loop3A_1218 = arith.index_cast %parallel_loop3A_1211 : i32 to index
          %parallel_loop3A_1219 = tpu.vector_load %arg10[%parallel_loop3A_1217, %parallel_loop3A_1218] {strides = array<i32>} : memref<32x768xf32, #tpu.memory_space<vmem>>, vector<16xf32>,
          %parallel_loop3A_1220 = arith.addf %parallel_loop3A_1216, %parallel_loop3A_1219 : vector<16xf32>
          %parallel_loop3A_1221 = arith.constant 6 : i32
          %parallel_loop3A_1222 = arith.index_cast %parallel_loop3A_1221 : i32 to index
          %parallel_loop3A_1223 = arith.index_cast %parallel_loop3A_1193 : i32 to index
          %parallel_loop3A_1224 = arith.index_cast %parallel_loop3A_1211 : i32 to index
          %parallel_loop3A_1225 = tpu.vector_load %arg12[%parallel_loop3A_1222, %parallel_loop3A_1223, %parallel_loop3A_1224] {strides = array<i32>} : memref<8x16x768xf32, #tpu.memory_space<vmem>>, vector<16xf32>,
          tpu.vector_store %arg12[%parallel_loop3A_1222, %parallel_loop3A_1223, %parallel_loop3A_1224], %parallel_loop3A_1220 {strides = array<i32>} : memref<8x16x768xf32, #tpu.memory_space<vmem>>, vector<16xf32>,
        } {sc.loop_unroll_factor = 8 : i64, sc.parallel_access}
      } {sc.loop_unroll_factor = 1 : i64, sc.parallel_access}
      %dma_start3A_1047 = arith.constant 6 : i32
      %dma_start3A_1048 = arith.constant 0 : i32
      %dma_start3A_1049 = arith.constant 0 : i32
      %dma_start3A_1050 = tpu.memref_slice %arg12[%dma_start3A_1047, %dma_start3A_1048, %dma_start3A_1049] : memref<8x16x768xf32, #tpu.memory_space<vmem>> -> memref<1x16x768xf32, #tpu.memory_space<vmem>>
      %dma_start3A_1051 = tpu.memref_squeeze %dma_start3A_1050 : memref<1x16x768xf32, #tpu.memory_space<vmem>> -> memref<16x768xf32, #tpu.memory_space<vmem>>
      %dma_start3A_1052 = arith.constant 0 : i32
      %dma_start3A_1053 = tpu.memref_slice %arg7[%add3A_946, %mul3A_2, %dma_start3A_1052] : memref<128x512x768xf32, #tpu.memory_space<hbm>> -> memref<1x16x768xf32, #tpu.memory_space<hbm>>
      %dma_start3A_1054 = tpu.memref_squeeze %dma_start3A_1053 : memref<1x16x768xf32, #tpu.memory_space<hbm>> -> memref<16x768xf32, #tpu.memory_space<hbm>>
      %dma_start3A_1055 = arith.constant 0 : i32
      %dma_start3A_1056 = tpu.memref_slice %arg7[%add3A_946, %mul3A_2, %dma_start3A_1055] : memref<128x512x768xf32, #tpu.memory_space<hbm>> -> memref<1x16x768xf32, #tpu.memory_space<hbm>>
      %dma_start3A_1057 = tpu.memref_squeeze %dma_start3A_1056 : memref<1x16x768xf32, #tpu.memory_space<hbm>> -> memref<16x768xf32, #tpu.memory_space<hbm>>
      %dma_start3A_1058 = arith.constant 0 : i32
      %dma_start3A_1059 = arith.constant 0 : i32
      %dma_start3A_1060 = tpu.memref_slice %arg12[%dma_start3A_1047, %dma_start3A_1058, %dma_start3A_1059] : memref<8x16x768xf32, #tpu.memory_space<vmem>> -> memref<1x16x768xf32, #tpu.memory_space<vmem>>
      %dma_start3A_1061 = tpu.memref_squeeze %dma_start3A_1060 : memref<1x16x768xf32, #tpu.memory_space<vmem>> -> memref<16x768xf32, #tpu.memory_space<vmem>>
      tpu.enqueue_dma source(%dma_start3A_1061 : memref<16x768xf32, #tpu.memory_space<vmem>>) target(%dma_start3A_1057 : memref<16x768xf32, #tpu.memory_space<hbm>>) target_semaphore(%arg27 : memref<!tpu.dma_semaphore, #tpu.memory_space<semaphore_mem>>)
      %add3A_1062 = arith.constant 6 : i32
      %add3A_1063 = arith.addi %add3A_946, %add3A_1062 : i32
      %lt3A_1064 = arith.constant 128 : i32
      %lt3A_1065 = arith.cmpi slt, %add3A_1063, %lt3A_1064 : i32
      %convert_element_type3A_1066 = arith.extui %lt3A_1065 : i1 to i32
      %cond3A_1067 = arith.constant 0 : i32
      %cond3A_1068 = arith.cmpi ne, %convert_element_type3A_1066, %cond3A_1067 : i32
      scf.if %cond3A_1068 {
        %ge3A = arith.constant 8 : i32
        %ge3A_1193 = arith.cmpi sge, %add3A_1063, %ge3A : i32
        %convert_element_type3A_1194 = arith.extui %ge3A_1193 : i1 to i32
        %cond3A_1195 = arith.constant 0 : i32
        %cond3A_1196 = arith.cmpi ne, %convert_element_type3A_1194, %cond3A_1195 : i32
        scf.if %cond3A_1196 {
          %dma_wait3A_1249 = arith.constant 4 : i32
          %dma_wait3A_1250 = arith.constant 0 : i32
          %dma_wait3A_1251 = arith.constant 0 : i32
          %dma_wait3A_1252 = arith.constant 0 : i32
          %dma_wait3A_1253 = tpu.memref_slice %arg12[%dma_wait3A_1249, %dma_wait3A_1251, %dma_wait3A_1252] : memref<8x16x768xf32, #tpu.memory_space<vmem>> -> memref<1x16x768xf32, #tpu.memory_space<vmem>>
          %dma_wait3A_1254 = tpu.memref_squeeze %dma_wait3A_1253 : memref<1x16x768xf32, #tpu.memory_space<vmem>> -> memref<16x768xf32, #tpu.memory_space<vmem>>
          %dma_wait3A_1255 = arith.constant 0 : i32
          %dma_wait3A_1256 = tpu.memref_slice %arg7[%dma_wait3A_1250, %mul3A_2, %dma_wait3A_1255] : memref<128x512x768xf32, #tpu.memory_space<hbm>> -> memref<1x16x768xf32, #tpu.memory_space<hbm>>
          %dma_wait3A_1257 = tpu.memref_squeeze %dma_wait3A_1256 : memref<1x16x768xf32, #tpu.memory_space<hbm>> -> memref<16x768xf32, #tpu.memory_space<hbm>>
          %dma_wait3A_1258 = arith.constant 0 : i32
          %dma_wait3A_1259 = tpu.memref_slice %arg7[%dma_wait3A_1250, %mul3A_2, %dma_wait3A_1258] : memref<128x512x768xf32, #tpu.memory_space<hbm>> -> memref<1x16x768xf32, #tpu.memory_space<hbm>>
          %dma_wait3A_1260 = tpu.memref_squeeze %dma_wait3A_1259 : memref<1x16x768xf32, #tpu.memory_space<hbm>> -> memref<16x768xf32, #tpu.memory_space<hbm>>
          %dma_wait3A_1261 = arith.constant 0 : i32
          %dma_wait3A_1262 = arith.constant 0 : i32
          %dma_wait3A_1263 = tpu.memref_slice %arg12[%dma_wait3A_1249, %dma_wait3A_1261, %dma_wait3A_1262] : memref<8x16x768xf32, #tpu.memory_space<vmem>> -> memref<1x16x768xf32, #tpu.memory_space<vmem>>
          %dma_wait3A_1264 = tpu.memref_squeeze %dma_wait3A_1263 : memref<1x16x768xf32, #tpu.memory_space<vmem>> -> memref<16x768xf32, #tpu.memory_space<vmem>>
          tpu.wait_dma2 semaphore(%arg25 : memref<!tpu.dma_semaphore, #tpu.memory_space<semaphore_mem>>) src(%dma_wait3A_1264 : memref<16x768xf32, #tpu.memory_space<vmem>>) dst(%dma_wait3A_1260 : memref<16x768xf32, #tpu.memory_space<hbm>>)
        } else {
        }
        %jit3A_1197 = arith.constant 8 : i32
        %div3A_1198 = arith.divsi %add3A_1063, %jit3A_1197 : i32
        %sign3A_1199 = arith.constant 0 : i32
        %sign3A_1200 = arith.cmpi sgt, %add3A_1063, %sign3A_1199 : i32
        %sign3A_1201 = arith.extui %sign3A_1200 : i1 to i32
        %sign3A_1202 = arith.constant 0 : i32
        %sign3A_1203 = arith.cmpi slt, %add3A_1063, %sign3A_1202 : i32
        %sign3A_1204 = arith.extui %sign3A_1203 : i1 to i32
        %sign3A_1205 = arith.subi %sign3A_1201, %sign3A_1204 : i32
        %sign3A_1206 = arith.constant 0 : i32
        %sign3A_1207 = arith.cmpi sgt, %jit3A_1197, %sign3A_1206 : i32
        %sign3A_1208 = arith.extui %sign3A_1207 : i1 to i32
        %sign3A_1209 = arith.constant 0 : i32
        %sign3A_1210 = arith.cmpi slt, %jit3A_1197, %sign3A_1209 : i32
        %sign3A_1211 = arith.extui %sign3A_1210 : i1 to i32
        %sign3A_1212 = arith.subi %sign3A_1208, %sign3A_1211 : i32
        %ne3A_1213 = arith.cmpi ne, %sign3A_1205, %sign3A_1212 : i32
        %rem3A_1214 = arith.remsi %add3A_1063, %jit3A_1197 : i32
        %ne3A_1215 = arith.constant 0 : i32
        %ne3A_1216 = arith.cmpi ne, %rem3A_1214, %ne3A_1215 : i32
        %and3A_1217 = arith.andi %ne3A_1213, %ne3A_1216 : i1
        %sub3A_1218 = arith.constant 1 : i32
        %sub3A_1219 = arith.subi %div3A_1198, %sub3A_1218 : i32
        %select_n3A_1220 = arith.select %and3A_1217, %sub3A_1219, %div3A_1198 : i32
        %jit3A_1221 = arith.constant 8 : i32
        %eq3A_1222 = arith.constant 0 : i32
        %eq3A_1223 = arith.cmpi eq, %jit3A_1221, %eq3A_1222 : i32
        %jit3A_1224 = arith.constant 1 : i32
        %select_n3A_1225 = arith.select %eq3A_1223, %jit3A_1224, %jit3A_1221 : i32
        %rem3A_1226 = arith.remsi %add3A_1063, %select_n3A_1225 : i32
        %ne3A_1227 = arith.constant 0 : i32
        %ne3A_1228 = arith.cmpi ne, %rem3A_1226, %ne3A_1227 : i32
        %lt3A_1229 = arith.constant 0 : i32
        %lt3A_1230 = arith.cmpi slt, %rem3A_1226, %lt3A_1229 : i32
        %lt3A_1231 = arith.constant 0 : i32
        %lt3A_1232 = arith.cmpi slt, %select_n3A_1225, %lt3A_1231 : i32
        %ne3A_1233 = arith.xori %lt3A_1230, %lt3A_1232 : i1
        %and3A_1234 = arith.andi %ne3A_1233, %ne3A_1228 : i1
        %add3A_1235 = arith.addi %rem3A_1226, %select_n3A_1225 : i32
        %select_n3A_1236 = arith.select %and3A_1234, %add3A_1235, %rem3A_1226 : i32
        %mul3A_1237 = arith.constant 16 : i32
        %mul3A_1238 = arith.muli %select_n3A_1236, %mul3A_1237 : i32
        %dma_start3A_1239 = arith.constant 4 : i32
        %dma_start3A_1240 = arith.constant 0 : i32
        %dma_start3A_1241 = arith.constant 0 : i32
        %dma_start3A_1242 = tpu.memref_slice %arg12[%dma_start3A_1239, %dma_start3A_1240, %dma_start3A_1241] : memref<8x16x768xf32, #tpu.memory_space<vmem>> -> memref<1x16x768xf32, #tpu.memory_space<vmem>>
        %dma_start3A_1243 = tpu.memref_squeeze %dma_start3A_1242 : memref<1x16x768xf32, #tpu.memory_space<vmem>> -> memref<16x768xf32, #tpu.memory_space<vmem>>
        %dma_start3A_1244 = tpu.memref_slice %arg8[%select_n3A_1220, %mul3A_1238] : memref<16x128xi32, #tpu.memory_space<vmem>> -> memref<1x16xi32, #tpu.memory_space<vmem>>
        %dma_start3A_1245 = tpu.memref_squeeze %dma_start3A_1244 : memref<1x16xi32, #tpu.memory_space<vmem>> -> memref<16xi32, #tpu.memory_space<vmem>>
        %dma_start3A_1246 = arith.constant 0 : i32
        %dma_start3A_1247 = arith.constant 0 : i32
        %dma_start3A_1248 = tpu.memref_slice %arg4[%dma_start3A_1246, %dma_start3A_1247] : memref<100000x768xf32, #tpu.memory_space<hbm>> -> memref<100000x768xf32, #tpu.memory_space<hbm>>
        tpu.enqueue_indirect_dma source(%dma_start3A_1248 : memref<100000x768xf32, #tpu.memory_space<hbm>>) target(%dma_start3A_1243 : memref<16x768xf32, #tpu.memory_space<vmem>>) offsets(%dma_start3A_1245 : memref<16xi32, #tpu.memory_space<vmem>>) semaphore(%arg17 : memref<!tpu.dma_semaphore, #tpu.memory_space<semaphore_mem>>)
      } else {
      }
      %add3A_1069 = arith.constant 7 : i32
      %add3A_1070 = arith.addi %add3A_214, %add3A_1069 : i32
      %jit3A_1071 = arith.constant 8 : i32
      %div3A_1072 = arith.divsi %add3A_1070, %jit3A_1071 : i32
      %sign3A_1073 = arith.constant 0 : i32
      %sign3A_1074 = arith.cmpi sgt, %add3A_1070, %sign3A_1073 : i32
      %sign3A_1075 = arith.extui %sign3A_1074 : i1 to i32
      %sign3A_1076 = arith.constant 0 : i32
      %sign3A_1077 = arith.cmpi slt, %add3A_1070, %sign3A_1076 : i32
      %sign3A_1078 = arith.extui %sign3A_1077 : i1 to i32
      %sign3A_1079 = arith.subi %sign3A_1075, %sign3A_1078 : i32
      %sign3A_1080 = arith.constant 0 : i32
      %sign3A_1081 = arith.cmpi sgt, %jit3A_1071, %sign3A_1080 : i32
      %sign3A_1082 = arith.extui %sign3A_1081 : i1 to i32
      %sign3A_1083 = arith.constant 0 : i32
      %sign3A_1084 = arith.cmpi slt, %jit3A_1071, %sign3A_1083 : i32
      %sign3A_1085 = arith.extui %sign3A_1084 : i1 to i32
      %sign3A_1086 = arith.subi %sign3A_1082, %sign3A_1085 : i32
      %ne3A_1087 = arith.cmpi ne, %sign3A_1079, %sign3A_1086 : i32
      %rem3A_1088 = arith.remsi %add3A_1070, %jit3A_1071 : i32
      %ne3A_1089 = arith.constant 0 : i32
      %ne3A_1090 = arith.cmpi ne, %rem3A_1088, %ne3A_1089 : i32
      %and3A_1091 = arith.andi %ne3A_1087, %ne3A_1090 : i1
      %sub3A_1092 = arith.constant 1 : i32
      %sub3A_1093 = arith.subi %div3A_1072, %sub3A_1092 : i32
      %select_n3A_1094 = arith.select %and3A_1091, %sub3A_1093, %div3A_1072 : i32
      %jit3A_1095 = arith.constant 8 : i32
      %eq3A_1096 = arith.constant 0 : i32
      %eq3A_1097 = arith.cmpi eq, %jit3A_1095, %eq3A_1096 : i32
      %jit3A_1098 = arith.constant 1 : i32
      %select_n3A_1099 = arith.select %eq3A_1097, %jit3A_1098, %jit3A_1095 : i32
      %rem3A_1100 = arith.remsi %add3A_1070, %select_n3A_1099 : i32
      %ne3A_1101 = arith.constant 0 : i32
      %ne3A_1102 = arith.cmpi ne, %rem3A_1100, %ne3A_1101 : i32
      %lt3A_1103 = arith.constant 0 : i32
      %lt3A_1104 = arith.cmpi slt, %rem3A_1100, %lt3A_1103 : i32
      %lt3A_1105 = arith.constant 0 : i32
      %lt3A_1106 = arith.cmpi slt, %select_n3A_1099, %lt3A_1105 : i32
      %ne3A_1107 = arith.xori %lt3A_1104, %lt3A_1106 : i1
      %and3A_1108 = arith.andi %ne3A_1107, %ne3A_1102 : i1
      %add3A_1109 = arith.addi %rem3A_1100, %select_n3A_1099 : i32
      %select_n3A_1110 = arith.select %and3A_1108, %add3A_1109, %rem3A_1100 : i32
      %mul3A_1111 = arith.constant 16 : i32
      %mul3A_1112 = arith.muli %select_n3A_1110, %mul3A_1111 : i32
      %dma_wait3A_1113 = arith.constant 7 : i32
      %dma_wait3A_1114 = arith.constant 0 : i32
      %dma_wait3A_1115 = arith.constant 0 : i32
      %dma_wait3A_1116 = tpu.memref_slice %arg12[%dma_wait3A_1113, %dma_wait3A_1114, %dma_wait3A_1115] : memref<8x16x768xf32, #tpu.memory_space<vmem>> -> memref<1x16x768xf32, #tpu.memory_space<vmem>>
      %dma_wait3A_1117 = tpu.memref_squeeze %dma_wait3A_1116 : memref<1x16x768xf32, #tpu.memory_space<vmem>> -> memref<16x768xf32, #tpu.memory_space<vmem>>
      %dma_wait3A_1118 = tpu.memref_slice %arg8[%select_n3A_1094, %mul3A_1112] : memref<16x128xi32, #tpu.memory_space<vmem>> -> memref<1x16xi32, #tpu.memory_space<vmem>>
      %dma_wait3A_1119 = tpu.memref_squeeze %dma_wait3A_1118 : memref<1x16xi32, #tpu.memory_space<vmem>> -> memref<16xi32, #tpu.memory_space<vmem>>
      %dma_wait3A_1120 = arith.constant 0 : i32
      %dma_wait3A_1121 = arith.constant 0 : i32
      %dma_wait3A_1122 = tpu.memref_slice %arg4[%dma_wait3A_1120, %dma_wait3A_1121] : memref<100000x768xf32, #tpu.memory_space<hbm>> -> memref<100000x768xf32, #tpu.memory_space<hbm>>
      tpu.wait_indirect_dma semaphore(%arg20 : memref<!tpu.dma_semaphore, #tpu.memory_space<semaphore_mem>>) src(%dma_wait3A_1122 : memref<100000x768xf32, #tpu.memory_space<hbm>>) dst(%dma_wait3A_1117 : memref<16x768xf32, #tpu.memory_space<vmem>>)
      %jit3A_1123 = arith.constant 8 : i32
      %div3A_1124 = arith.divsi %add3A_1070, %jit3A_1123 : i32
      %sign3A_1125 = arith.constant 0 : i32
      %sign3A_1126 = arith.cmpi sgt, %add3A_1070, %sign3A_1125 : i32
      %sign3A_1127 = arith.extui %sign3A_1126 : i1 to i32
      %sign3A_1128 = arith.constant 0 : i32
      %sign3A_1129 = arith.cmpi slt, %add3A_1070, %sign3A_1128 : i32
      %sign3A_1130 = arith.extui %sign3A_1129 : i1 to i32
      %sign3A_1131 = arith.subi %sign3A_1127, %sign3A_1130 : i32
      %sign3A_1132 = arith.constant 0 : i32
      %sign3A_1133 = arith.cmpi sgt, %jit3A_1123, %sign3A_1132 : i32
      %sign3A_1134 = arith.extui %sign3A_1133 : i1 to i32
      %sign3A_1135 = arith.constant 0 : i32
      %sign3A_1136 = arith.cmpi slt, %jit3A_1123, %sign3A_1135 : i32
      %sign3A_1137 = arith.extui %sign3A_1136 : i1 to i32
      %sign3A_1138 = arith.subi %sign3A_1134, %sign3A_1137 : i32
      %ne3A_1139 = arith.cmpi ne, %sign3A_1131, %sign3A_1138 : i32
      %rem3A_1140 = arith.remsi %add3A_1070, %jit3A_1123 : i32
      %ne3A_1141 = arith.constant 0 : i32
      %ne3A_1142 = arith.cmpi ne, %rem3A_1140, %ne3A_1141 : i32
      %and3A_1143 = arith.andi %ne3A_1139, %ne3A_1142 : i1
      %sub3A_1144 = arith.constant 1 : i32
      %sub3A_1145 = arith.subi %div3A_1124, %sub3A_1144 : i32
      %select_n3A_1146 = arith.select %and3A_1143, %sub3A_1145, %div3A_1124 : i32
      %jit3A_1147 = arith.constant 8 : i32
      %eq3A_1148 = arith.constant 0 : i32
      %eq3A_1149 = arith.cmpi eq, %jit3A_1147, %eq3A_1148 : i32
      %jit3A_1150 = arith.constant 1 : i32
      %select_n3A_1151 = arith.select %eq3A_1149, %jit3A_1150, %jit3A_1147 : i32
      %rem3A_1152 = arith.remsi %add3A_1070, %select_n3A_1151 : i32
      %ne3A_1153 = arith.constant 0 : i32
      %ne3A_1154 = arith.cmpi ne, %rem3A_1152, %ne3A_1153 : i32
      %lt3A_1155 = arith.constant 0 : i32
      %lt3A_1156 = arith.cmpi slt, %rem3A_1152, %lt3A_1155 : i32
      %lt3A_1157 = arith.constant 0 : i32
      %lt3A_1158 = arith.cmpi slt, %select_n3A_1151, %lt3A_1157 : i32
      %ne3A_1159 = arith.xori %lt3A_1156, %lt3A_1158 : i1
      %and3A_1160 = arith.andi %ne3A_1159, %ne3A_1154 : i1
      %add3A_1161 = arith.addi %rem3A_1152, %select_n3A_1151 : i32
      %select_n3A_1162 = arith.select %and3A_1160, %add3A_1161, %rem3A_1152 : i32
      %mul3A_1163 = arith.constant 16 : i32
      %mul3A_1164 = arith.muli %select_n3A_1162, %mul3A_1163 : i32
      %get3A_1165 = arith.index_cast %select_n3A_1146 : i32 to index
      %get3A_1166 = arith.index_cast %mul3A_1164 : i32 to index
      %get3A_1167 = tpu.vector_load %arg9[%get3A_1165, %get3A_1166] {strides = array<i32>} : memref<16x128xi32, #tpu.memory_space<vmem>>, vector<16xi32>,
      %parallel_loop3A_1168 = arith.constant 0 : i32
      %parallel_loop3A_1169 = arith.constant 16 : i32
      %parallel_loop3A_1170 = arith.constant 1 : i32
      scf.for %parallel_loop3A_1193 = %parallel_loop3A_1168 to %parallel_loop3A_1169 step %parallel_loop3A_1170  : i32 {
        %parallel_loop3A_1194 = vector.broadcast %parallel_loop3A_1193 : i32 to vector<16xi32>
        %parallel_loop3A_1195 = arith.cmpi eq, %iota3A, %parallel_loop3A_1194 : vector<16xi32>
        %parallel_loop3A_1196 = arith.constant 0 : i32
        %parallel_loop3A_1197 = vector.broadcast %parallel_loop3A_1196 : i32 to vector<16xi32>
        %parallel_loop3A_1198 = arith.select %parallel_loop3A_1195, %get3A_1167, %parallel_loop3A_1197 : vector<16xi1>, vector<16xi32>
        %parallel_loop3A_1199 = arith.constant true
        %parallel_loop3A_1200 = vector.broadcast %parallel_loop3A_1199 : i1 to vector<16xi1>
        %parallel_loop3A_1201 = tpu.scan <sum>, %parallel_loop3A_1198 masked %parallel_loop3A_1200 : vector<16xi32>, vector<16xi1> -> vector<16xi32>
        %parallel_loop3A_1202 = vector.extract %parallel_loop3A_1201[15] : i32 from vector<16xi32>
        %parallel_loop3A_1203 = arith.constant 16 : i32
        %parallel_loop3A_1204 = arith.muli %parallel_loop3A_1202, %parallel_loop3A_1203 : i32
        %parallel_loop3A_1205 = arith.addi %parallel_loop3A_1204, %parallel_loop3A_1193 : i32
        %parallel_loop3A_1206 = arith.constant 0 : i32
        %parallel_loop3A_1207 = arith.constant 48 : i32
        %parallel_loop3A_1208 = arith.constant 1 : i32
        scf.for %parallel_loop3A_1209 = %parallel_loop3A_1206 to %parallel_loop3A_1207 step %parallel_loop3A_1208  : i32 {
          %parallel_loop3A_1210 = arith.constant 16 : i32
          %parallel_loop3A_1211 = arith.muli %parallel_loop3A_1209, %parallel_loop3A_1210 : i32
          %parallel_loop3A_1212 = arith.constant 7 : i32
          %parallel_loop3A_1213 = arith.index_cast %parallel_loop3A_1212 : i32 to index
          %parallel_loop3A_1214 = arith.index_cast %parallel_loop3A_1193 : i32 to index
          %parallel_loop3A_1215 = arith.index_cast %parallel_loop3A_1211 : i32 to index
          %parallel_loop3A_1216 = tpu.vector_load %arg12[%parallel_loop3A_1213, %parallel_loop3A_1214, %parallel_loop3A_1215] {strides = array<i32>} : memref<8x16x768xf32, #tpu.memory_space<vmem>>, vector<16xf32>,
          %parallel_loop3A_1217 = arith.index_cast %parallel_loop3A_1205 : i32 to index
          %parallel_loop3A_1218 = arith.index_cast %parallel_loop3A_1211 : i32 to index
          %parallel_loop3A_1219 = tpu.vector_load %arg10[%parallel_loop3A_1217, %parallel_loop3A_1218] {strides = array<i32>} : memref<32x768xf32, #tpu.memory_space<vmem>>, vector<16xf32>,
          %parallel_loop3A_1220 = arith.addf %parallel_loop3A_1216, %parallel_loop3A_1219 : vector<16xf32>
          %parallel_loop3A_1221 = arith.constant 7 : i32
          %parallel_loop3A_1222 = arith.index_cast %parallel_loop3A_1221 : i32 to index
          %parallel_loop3A_1223 = arith.index_cast %parallel_loop3A_1193 : i32 to index
          %parallel_loop3A_1224 = arith.index_cast %parallel_loop3A_1211 : i32 to index
          %parallel_loop3A_1225 = tpu.vector_load %arg12[%parallel_loop3A_1222, %parallel_loop3A_1223, %parallel_loop3A_1224] {strides = array<i32>} : memref<8x16x768xf32, #tpu.memory_space<vmem>>, vector<16xf32>,
          tpu.vector_store %arg12[%parallel_loop3A_1222, %parallel_loop3A_1223, %parallel_loop3A_1224], %parallel_loop3A_1220 {strides = array<i32>} : memref<8x16x768xf32, #tpu.memory_space<vmem>>, vector<16xf32>,
        } {sc.loop_unroll_factor = 8 : i64, sc.parallel_access}
      } {sc.loop_unroll_factor = 1 : i64, sc.parallel_access}
      %dma_start3A_1171 = arith.constant 7 : i32
      %dma_start3A_1172 = arith.constant 0 : i32
      %dma_start3A_1173 = arith.constant 0 : i32
      %dma_start3A_1174 = tpu.memref_slice %arg12[%dma_start3A_1171, %dma_start3A_1172, %dma_start3A_1173] : memref<8x16x768xf32, #tpu.memory_space<vmem>> -> memref<1x16x768xf32, #tpu.memory_space<vmem>>
      %dma_start3A_1175 = tpu.memref_squeeze %dma_start3A_1174 : memref<1x16x768xf32, #tpu.memory_space<vmem>> -> memref<16x768xf32, #tpu.memory_space<vmem>>
      %dma_start3A_1176 = arith.constant 0 : i32
      %dma_start3A_1177 = tpu.memref_slice %arg7[%add3A_1070, %mul3A_2, %dma_start3A_1176] : memref<128x512x768xf32, #tpu.memory_space<hbm>> -> memref<1x16x768xf32, #tpu.memory_space<hbm>>
      %dma_start3A_1178 = tpu.memref_squeeze %dma_start3A_1177 : memref<1x16x768xf32, #tpu.memory_space<hbm>> -> memref<16x768xf32, #tpu.memory_space<hbm>>
      %dma_start3A_1179 = arith.constant 0 : i32
      %dma_start3A_1180 = tpu.memref_slice %arg7[%add3A_1070, %mul3A_2, %dma_start3A_1179] : memref<128x512x768xf32, #tpu.memory_space<hbm>> -> memref<1x16x768xf32, #tpu.memory_space<hbm>>
      %dma_start3A_1181 = tpu.memref_squeeze %dma_start3A_1180 : memref<1x16x768xf32, #tpu.memory_space<hbm>> -> memref<16x768xf32, #tpu.memory_space<hbm>>
      %dma_start3A_1182 = arith.constant 0 : i32
      %dma_start3A_1183 = arith.constant 0 : i32
      %dma_start3A_1184 = tpu.memref_slice %arg12[%dma_start3A_1171, %dma_start3A_1182, %dma_start3A_1183] : memref<8x16x768xf32, #tpu.memory_space<vmem>> -> memref<1x16x768xf32, #tpu.memory_space<vmem>>
      %dma_start3A_1185 = tpu.memref_squeeze %dma_start3A_1184 : memref<1x16x768xf32, #tpu.memory_space<vmem>> -> memref<16x768xf32, #tpu.memory_space<vmem>>
      tpu.enqueue_dma source(%dma_start3A_1185 : memref<16x768xf32, #tpu.memory_space<vmem>>) target(%dma_start3A_1181 : memref<16x768xf32, #tpu.memory_space<hbm>>) target_semaphore(%arg28 : memref<!tpu.dma_semaphore, #tpu.memory_space<semaphore_mem>>)
      %add3A_1186 = arith.constant 6 : i32
      %add3A_1187 = arith.addi %add3A_1070, %add3A_1186 : i32
      %lt3A_1188 = arith.constant 128 : i32
      %lt3A_1189 = arith.cmpi slt, %add3A_1187, %lt3A_1188 : i32
      %convert_element_type3A_1190 = arith.extui %lt3A_1189 : i1 to i32
      %cond3A_1191 = arith.constant 0 : i32
      %cond3A_1192 = arith.cmpi ne, %convert_element_type3A_1190, %cond3A_1191 : i32
      scf.if %cond3A_1192 {
        %ge3A = arith.constant 8 : i32
        %ge3A_1193 = arith.cmpi sge, %add3A_1187, %ge3A : i32
        %convert_element_type3A_1194 = arith.extui %ge3A_1193 : i1 to i32
        %cond3A_1195 = arith.constant 0 : i32
        %cond3A_1196 = arith.cmpi ne, %convert_element_type3A_1194, %cond3A_1195 : i32
        scf.if %cond3A_1196 {
          %dma_wait3A_1249 = arith.constant 5 : i32
          %dma_wait3A_1250 = arith.constant 0 : i32
          %dma_wait3A_1251 = arith.constant 0 : i32
          %dma_wait3A_1252 = arith.constant 0 : i32
          %dma_wait3A_1253 = tpu.memref_slice %arg12[%dma_wait3A_1249, %dma_wait3A_1251, %dma_wait3A_1252] : memref<8x16x768xf32, #tpu.memory_space<vmem>> -> memref<1x16x768xf32, #tpu.memory_space<vmem>>
          %dma_wait3A_1254 = tpu.memref_squeeze %dma_wait3A_1253 : memref<1x16x768xf32, #tpu.memory_space<vmem>> -> memref<16x768xf32, #tpu.memory_space<vmem>>
          %dma_wait3A_1255 = arith.constant 0 : i32
          %dma_wait3A_1256 = tpu.memref_slice %arg7[%dma_wait3A_1250, %mul3A_2, %dma_wait3A_1255] : memref<128x512x768xf32, #tpu.memory_space<hbm>> -> memref<1x16x768xf32, #tpu.memory_space<hbm>>
          %dma_wait3A_1257 = tpu.memref_squeeze %dma_wait3A_1256 : memref<1x16x768xf32, #tpu.memory_space<hbm>> -> memref<16x768xf32, #tpu.memory_space<hbm>>
          %dma_wait3A_1258 = arith.constant 0 : i32
          %dma_wait3A_1259 = tpu.memref_slice %arg7[%dma_wait3A_1250, %mul3A_2, %dma_wait3A_1258] : memref<128x512x768xf32, #tpu.memory_space<hbm>> -> memref<1x16x768xf32, #tpu.memory_space<hbm>>
          %dma_wait3A_1260 = tpu.memref_squeeze %dma_wait3A_1259 : memref<1x16x768xf32, #tpu.memory_space<hbm>> -> memref<16x768xf32, #tpu.memory_space<hbm>>
          %dma_wait3A_1261 = arith.constant 0 : i32
          %dma_wait3A_1262 = arith.constant 0 : i32
          %dma_wait3A_1263 = tpu.memref_slice %arg12[%dma_wait3A_1249, %dma_wait3A_1261, %dma_wait3A_1262] : memref<8x16x768xf32, #tpu.memory_space<vmem>> -> memref<1x16x768xf32, #tpu.memory_space<vmem>>
          %dma_wait3A_1264 = tpu.memref_squeeze %dma_wait3A_1263 : memref<1x16x768xf32, #tpu.memory_space<vmem>> -> memref<16x768xf32, #tpu.memory_space<vmem>>
          tpu.wait_dma2 semaphore(%arg26 : memref<!tpu.dma_semaphore, #tpu.memory_space<semaphore_mem>>) src(%dma_wait3A_1264 : memref<16x768xf32, #tpu.memory_space<vmem>>) dst(%dma_wait3A_1260 : memref<16x768xf32, #tpu.memory_space<hbm>>)
        } else {
        }
        %jit3A_1197 = arith.constant 8 : i32
        %div3A_1198 = arith.divsi %add3A_1187, %jit3A_1197 : i32
        %sign3A_1199 = arith.constant 0 : i32
        %sign3A_1200 = arith.cmpi sgt, %add3A_1187, %sign3A_1199 : i32
        %sign3A_1201 = arith.extui %sign3A_1200 : i1 to i32
        %sign3A_1202 = arith.constant 0 : i32
        %sign3A_1203 = arith.cmpi slt, %add3A_1187, %sign3A_1202 : i32
        %sign3A_1204 = arith.extui %sign3A_1203 : i1 to i32
        %sign3A_1205 = arith.subi %sign3A_1201, %sign3A_1204 : i32
        %sign3A_1206 = arith.constant 0 : i32
        %sign3A_1207 = arith.cmpi sgt, %jit3A_1197, %sign3A_1206 : i32
        %sign3A_1208 = arith.extui %sign3A_1207 : i1 to i32
        %sign3A_1209 = arith.constant 0 : i32
        %sign3A_1210 = arith.cmpi slt, %jit3A_1197, %sign3A_1209 : i32
        %sign3A_1211 = arith.extui %sign3A_1210 : i1 to i32
        %sign3A_1212 = arith.subi %sign3A_1208, %sign3A_1211 : i32
        %ne3A_1213 = arith.cmpi ne, %sign3A_1205, %sign3A_1212 : i32
        %rem3A_1214 = arith.remsi %add3A_1187, %jit3A_1197 : i32
        %ne3A_1215 = arith.constant 0 : i32
        %ne3A_1216 = arith.cmpi ne, %rem3A_1214, %ne3A_1215 : i32
        %and3A_1217 = arith.andi %ne3A_1213, %ne3A_1216 : i1
        %sub3A_1218 = arith.constant 1 : i32
        %sub3A_1219 = arith.subi %div3A_1198, %sub3A_1218 : i32
        %select_n3A_1220 = arith.select %and3A_1217, %sub3A_1219, %div3A_1198 : i32
        %jit3A_1221 = arith.constant 8 : i32
        %eq3A_1222 = arith.constant 0 : i32
        %eq3A_1223 = arith.cmpi eq, %jit3A_1221, %eq3A_1222 : i32
        %jit3A_1224 = arith.constant 1 : i32
        %select_n3A_1225 = arith.select %eq3A_1223, %jit3A_1224, %jit3A_1221 : i32
        %rem3A_1226 = arith.remsi %add3A_1187, %select_n3A_1225 : i32
        %ne3A_1227 = arith.constant 0 : i32
        %ne3A_1228 = arith.cmpi ne, %rem3A_1226, %ne3A_1227 : i32
        %lt3A_1229 = arith.constant 0 : i32
        %lt3A_1230 = arith.cmpi slt, %rem3A_1226, %lt3A_1229 : i32
        %lt3A_1231 = arith.constant 0 : i32
        %lt3A_1232 = arith.cmpi slt, %select_n3A_1225, %lt3A_1231 : i32
        %ne3A_1233 = arith.xori %lt3A_1230, %lt3A_1232 : i1
        %and3A_1234 = arith.andi %ne3A_1233, %ne3A_1228 : i1
        %add3A_1235 = arith.addi %rem3A_1226, %select_n3A_1225 : i32
        %select_n3A_1236 = arith.select %and3A_1234, %add3A_1235, %rem3A_1226 : i32
        %mul3A_1237 = arith.constant 16 : i32
        %mul3A_1238 = arith.muli %select_n3A_1236, %mul3A_1237 : i32
        %dma_start3A_1239 = arith.constant 5 : i32
        %dma_start3A_1240 = arith.constant 0 : i32
        %dma_start3A_1241 = arith.constant 0 : i32
        %dma_start3A_1242 = tpu.memref_slice %arg12[%dma_start3A_1239, %dma_start3A_1240, %dma_start3A_1241] : memref<8x16x768xf32, #tpu.memory_space<vmem>> -> memref<1x16x768xf32, #tpu.memory_space<vmem>>
        %dma_start3A_1243 = tpu.memref_squeeze %dma_start3A_1242 : memref<1x16x768xf32, #tpu.memory_space<vmem>> -> memref<16x768xf32, #tpu.memory_space<vmem>>
        %dma_start3A_1244 = tpu.memref_slice %arg8[%select_n3A_1220, %mul3A_1238] : memref<16x128xi32, #tpu.memory_space<vmem>> -> memref<1x16xi32, #tpu.memory_space<vmem>>
        %dma_start3A_1245 = tpu.memref_squeeze %dma_start3A_1244 : memref<1x16xi32, #tpu.memory_space<vmem>> -> memref<16xi32, #tpu.memory_space<vmem>>
        %dma_start3A_1246 = arith.constant 0 : i32
        %dma_start3A_1247 = arith.constant 0 : i32
        %dma_start3A_1248 = tpu.memref_slice %arg4[%dma_start3A_1246, %dma_start3A_1247] : memref<100000x768xf32, #tpu.memory_space<hbm>> -> memref<100000x768xf32, #tpu.memory_space<hbm>>
        tpu.enqueue_indirect_dma source(%dma_start3A_1248 : memref<100000x768xf32, #tpu.memory_space<hbm>>) target(%dma_start3A_1243 : memref<16x768xf32, #tpu.memory_space<vmem>>) offsets(%dma_start3A_1245 : memref<16xi32, #tpu.memory_space<vmem>>) semaphore(%arg18 : memref<!tpu.dma_semaphore, #tpu.memory_space<semaphore_mem>>)
      } else {
      }
    }
    %scan3A_82 = arith.constant 16 : i32
    %dma_wait3A = arith.constant 0 : i32
    %dma_wait3A_83 = arith.constant 0 : i32
    %dma_wait3A_84 = arith.constant 0 : i32
    %dma_wait3A_85 = arith.constant 0 : i32
    %dma_wait3A_86 = tpu.memref_slice %arg12[%dma_wait3A, %dma_wait3A_84, %dma_wait3A_85] : memref<8x16x768xf32, #tpu.memory_space<vmem>> -> memref<1x16x768xf32, #tpu.memory_space<vmem>>
    %dma_wait3A_87 = tpu.memref_squeeze %dma_wait3A_86 : memref<1x16x768xf32, #tpu.memory_space<vmem>> -> memref<16x768xf32, #tpu.memory_space<vmem>>
    %dma_wait3A_88 = arith.constant 0 : i32
    %dma_wait3A_89 = tpu.memref_slice %arg7[%dma_wait3A_83, %mul3A_2, %dma_wait3A_88] : memref<128x512x768xf32, #tpu.memory_space<hbm>> -> memref<1x16x768xf32, #tpu.memory_space<hbm>>
    %dma_wait3A_90 = tpu.memref_squeeze %dma_wait3A_89 : memref<1x16x768xf32, #tpu.memory_space<hbm>> -> memref<16x768xf32, #tpu.memory_space<hbm>>
    %dma_wait3A_91 = arith.constant 0 : i32
    %dma_wait3A_92 = tpu.memref_slice %arg7[%dma_wait3A_83, %mul3A_2, %dma_wait3A_91] : memref<128x512x768xf32, #tpu.memory_space<hbm>> -> memref<1x16x768xf32, #tpu.memory_space<hbm>>
    %dma_wait3A_93 = tpu.memref_squeeze %dma_wait3A_92 : memref<1x16x768xf32, #tpu.memory_space<hbm>> -> memref<16x768xf32, #tpu.memory_space<hbm>>
    %dma_wait3A_94 = arith.constant 0 : i32
    %dma_wait3A_95 = arith.constant 0 : i32
    %dma_wait3A_96 = tpu.memref_slice %arg12[%dma_wait3A, %dma_wait3A_94, %dma_wait3A_95] : memref<8x16x768xf32, #tpu.memory_space<vmem>> -> memref<1x16x768xf32, #tpu.memory_space<vmem>>
    %dma_wait3A_97 = tpu.memref_squeeze %dma_wait3A_96 : memref<1x16x768xf32, #tpu.memory_space<vmem>> -> memref<16x768xf32, #tpu.memory_space<vmem>>
    tpu.wait_dma2 semaphore(%arg21 : memref<!tpu.dma_semaphore, #tpu.memory_space<semaphore_mem>>) src(%dma_wait3A_97 : memref<16x768xf32, #tpu.memory_space<vmem>>) dst(%dma_wait3A_93 : memref<16x768xf32, #tpu.memory_space<hbm>>)
    %dma_wait3A_98 = arith.constant 1 : i32
    %dma_wait3A_99 = arith.constant 0 : i32
    %dma_wait3A_100 = arith.constant 0 : i32
    %dma_wait3A_101 = arith.constant 0 : i32
    %dma_wait3A_102 = tpu.memref_slice %arg12[%dma_wait3A_98, %dma_wait3A_100, %dma_wait3A_101] : memref<8x16x768xf32, #tpu.memory_space<vmem>> -> memref<1x16x768xf32, #tpu.memory_space<vmem>>
    %dma_wait3A_103 = tpu.memref_squeeze %dma_wait3A_102 : memref<1x16x768xf32, #tpu.memory_space<vmem>> -> memref<16x768xf32, #tpu.memory_space<vmem>>
    %dma_wait3A_104 = arith.constant 0 : i32
    %dma_wait3A_105 = tpu.memref_slice %arg7[%dma_wait3A_99, %mul3A_2, %dma_wait3A_104] : memref<128x512x768xf32, #tpu.memory_space<hbm>> -> memref<1x16x768xf32, #tpu.memory_space<hbm>>
    %dma_wait3A_106 = tpu.memref_squeeze %dma_wait3A_105 : memref<1x16x768xf32, #tpu.memory_space<hbm>> -> memref<16x768xf32, #tpu.memory_space<hbm>>
    %dma_wait3A_107 = arith.constant 0 : i32
    %dma_wait3A_108 = tpu.memref_slice %arg7[%dma_wait3A_99, %mul3A_2, %dma_wait3A_107] : memref<128x512x768xf32, #tpu.memory_space<hbm>> -> memref<1x16x768xf32, #tpu.memory_space<hbm>>
    %dma_wait3A_109 = tpu.memref_squeeze %dma_wait3A_108 : memref<1x16x768xf32, #tpu.memory_space<hbm>> -> memref<16x768xf32, #tpu.memory_space<hbm>>
    %dma_wait3A_110 = arith.constant 0 : i32
    %dma_wait3A_111 = arith.constant 0 : i32
    %dma_wait3A_112 = tpu.memref_slice %arg12[%dma_wait3A_98, %dma_wait3A_110, %dma_wait3A_111] : memref<8x16x768xf32, #tpu.memory_space<vmem>> -> memref<1x16x768xf32, #tpu.memory_space<vmem>>
    %dma_wait3A_113 = tpu.memref_squeeze %dma_wait3A_112 : memref<1x16x768xf32, #tpu.memory_space<vmem>> -> memref<16x768xf32, #tpu.memory_space<vmem>>
    tpu.wait_dma2 semaphore(%arg22 : memref<!tpu.dma_semaphore, #tpu.memory_space<semaphore_mem>>) src(%dma_wait3A_113 : memref<16x768xf32, #tpu.memory_space<vmem>>) dst(%dma_wait3A_109 : memref<16x768xf32, #tpu.memory_space<hbm>>)
    %dma_wait3A_114 = arith.constant 2 : i32
    %dma_wait3A_115 = arith.constant 0 : i32
    %dma_wait3A_116 = arith.constant 0 : i32
    %dma_wait3A_117 = arith.constant 0 : i32
    %dma_wait3A_118 = tpu.memref_slice %arg12[%dma_wait3A_114, %dma_wait3A_116, %dma_wait3A_117] : memref<8x16x768xf32, #tpu.memory_space<vmem>> -> memref<1x16x768xf32, #tpu.memory_space<vmem>>
    %dma_wait3A_119 = tpu.memref_squeeze %dma_wait3A_118 : memref<1x16x768xf32, #tpu.memory_space<vmem>> -> memref<16x768xf32, #tpu.memory_space<vmem>>
    %dma_wait3A_120 = arith.constant 0 : i32
    %dma_wait3A_121 = tpu.memref_slice %arg7[%dma_wait3A_115, %mul3A_2, %dma_wait3A_120] : memref<128x512x768xf32, #tpu.memory_space<hbm>> -> memref<1x16x768xf32, #tpu.memory_space<hbm>>
    %dma_wait3A_122 = tpu.memref_squeeze %dma_wait3A_121 : memref<1x16x768xf32, #tpu.memory_space<hbm>> -> memref<16x768xf32, #tpu.memory_space<hbm>>
    %dma_wait3A_123 = arith.constant 0 : i32
    %dma_wait3A_124 = tpu.memref_slice %arg7[%dma_wait3A_115, %mul3A_2, %dma_wait3A_123] : memref<128x512x768xf32, #tpu.memory_space<hbm>> -> memref<1x16x768xf32, #tpu.memory_space<hbm>>
    %dma_wait3A_125 = tpu.memref_squeeze %dma_wait3A_124 : memref<1x16x768xf32, #tpu.memory_space<hbm>> -> memref<16x768xf32, #tpu.memory_space<hbm>>
    %dma_wait3A_126 = arith.constant 0 : i32
    %dma_wait3A_127 = arith.constant 0 : i32
    %dma_wait3A_128 = tpu.memref_slice %arg12[%dma_wait3A_114, %dma_wait3A_126, %dma_wait3A_127] : memref<8x16x768xf32, #tpu.memory_space<vmem>> -> memref<1x16x768xf32, #tpu.memory_space<vmem>>
    %dma_wait3A_129 = tpu.memref_squeeze %dma_wait3A_128 : memref<1x16x768xf32, #tpu.memory_space<vmem>> -> memref<16x768xf32, #tpu.memory_space<vmem>>
    tpu.wait_dma2 semaphore(%arg23 : memref<!tpu.dma_semaphore, #tpu.memory_space<semaphore_mem>>) src(%dma_wait3A_129 : memref<16x768xf32, #tpu.memory_space<vmem>>) dst(%dma_wait3A_125 : memref<16x768xf32, #tpu.memory_space<hbm>>)
    %dma_wait3A_130 = arith.constant 3 : i32
    %dma_wait3A_131 = arith.constant 0 : i32
    %dma_wait3A_132 = arith.constant 0 : i32
    %dma_wait3A_133 = arith.constant 0 : i32
    %dma_wait3A_134 = tpu.memref_slice %arg12[%dma_wait3A_130, %dma_wait3A_132, %dma_wait3A_133] : memref<8x16x768xf32, #tpu.memory_space<vmem>> -> memref<1x16x768xf32, #tpu.memory_space<vmem>>
    %dma_wait3A_135 = tpu.memref_squeeze %dma_wait3A_134 : memref<1x16x768xf32, #tpu.memory_space<vmem>> -> memref<16x768xf32, #tpu.memory_space<vmem>>
    %dma_wait3A_136 = arith.constant 0 : i32
    %dma_wait3A_137 = tpu.memref_slice %arg7[%dma_wait3A_131, %mul3A_2, %dma_wait3A_136] : memref<128x512x768xf32, #tpu.memory_space<hbm>> -> memref<1x16x768xf32, #tpu.memory_space<hbm>>
    %dma_wait3A_138 = tpu.memref_squeeze %dma_wait3A_137 : memref<1x16x768xf32, #tpu.memory_space<hbm>> -> memref<16x768xf32, #tpu.memory_space<hbm>>
    %dma_wait3A_139 = arith.constant 0 : i32
    %dma_wait3A_140 = tpu.memref_slice %arg7[%dma_wait3A_131, %mul3A_2, %dma_wait3A_139] : memref<128x512x768xf32, #tpu.memory_space<hbm>> -> memref<1x16x768xf32, #tpu.memory_space<hbm>>
    %dma_wait3A_141 = tpu.memref_squeeze %dma_wait3A_140 : memref<1x16x768xf32, #tpu.memory_space<hbm>> -> memref<16x768xf32, #tpu.memory_space<hbm>>
    %dma_wait3A_142 = arith.constant 0 : i32
    %dma_wait3A_143 = arith.constant 0 : i32
    %dma_wait3A_144 = tpu.memref_slice %arg12[%dma_wait3A_130, %dma_wait3A_142, %dma_wait3A_143] : memref<8x16x768xf32, #tpu.memory_space<vmem>> -> memref<1x16x768xf32, #tpu.memory_space<vmem>>
    %dma_wait3A_145 = tpu.memref_squeeze %dma_wait3A_144 : memref<1x16x768xf32, #tpu.memory_space<vmem>> -> memref<16x768xf32, #tpu.memory_space<vmem>>
    tpu.wait_dma2 semaphore(%arg24 : memref<!tpu.dma_semaphore, #tpu.memory_space<semaphore_mem>>) src(%dma_wait3A_145 : memref<16x768xf32, #tpu.memory_space<vmem>>) dst(%dma_wait3A_141 : memref<16x768xf32, #tpu.memory_space<hbm>>)
    %dma_wait3A_146 = arith.constant 4 : i32
    %dma_wait3A_147 = arith.constant 0 : i32
    %dma_wait3A_148 = arith.constant 0 : i32
    %dma_wait3A_149 = arith.constant 0 : i32
    %dma_wait3A_150 = tpu.memref_slice %arg12[%dma_wait3A_146, %dma_wait3A_148, %dma_wait3A_149] : memref<8x16x768xf32, #tpu.memory_space<vmem>> -> memref<1x16x768xf32, #tpu.memory_space<vmem>>
    %dma_wait3A_151 = tpu.memref_squeeze %dma_wait3A_150 : memref<1x16x768xf32, #tpu.memory_space<vmem>> -> memref<16x768xf32, #tpu.memory_space<vmem>>
    %dma_wait3A_152 = arith.constant 0 : i32
    %dma_wait3A_153 = tpu.memref_slice %arg7[%dma_wait3A_147, %mul3A_2, %dma_wait3A_152] : memref<128x512x768xf32, #tpu.memory_space<hbm>> -> memref<1x16x768xf32, #tpu.memory_space<hbm>>
    %dma_wait3A_154 = tpu.memref_squeeze %dma_wait3A_153 : memref<1x16x768xf32, #tpu.memory_space<hbm>> -> memref<16x768xf32, #tpu.memory_space<hbm>>
    %dma_wait3A_155 = arith.constant 0 : i32
    %dma_wait3A_156 = tpu.memref_slice %arg7[%dma_wait3A_147, %mul3A_2, %dma_wait3A_155] : memref<128x512x768xf32, #tpu.memory_space<hbm>> -> memref<1x16x768xf32, #tpu.memory_space<hbm>>
    %dma_wait3A_157 = tpu.memref_squeeze %dma_wait3A_156 : memref<1x16x768xf32, #tpu.memory_space<hbm>> -> memref<16x768xf32, #tpu.memory_space<hbm>>
    %dma_wait3A_158 = arith.constant 0 : i32
    %dma_wait3A_159 = arith.constant 0 : i32
    %dma_wait3A_160 = tpu.memref_slice %arg12[%dma_wait3A_146, %dma_wait3A_158, %dma_wait3A_159] : memref<8x16x768xf32, #tpu.memory_space<vmem>> -> memref<1x16x768xf32, #tpu.memory_space<vmem>>
    %dma_wait3A_161 = tpu.memref_squeeze %dma_wait3A_160 : memref<1x16x768xf32, #tpu.memory_space<vmem>> -> memref<16x768xf32, #tpu.memory_space<vmem>>
    tpu.wait_dma2 semaphore(%arg25 : memref<!tpu.dma_semaphore, #tpu.memory_space<semaphore_mem>>) src(%dma_wait3A_161 : memref<16x768xf32, #tpu.memory_space<vmem>>) dst(%dma_wait3A_157 : memref<16x768xf32, #tpu.memory_space<hbm>>)
    %dma_wait3A_162 = arith.constant 5 : i32
    %dma_wait3A_163 = arith.constant 0 : i32
    %dma_wait3A_164 = arith.constant 0 : i32
    %dma_wait3A_165 = arith.constant 0 : i32
    %dma_wait3A_166 = tpu.memref_slice %arg12[%dma_wait3A_162, %dma_wait3A_164, %dma_wait3A_165] : memref<8x16x768xf32, #tpu.memory_space<vmem>> -> memref<1x16x768xf32, #tpu.memory_space<vmem>>
    %dma_wait3A_167 = tpu.memref_squeeze %dma_wait3A_166 : memref<1x16x768xf32, #tpu.memory_space<vmem>> -> memref<16x768xf32, #tpu.memory_space<vmem>>
    %dma_wait3A_168 = arith.constant 0 : i32
    %dma_wait3A_169 = tpu.memref_slice %arg7[%dma_wait3A_163, %mul3A_2, %dma_wait3A_168] : memref<128x512x768xf32, #tpu.memory_space<hbm>> -> memref<1x16x768xf32, #tpu.memory_space<hbm>>
    %dma_wait3A_170 = tpu.memref_squeeze %dma_wait3A_169 : memref<1x16x768xf32, #tpu.memory_space<hbm>> -> memref<16x768xf32, #tpu.memory_space<hbm>>
    %dma_wait3A_171 = arith.constant 0 : i32
    %dma_wait3A_172 = tpu.memref_slice %arg7[%dma_wait3A_163, %mul3A_2, %dma_wait3A_171] : memref<128x512x768xf32, #tpu.memory_space<hbm>> -> memref<1x16x768xf32, #tpu.memory_space<hbm>>
    %dma_wait3A_173 = tpu.memref_squeeze %dma_wait3A_172 : memref<1x16x768xf32, #tpu.memory_space<hbm>> -> memref<16x768xf32, #tpu.memory_space<hbm>>
    %dma_wait3A_174 = arith.constant 0 : i32
    %dma_wait3A_175 = arith.constant 0 : i32
    %dma_wait3A_176 = tpu.memref_slice %arg12[%dma_wait3A_162, %dma_wait3A_174, %dma_wait3A_175] : memref<8x16x768xf32, #tpu.memory_space<vmem>> -> memref<1x16x768xf32, #tpu.memory_space<vmem>>
    %dma_wait3A_177 = tpu.memref_squeeze %dma_wait3A_176 : memref<1x16x768xf32, #tpu.memory_space<vmem>> -> memref<16x768xf32, #tpu.memory_space<vmem>>
    tpu.wait_dma2 semaphore(%arg26 : memref<!tpu.dma_semaphore, #tpu.memory_space<semaphore_mem>>) src(%dma_wait3A_177 : memref<16x768xf32, #tpu.memory_space<vmem>>) dst(%dma_wait3A_173 : memref<16x768xf32, #tpu.memory_space<hbm>>)
    %dma_wait3A_178 = arith.constant 6 : i32
    %dma_wait3A_179 = arith.constant 0 : i32
    %dma_wait3A_180 = arith.constant 0 : i32
    %dma_wait3A_181 = arith.constant 0 : i32
    %dma_wait3A_182 = tpu.memref_slice %arg12[%dma_wait3A_178, %dma_wait3A_180, %dma_wait3A_181] : memref<8x16x768xf32, #tpu.memory_space<vmem>> -> memref<1x16x768xf32, #tpu.memory_space<vmem>>
    %dma_wait3A_183 = tpu.memref_squeeze %dma_wait3A_182 : memref<1x16x768xf32, #tpu.memory_space<vmem>> -> memref<16x768xf32, #tpu.memory_space<vmem>>
    %dma_wait3A_184 = arith.constant 0 : i32
    %dma_wait3A_185 = tpu.memref_slice %arg7[%dma_wait3A_179, %mul3A_2, %dma_wait3A_184] : memref<128x512x768xf32, #tpu.memory_space<hbm>> -> memref<1x16x768xf32, #tpu.memory_space<hbm>>
    %dma_wait3A_186 = tpu.memref_squeeze %dma_wait3A_185 : memref<1x16x768xf32, #tpu.memory_space<hbm>> -> memref<16x768xf32, #tpu.memory_space<hbm>>
    %dma_wait3A_187 = arith.constant 0 : i32
    %dma_wait3A_188 = tpu.memref_slice %arg7[%dma_wait3A_179, %mul3A_2, %dma_wait3A_187] : memref<128x512x768xf32, #tpu.memory_space<hbm>> -> memref<1x16x768xf32, #tpu.memory_space<hbm>>
    %dma_wait3A_189 = tpu.memref_squeeze %dma_wait3A_188 : memref<1x16x768xf32, #tpu.memory_space<hbm>> -> memref<16x768xf32, #tpu.memory_space<hbm>>
    %dma_wait3A_190 = arith.constant 0 : i32
    %dma_wait3A_191 = arith.constant 0 : i32
    %dma_wait3A_192 = tpu.memref_slice %arg12[%dma_wait3A_178, %dma_wait3A_190, %dma_wait3A_191] : memref<8x16x768xf32, #tpu.memory_space<vmem>> -> memref<1x16x768xf32, #tpu.memory_space<vmem>>
    %dma_wait3A_193 = tpu.memref_squeeze %dma_wait3A_192 : memref<1x16x768xf32, #tpu.memory_space<vmem>> -> memref<16x768xf32, #tpu.memory_space<vmem>>
    tpu.wait_dma2 semaphore(%arg27 : memref<!tpu.dma_semaphore, #tpu.memory_space<semaphore_mem>>) src(%dma_wait3A_193 : memref<16x768xf32, #tpu.memory_space<vmem>>) dst(%dma_wait3A_189 : memref<16x768xf32, #tpu.memory_space<hbm>>)
    %dma_wait3A_194 = arith.constant 7 : i32
    %dma_wait3A_195 = arith.constant 0 : i32
    %dma_wait3A_196 = arith.constant 0 : i32
    %dma_wait3A_197 = arith.constant 0 : i32
    %dma_wait3A_198 = tpu.memref_slice %arg12[%dma_wait3A_194, %dma_wait3A_196, %dma_wait3A_197] : memref<8x16x768xf32, #tpu.memory_space<vmem>> -> memref<1x16x768xf32, #tpu.memory_space<vmem>>
    %dma_wait3A_199 = tpu.memref_squeeze %dma_wait3A_198 : memref<1x16x768xf32, #tpu.memory_space<vmem>> -> memref<16x768xf32, #tpu.memory_space<vmem>>
    %dma_wait3A_200 = arith.constant 0 : i32
    %dma_wait3A_201 = tpu.memref_slice %arg7[%dma_wait3A_195, %mul3A_2, %dma_wait3A_200] : memref<128x512x768xf32, #tpu.memory_space<hbm>> -> memref<1x16x768xf32, #tpu.memory_space<hbm>>
    %dma_wait3A_202 = tpu.memref_squeeze %dma_wait3A_201 : memref<1x16x768xf32, #tpu.memory_space<hbm>> -> memref<16x768xf32, #tpu.memory_space<hbm>>
    %dma_wait3A_203 = arith.constant 0 : i32
    %dma_wait3A_204 = tpu.memref_slice %arg7[%dma_wait3A_195, %mul3A_2, %dma_wait3A_203] : memref<128x512x768xf32, #tpu.memory_space<hbm>> -> memref<1x16x768xf32, #tpu.memory_space<hbm>>
    %dma_wait3A_205 = tpu.memref_squeeze %dma_wait3A_204 : memref<1x16x768xf32, #tpu.memory_space<hbm>> -> memref<16x768xf32, #tpu.memory_space<hbm>>
    %dma_wait3A_206 = arith.constant 0 : i32
    %dma_wait3A_207 = arith.constant 0 : i32
    %dma_wait3A_208 = tpu.memref_slice %arg12[%dma_wait3A_194, %dma_wait3A_206, %dma_wait3A_207] : memref<8x16x768xf32, #tpu.memory_space<vmem>> -> memref<1x16x768xf32, #tpu.memory_space<vmem>>
    %dma_wait3A_209 = tpu.memref_squeeze %dma_wait3A_208 : memref<1x16x768xf32, #tpu.memory_space<vmem>> -> memref<16x768xf32, #tpu.memory_space<vmem>>
    tpu.wait_dma2 semaphore(%arg28 : memref<!tpu.dma_semaphore, #tpu.memory_space<semaphore_mem>>) src(%dma_wait3A_209 : memref<16x768xf32, #tpu.memory_space<vmem>>) dst(%dma_wait3A_205 : memref<16x768xf32, #tpu.memory_space<hbm>>)
    return
  }
}

</mosaic_0001>

<sc_bundles>
// kernel: _embed.3.cloned.1.call-start
scs
__scs_entry_jumppad:
0x0: {  	(pc) =	sbr.rel $0x88, $3  }
0x1: {  	(tag) =	ssettag $0x0;
	lr =	simm.s32 $0x1  }
0x2: {  	[smem:$0x3F9C] =	sst lr;
	_ =	strace $0xD0000000  }
0x3: {  	_ = 	snop  }
0x4: {  	_ = 	snop  }
0x5: {  	_ = 	snop  }
0x6: {  	_ = 	snop  }
0x7: {  	_ = 	snop  }
__scs_overlays_trampoline_lowered:
0x8: {  	[smem:$0x3FAB] =	sst s0  }
0x9: {  	[smem:$0x3FAC] =	sst s1  }
0xa: {  	[smem:$0x3FAD] =	sst s2  }
0xb: {  	[smem:$0x3FAE] =	sst s3  }
0xc: {  	[smem:$0x3FAF] =	sst s4  }
0xd: {  	[smem:$0x3FB0] =	sst s5  }
0xe: {  	[smem:$0x3FB1] =	sst s6  }
0xf: {  	[smem:$0x3FB2] =	sst s7  }
0x10: {  	[smem:$0x3FB3] =	sst s8  }
0x11: {  	[smem:$0x3FB4] =	sst s9;
	s0 =	simm.s32 @!p0 $0x0  }
0x12: {  	s1 =	sld [smem:$0x3F9A];
	s0 =	simm.s32 @p0 $0x1  }
0x13: {  	[smem:$0x3FB5] =	sst s0;
	s0 =	simm.s32 @!p1 $0x0  }
0x14: {  	s2 =	sld [smem:$0x3F99];
	s0 =	simm.s32 @p1 $0x1  }
0x15: {  	[smem:$0x3FB6] =	sst s0;
	s0 =	simm.s32 @!p2 $0x0  }
0x16: {  	s3 =	sld [smem:$0x3FDB];
	s0 =	simm.s32 @p2 $0x1  }
0x17: {  	s4 =	simm.s32 $0x1BF5;
	[smem:$0x3FB8] =	sst s0  }
0x18: {  	s0 =	sld [smem:$0x3F9B];
	_ =	swait.ge [sflag:s4], $0x0  }
0x19: {  	s7 =	sld [smem:$0x3F9C]  }
0x1a: {  	s8 =	sadd.s32 $0xFFFFE003, lr  }
0x1b: {  	s9 =	sadd.s32 $0xFFFFFEF7, lr;
	s5 =	simm.s32 $0xFFFFFFFF;
	p2 =	slt.u32 s8, $0xFFFFF086  }
0x1c: {  	p1 =	slt.u32 s9, $0xF7A;
	s5 =	simm.s32 @!p2 $0x0  }
0x1d: {  	s5 =	simm.s32 @p1 $0x1;
	p0 =	seq.s32 s7, s2  }
0x1e: {  	s7 =	smul.u32 @!p0 $0xF7A, s2;
	p2 =	seq.s32 @!p0 s5, $0x0  }
0x1f: {  	s9 =	smul.u32 $0xF7A, s1;
	s8 =	simm.s32 @!p0 $0x1BF5;
	p2 =	por !p2, p0  }
0x20: {  	[sflag:s8] =	ssyncset.s32 @!p0 $0xFFFFF086;
	s6 =	sadd.s32 @!p0 s3, s7;
	s7 =	simm.s32 @!p0 $0x108  }
0x21: {  	s3 =	sadd.s32 s3, s9;
	s6 =	sadd.s32 @!p0 $0x88, s6;
	s7 =	simm.s32 @p2 $0x1082  }
0x22: {  	[simem:s7], [sflag:s8] =	dma.local @!p0 [hbm:s6], $0xF7A  }
0x23: {  	s9 =	sor.u32 $0xD0000000, s2;
	s6 =	simm.s32 $0x108;
	_ =	swait.ge @!p0 [sflag:s8], $0x0  }
0x24: {  	s3 =	sadd.s32 $0x88, s3;
	s6 =	simm.s32 @!p1 $0x1082;
	[sflag:s4] =	ssyncset.s32 $0xFFFFF086  }
0x25: {  	[simem:s6], [sflag:s4] =	dma.local [hbm:s3], $0xF7A  }
0x26: {  	[smem:$0x3F9C] =	sst s1;
	(tag) =	ssettag s2;
	_ =	strace s9  }
0x27: {  	s1 =	sld [smem:$0x3FAC]  }
0x28: {  	s2 =	sld [smem:$0x3FAD]  }
0x29: {  	s4 =	sld [smem:$0x3FAF]  }
0x2a: {  	p0 =	seq.s32 s5, $0x0;
	s5 =	sld [smem:$0x3FB0]  }
0x2b: {  	s6 =	sld [smem:$0x3FB1]  }
0x2c: {  	s7 =	sld [smem:$0x3FB2]  }
0x2d: {  	s3 =	simm.s32 $0x108;
	s8 =	sld [smem:$0x3FB3]  }
0x2e: {  	s3 =	simm.s32 @!p0 $0x1082;
	s9 =	sld [smem:$0x3FB4]  }
0x2f: {  	lr =	sadd.s32 s0, s3;
	s0 =	sld [smem:$0x3FAB]  }
0x30: {  	s3 =	sld [smem:$0x3FAE]  }
0x31: {  	[smem:$0x3FB7] =	sst s10  }
0x32: {  	s10 =	sld [smem:$0x3FB5];
	_ =	sdelay $0x3  }
0x33: {  	p0 =	seq.s32 s10, $0x1;
	s10 =	sld [smem:$0x3FB7];
	_ =	sdelay $0x3  }
0x34: {  	[smem:$0x3FB7] =	sst s10  }
0x35: {  	s10 =	sld [smem:$0x3FB6];
	_ =	sdelay $0x3  }
0x36: {  	p1 =	seq.s32 s10, $0x1;
	s10 =	sld [smem:$0x3FB7];
	_ =	sdelay $0x3  }
0x37: {  	[smem:$0x3FB7] =	sst s10  }
0x38: {  	s10 =	sld [smem:$0x3FB8]  }
0x39: {  	_ = 	snop;
	(pc) =	sbr.ind lr, $3  }
0x3a: {  	_ = 	snop  }
0x3b: {  	_ = 	snop  }
0x3c: {  	p2 =	seq.s32 s10, $0x1;
	s10 =	sld [smem:$0x3FB7]  }
0x3d: {  	_ =	shalt  }
0x3e: {  	_ =	shalt  }
0x3f: {  	_ =	shalt  }
0x40: {  	_ =	shalt  }
0x41: {  	_ =	shalt  }
0x42: {  	_ =	shalt  }
0x43: {  	_ =	shalt  }
0x44: {  	_ =	shalt  }
0x45: {  	_ =	shalt  }
0x46: {  	_ =	shalt  }
0x47: {  	_ =	shalt  }
0x48: {  	_ =	shalt  }
0x49: {  	_ =	shalt  }
0x4a: {  	_ =	shalt  }
0x4b: {  	_ =	shalt  }
0x4c: {  	_ =	shalt  }
0x4d: {  	_ =	shalt  }
0x4e: {  	_ =	shalt  }
0x4f: {  	_ =	shalt  }
0x50: {  	_ =	shalt  }
0x51: {  	_ =	shalt  }
0x52: {  	_ =	shalt  }
0x53: {  	_ =	shalt  }
0x54: {  	_ =	shalt  }
0x55: {  	_ =	shalt  }
0x56: {  	_ =	shalt  }
0x57: {  	_ =	shalt  }
0x58: {  	_ =	shalt  }
0x59: {  	_ =	shalt  }
0x5a: {  	_ =	shalt  }
0x5b: {  	_ =	shalt  }
0x5c: {  	_ =	shalt  }
0x5d: {  	_ =	shalt  }
0x5e: {  	_ =	shalt  }
0x5f: {  	_ =	shalt  }
0x60: {  	_ =	shalt  }
0x61: {  	_ =	shalt  }
0x62: {  	_ =	shalt  }
0x63: {  	_ =	shalt  }
0x64: {  	_ =	shalt  }
0x65: {  	_ =	shalt  }
0x66: {  	_ =	shalt  }
0x67: {  	_ =	shalt  }
0x68: {  	_ =	shalt  }
0x69: {  	_ =	shalt  }
0x6a: {  	_ =	shalt  }
0x6b: {  	_ =	shalt  }
0x6c: {  	_ =	shalt  }
0x6d: {  	_ =	shalt  }
0x6e: {  	_ =	shalt  }
0x6f: {  	_ =	shalt  }
0x70: {  	_ =	shalt  }
0x71: {  	_ =	shalt  }
0x72: {  	_ =	shalt  }
0x73: {  	_ =	shalt  }
0x74: {  	_ =	shalt  }
0x75: {  	_ =	shalt  }
0x76: {  	_ =	shalt  }
0x77: {  	_ =	shalt  }
0x78: {  	_ =	shalt  }
0x79: {  	_ =	shalt  }
0x7a: {  	_ =	shalt  }
0x7b: {  	_ =	shalt  }
0x7c: {  	_ =	shalt  }
0x7d: {  	_ =	shalt  }
0x7e: {  	_ =	shalt  }
0x7f: {  	_ =	shalt  }
0x80: {  	_ =	shalt  }
0x81: {  	_ =	shalt  }
0x82: {  	_ =	shalt  }
0x83: {  	_ =	shalt  }
0x84: {  	_ =	shalt  }
0x85: {  	_ =	shalt  }
0x86: {  	_ =	shalt  }
0x87: {  	_ =	shalt  }
.Lfunc_end0:
.L_simem_size_0:
called_computation_lowered:
.L_overlay_start_0:
0x88: {  	s2 =	sld [smem:$0x3FD9]  }
0x89: {  	s3 =	sld [smem:$0x3FFE];
	_ =	sdelay $0x1  }
0x8a: {  	s1 =	srdreg.scid  }
0x8b: {  	s0 =	sand.u32 $0x1, s1  }
0x8c: {  	s17 =	sshll.u32 s0, $0xA;
	s2 =	sadd.s32 s3, s2  }
0x8d: {  	s2 =	sadd.s32 s2, s17  }
0x8e: {  	[smem:$0x3FC3] =	sst s2  }
0x8f: {  	_ = 	snop  }
0x90: {  	s2 =	sld [smem:$0x3FC7]  }
0x91: {  	s18 =	sld [smem:$0x3FC6]  }
0x92: {  	s4 =	sld [smem:$0x3FC5]  }
0x93: {  	s5 =	sld [smem:$0x3FD0];
	(tm) =	ssettm $0x1  }
0x94: {  	s6 =	sld [smem:$0x3FFB];
	_ =	sdelay $0x3  }
0x95: {  	_ =	strace s6  }
0x96: {  	s6 =	sld [smem:$0x3FFC];
	_ =	sdelay $0x3  }
0x97: {  	_ =	strace s6  }
0x98: {  	s6 =	sld [smem:$0x3FFD];
	_ =	sdelay $0x3  }
0x99: {  	_ =	strace s6  }
0x9a: {  	_ =	strace $0x8FFFFFFF  }
0x9b: {  	s19 =	sld [smem:$0x3FDB];
	_ =	sdelay $0x1  }
0x9c: {  	s7 =	simm.s32 $_scs_section_size  }
0x9d: {  	s8 =	simm.s32 $_size__tile_overlayer_lowered;
	s9 =	simm.s32 $_tile_overlayer_lowered  }
0x9e: {  	s22 =	simm.s32 $0x1BFF;
	s21 =	sshll.u32 s9, $0x1;
	s6 =	sadd.s32 s7, s19  }
0x9f: {  	s10 =	simm.s32 $0x0;
	s20 =	sshll.u32 s8, $0x1;
	s8 =	sadd.s32 s21, s6  }
0xa0: {  	[timem:s10], [sflag:s22] =	dma.local [hbm:s8], s20  }
0xa1: {  	_ =	swait.ge [sflag:s22], s20  }
0xa2: {  	s7 =	ssub.s32 $0x0, s20;
	[sflag:s22] =	ssyncset.done $0x0  }
0xa3: {  	[sflag:s22] =	ssyncadd.s32 s7;
	_ =	sdelay $0x1  }
0xa4: {  	s23 =	simm.s32 $0x1B8B  }
0xa5: {  	_ =	swait.ge [sflag:s23], $0x1  }
0xa6: {  	[sflag:s23] =	ssyncset.done $0x0  }
0xa7: {  	s25 =	simm.s32 $0x1B8E;
	s24 =	sld [smem:$0x3FFE];
	[sflag:s23] =	ssyncadd.s32 $0xFFFFFFFF  }
0xa8: {  	s26 =	simm.s32 $execute0_lowered;
	[smem:$0x3FD2] =	sst s25  }
0xa9: {  	s8 =	sshll.u32 s26, $0x1;
	_ =	strace $0x80000046;
	[dreg:$0x1] =	wrdreg $0xFFFFFFFF  }
0xaa: {  	s28 =	simm.s32 $_size_execute0_lowered;
	s6 =	sadd.s32 s6, s8;
	[dreg:$0x0] =	wrdreg $0x0  }
0xab: {  	s8 =	sshll.u32 s28, $0x1;
	[dreg:$0x2] =	wrdreg s6  }
0xac: {  	[dreg:$0x3] =	wrdreg s8  }
0xad: {  	[dreg:$0x4] =	wrdreg $0xC0  }
0xae: {  	_ =	task [dreg:s10], $0x5FFFF  }
0xaf: {  	[dreg:$0x1] =	wrdreg $0xFFFFFFFF  }
0xb0: {  	[dreg:$0x0] =	wrdreg $0x60  }
0xb1: {  	[dreg:$0x2] =	wrdreg s24  }
0xb2: {  	[dreg:$0x3] =	wrdreg s2  }
0xb3: {  	[dreg:$0x4] =	wrdreg s18  }
0xb4: {  	[dreg:$0x5] =	wrdreg s4  }
0xb5: {  	[dreg:$0x6] =	wrdreg s5  }
0xb6: {  	[dreg:$0x7] =	wrdreg $0x9  }
0xb7: {  	_ =	task.clear_ibuf [dreg:s10], $0x8FFFF;
	_ =	strace $0x90000046  }
0xb8: {  	s29 =	simm.s32 $0x9;
	_ =	strace $0x80000048  }
0xb9: {  	_ =	swait.ge [sflag:s29], $0x1  }
0xba: {  	[sflag:s29] =	ssyncadd.s32 $0xFFFFFFFF  }
0xbb: {  	_ =	strace $0x90000048  }
0xbc: {  	_ =	sfence  }
0xbd: {  	s30 =	sld [smem:$0x0];
	_ =	sdelay $0x2  }
0xbe: {  	s31 =	sshll.u32 s1, $0xD;
	s1 =	sshrl.u32 s1, $0x2  }
0xbf: {  	s3 =	sand.u32 $0x4000, s31;
	s1 =	sadd.s32 s1, s30  }
0xc0: {  	s0 =	sor.u32 s3, s0;
	s1 =	sshll.u32 s1, $0x11  }
0xc1: {  	s0 =	sor.u32 s1, s0  }
0xc2: {  	s0 =	sadd.s32 $0x8F2B, s0  }
0xc3: {  	[sflag:s0] =	ssyncadd.remote.s32 $0x1  }
0xc4: {  	_ =	sfence.sel $0xFFFF  }
0xc5: {  	[dreg:$0x0] =	wrdreg $0xFFFFFFFF;
	(pc) =	sbr.abs _section_cstart, $3  }
0xc6: {  	[dreg:$0x1] =	wrdreg $0xFFFFFFFF  }
0xc7: {  	_ =	task.clear_ibuf [dreg:s10], $0x2FFFF;
	_ =	strace $0x9FFFFFFF  }
0xc8: {  	(tm) =	ssettm $0x7FFFFFFF  }
0xc9: {  	_ =	shalt  }
tec
execute0_lowered:
.L_overlay_start_1:
0x0: {  	(tag) =	ssettag $0x1  }
0x1: {  	s0 =	rddreg [dreg:$0x0]  }
0x2: {  	s1 =	rddreg [dreg:$0x1]  }
0x3: {  	s2 =	rddreg [dreg:$0x2]  }
0x4: {  	s4 =	rddreg [dreg:$0x4];
	s3 =	srdreg.scid  }
0x5: {  	s6 =	stileid.u32;
	s5 =	simm.s32 $0x0;
	s22 =	simm.s32 $0x16600  }
0x6: {  	s21 =	simm.s32 $0x19600;
	s19 =	simm.s32 $0x3;
	s9 =	simm.s32 $0x4  }
0x7: {  	s20 =	simm.s32 $0x5;
	s29 =	simm.s32 $0x6;
	s30 =	simm.s32 $0x7  }
0x8: {  	s31 =	simm.s32 $0x8;
	s3 =	sand.u32 $0x1, s3;
	s6 =	sshll.u32 s6, $0x1  }
0x9: {  	[smem:$0x7FF] =	sst s5;
	s10 =	sadd.s32 $0x100, s1;
	s11 =	sadd.s32 $0x200, s1  }
0xa: {  	s6 =	sor.u32 s3, s6;
	s3 =	ssub.s32 $0x2, s3;
	_ =	strace $0x80000047  }
0xb: {  	s7 =	sshll.u32 s6, $0x8;
	s8 =	sshrl.u32 s3, $0x1;
	s6 =	smul.u32 $0x3000, s6  }
0xc: {  	s0 =	sadd.s32 s7, s0;
	s3 =	ssub.s32 s3, s8;
	s8 =	simm.s32 $0x0  }
0xd: {  	s7 =	sadd.s32 $0x2400, s0;
	s0 =	sadd.s32 $0x400, s0;
	s23 =	sshrl.u32 s6, $0x3  }
0xe: {  	s24 =	sor.u32 $0x180000, s6;
	s25 =	sadd.s32 $0x60000, s6;
	[dreg:$0x6] =	wrdreg s7  }
0xf: {  	s26 =	sadd.s32 $0xC0000, s6;
	s15 =	sadd.s32 $0x120000, s6;
	[dreg:$0x7] =	wrdreg s0  }
.Ltmp0:
0x10: {  	s16 =	sadd.s32 $0x1E0000, s6;
	[dreg:$0x9] =	wrdreg s24;
	(pc) =	sbr.rel .LBB2_1-.Ltmp0, $4  }
0x11: {  	s17 =	sadd.s32 $0x240000, s6;
	s18 =	sadd.s32 $0x2A0000, s6;
	[dreg:$0xa] =	wrdreg s25  }
0x12: {  	v0 =	vlaneseq.u32;
	s28 =	smax.u32 s3, $0x1;
	s3 =	simm.s32 $0x1;
	[dreg:$0xb] =	wrdreg s26  }
0x13: {  	vm0 =	vmmov $0xffff;
	v2 =	vshrl.u32 v0, $0x3;
	s0 =	sadd.s32 s2, s23;
	[dreg:$0xc] =	wrdreg s28;
	s23 =	simm.s32 $0x2  }
0x14: {  	v1 =	vand.u32 $0x7, v0;
	v3 =	vor.u32 $0x8, v0;
	v2 =	vmul.u32 $0x8, v2;
	s26 =	simm.s32 $0x1C600;
	s7 =	simm.s32 $0xE;
	[dreg:$0x8] =	wrdreg s0  }
.LBB2_40:
0x15: {  	s0 =	simm.s32 $0x9  }
0x16: {  	_ =	swait.ge [sflag:s0], $0x3000  }
0x17: {  	[sflag:s0] =	ssyncset.done $0x0  }
0x18: {  	s12 =	simm.s32 $0xA;
	[sflag:s0] =	ssyncadd.s32 $0xFFFFD000  }
0x19: {  	_ =	swait.ge [sflag:s12], $0x3000  }
0x1a: {  	[sflag:s12] =	ssyncset.done $0x0  }
0x1b: {  	s13 =	simm.s32 $0xB;
	[sflag:s12] =	ssyncadd.s32 $0xFFFFD000  }
0x1c: {  	_ =	swait.ge [sflag:s13], $0x3000  }
0x1d: {  	[sflag:s13] =	ssyncset.done $0x0  }
0x1e: {  	s14 =	simm.s32 $0xC;
	[sflag:s13] =	ssyncadd.s32 $0xFFFFD000  }
0x1f: {  	_ =	swait.ge [sflag:s14], $0x3000  }
0x20: {  	[sflag:s14] =	ssyncset.done $0x0  }
0x21: {  	s24 =	simm.s32 $0xD;
	[sflag:s14] =	ssyncadd.s32 $0xFFFFD000  }
0x22: {  	_ =	swait.ge [sflag:s24], $0x3000  }
0x23: {  	[sflag:s24] =	ssyncset.done $0x0  }
0x24: {  	[sflag:s24] =	ssyncadd.s32 $0xFFFFD000  }
0x25: {  	_ =	swait.ge [sflag:s7], $0x3000  }
0x26: {  	[sflag:s7] =	ssyncset.done $0x0  }
0x27: {  	s25 =	simm.s32 $0xF;
	[sflag:s7] =	ssyncadd.s32 $0xFFFFD000  }
0x28: {  	_ =	swait.ge [sflag:s25], $0x3000  }
0x29: {  	[sflag:s25] =	ssyncset.done $0x0  }
0x2a: {  	s2 =	simm.s32 $0x10;
	[sflag:s25] =	ssyncadd.s32 $0xFFFFD000  }
0x2b: {  	_ =	swait.ge [sflag:s2], $0x3000  }
0x2c: {  	s8 =	rddreg [dreg:$0xd]  }
0x2d: {  	s28 =	rddreg [dreg:$0xc];
	s8 =	sadd.s32 $0x1, s8  }
0x2e: {  	p0 =	sne.s32 s8, s28  }
.Ltmp1:
0x2f: {  	_ = 	snop;
	(pc) =	sbr.rel @!p0 .LBB2_41-.Ltmp1, $3  }
0x30: {  	_ =	sdelay $0x1  }
0x31: {  	[sflag:s2] =	ssyncset.done $0x0  }
0x32: {  	[sflag:s2] =	ssyncadd.s32 $0xFFFFD000  }
.LBB2_1:
0x33: {  	[dreg:$0xd] =	wrdreg s8  }
0x34: {  	s0 =	rddreg [dreg:$0x6];
	s2 =	simm.s32 $0x11  }
0x35: {  	[tilespmem:s5], [sflag:$0x11] =	stream.linear.gather [hbm4b:s0+s5], $0x800, $0x38;
	[tilespmem:$0x1F600] =	vst v63  }
0x36: {  	_ =	swait.ge [sflag:s2], $0x800  }
0x37: {  	[sflag:s2] =	ssyncset.done $0x0  }
0x38: {  	s12 =	simm.s32 $0x800;
	s8 =	rddreg [dreg:$0x7];
	[sflag:s2] =	ssyncadd.s32 $0xFFFFF800  }
0x39: {  	[tilespmem:s12], [sflag:$0x11] =	stream.linear.gather [hbm4b:s8+s5], $0x800, $0x38;
	[tilespmem:$0x1F600] =	vst v63  }
0x3a: {  	_ =	swait.ge [sflag:s2], $0x800  }
0x3b: {  	[sflag:s2] =	ssyncset.done $0x0  }
0x3c: {  	s14 =	simm.s32 $0x1000;
	s13 =	rddreg [dreg:$0x8];
	[sflag:s2] =	ssyncadd.s32 $0xFFFFF800  }
0x3d: {  	[tilespmem:s14], [sflag:$0x11] =	stream.linear.gather [hbm4b:s13+s5], $0x3000, $0x38;
	[tilespmem:$0x1F600] =	vst v63  }
0x3e: {  	_ =	swait.ge [sflag:s2], $0x3000  }
0x3f: {  	[sflag:s2] =	ssyncset.done $0x0  }
0x40: {  	s24 =	simm.s32 $0x4000;
	[sflag:s2] =	ssyncadd.s32 $0xFFFFD000  }
0x41: {  	[tilespmem:s24], [sflag:$0x11] =	stream.linear.gather [hbm4b:s13+s5], $0x3000, $0x38;
	[tilespmem:$0x1F600] =	vst v63  }
0x42: {  	_ =	swait.ge [sflag:s2], $0x3000  }
0x43: {  	[sflag:s2] =	ssyncset.done $0x0  }
0x44: {  	[sflag:s2] =	ssyncadd.s32 $0xFFFFD000  }
0x45: {  	s28 =	simm.s32 $0x7000;
	s25 =	rddreg [dreg:$0x3]  }
0x46: {  	[tilespmem:s28], [sflag:$0x11] =	stream.linear.gather [hbm4b:s25+s5], $0x600, $0x38;
	[tilespmem:$0x1F600] =	vst v63  }
0x47: {  	_ =	swait.ge [sflag:s2], $0x600  }
0x48: {  	s0 =	simm.s32 $0x0;
	[sflag:s2] =	ssyncset.done $0x0  }
0x49: {  	s8 =	simm.s32 $0x0;
	[sflag:s2] =	ssyncadd.s32 $0xFFFFFA00;
	s2 =	simm.s32 $0x0  }
.LBB2_2:
0x4a: {  	s28 =	sand.u32 $0x3FFFFF80, s0  }
0x4b: {  	s12 =	sshrl.u32 s8, $0x3;
	s25 =	sadd.s32 $0x7040, s28  }
0x4c: {  	s13 =	sand.u32 $0x7, s2;
	s12 =	smul.u32 $0x6000, s12;
	v6 =	vld [tilespmem:s25+$0x30]  }
0x4d: {  	s13 =	sshll.u32 s13, $0x9;
	v4 =	vld [tilespmem:s25+$0xFFFFFFC0]  }
0x4e: {  	v8 =	vld [tilespmem:s25+$0xFFFFFFD0];
	s12 =	sor.u32 s13, s12  }
0x4f: {  	v10 =	vld [tilespmem:s25+$0xFFFFFFE0];
	s12 =	sshra.s32 s12, $0x2  }
0x50: {  	v12 =	vld [tilespmem:s25+$0xFFFFFFF0];
	s24 =	sadd.s32 $0x1040, s12  }
0x51: {  	v5 =	vld [tilespmem:s24+$0x30]  }
0x52: {  	v7 =	vld [tilespmem:s24+$0xFFFFFFD0]  }
0x53: {  	v9 =	vld [tilespmem:s24+$0xFFFFFFE0]  }
0x54: {  	v11 =	vld [tilespmem:s24+$0xFFFFFFF0]  }
0x55: {  	v14 =	vld [tilespmem:s25+$0x0]  }
0x56: {  	v13 =	vld [tilespmem:s24+$0x0];
	v6 =	vadd.f32 v6, v5  }
0x57: {  	v8 =	vadd.f32 v8, v7;
	v5 =	vld [tilespmem:s24+$0x10]  }
0x58: {  	v9 =	vadd.f32 v10, v9;
	v7 =	vld [tilespmem:s25+$0x10];
	[tilespmem:s24+$0x30] =	vst v6  }
0x59: {  	v10 =	vadd.f32 v12, v11;
	[tilespmem:s24+$0xFFFFFFD0] =	vst v8;
	v6 =	vld [tilespmem:s24+$0x20]  }
0x5a: {  	[tilespmem:s24+$0xFFFFFFE0] =	vst v9;
	v9 =	vld [tilespmem:s25+$0x20]  }
0x5b: {  	s12 =	simm.s32 $0x0;
	s13 =	sadd.s32 $0x400, s24;
	v8 =	vld [tilespmem:s24+$0xFFFFFFC0];
	[tilespmem:s24+$0xFFFFFFF0] =	vst v10;
	v10 =	vadd.f32 v14, v13  }
.LBB2_3:
0x5c: {  	v11 =	vld [tilespmem:s13+$0x30];
	s25 =	sadd.s32 $0x100, s25  }
0x5d: {  	s12 =	sadd.s32 $0x8, s12;
	v12 =	vld [tilespmem:s25+$0x30];
	[tilespmem:s24+$0x0] =	vst v10;
	v5 =	vadd.f32 v7, v5  }
0x5e: {  	p0 =	slt.u32 s12, $0x28;
	v7 =	vld [tilespmem:s25+$0xFFFFFFC0]  }
0x5f: {  	v10 =	vld [tilespmem:s13+$0xFFFFFFD0];
	[tilespmem:s24+$0x10] =	vst v5;
	v5 =	vadd.f32 v9, v6  }
0x60: {  	v6 =	vld [tilespmem:s25+$0xFFFFFFD0];
	v13 =	vadd.f32 v4, v8  }
0x61: {  	v8 =	vld [tilespmem:s13+$0xFFFFFFE0];
	[tilespmem:s24+$0x20] =	vst v5  }
0x62: {  	v5 =	vld [tilespmem:s25+$0xFFFFFFE0];
	v9 =	vadd.f32 v12, v11;
	[tilespmem:s24+$0xFFFFFFC0] =	vst v13;
	s24 =	smov.u32 s13  }
0x63: {  	v11 =	vld [tilespmem:s13+$0xFFFFFFF0];
	v4 =	vmov v7  }
0x64: {  	v12 =	vld [tilespmem:s25+$0xFFFFFFF0];
	[tilespmem:s13+$0x30] =	vst v9  }
0x65: {  	v6 =	vadd.f32 v6, v10;
	v10 =	vld [tilespmem:s13+$0x0]  }
0x66: {  	v13 =	vld [tilespmem:s25+$0x0]  }
.Ltmp2:
0x67: {  	[tilespmem:s13+$0xFFFFFFD0] =	vst v6;
	v6 =	vadd.f32 v5, v8;
	v5 =	vld [tilespmem:s13+$0x10];
	(pc) =	sbr.rel @p0 .LBB2_3-.Ltmp2, $4  }
0x68: {  	v7 =	vld [tilespmem:s25+$0x10]  }
0x69: {  	[tilespmem:s13+$0xFFFFFFE0] =	vst v6;
	v11 =	vadd.f32 v12, v11;
	v6 =	vld [tilespmem:s13+$0x20]  }
0x6a: {  	v9 =	vld [tilespmem:s25+$0x20]  }
0x6b: {  	s13 =	sadd.s32 $0x400, s13;
	v8 =	vld [tilespmem:s24+$0xFFFFFFC0];
	[tilespmem:s24+$0xFFFFFFF0] =	vst v11;
	v10 =	vadd.f32 v13, v10  }
0x6c: {  	s8 =	sadd.s32 $0x1, s8  }
0x6d: {  	p0 =	sne.s32 s8, $0x20  }
.Ltmp3:
0x6e: {  	v5 =	vadd.f32 v7, v5;
	(pc) =	sbr.rel @p0 .LBB2_2-.Ltmp3, $4  }
0x6f: {  	[tilespmem:s24+$0x0] =	vst v10;
	v6 =	vadd.f32 v9, v6  }
0x70: {  	[tilespmem:s24+$0x10] =	vst v5;
	v4 =	vadd.f32 v4, v8  }
0x71: {  	[tilespmem:s24+$0x20] =	vst v6  }
0x72: {  	s2 =	sadd.s32 $0x1, s2;
	s0 =	sadd.s32 $0x8, s0;
	[tilespmem:s24+$0xFFFFFFC0] =	vst v4  }
0x73: {  	v4 =	vld [tilespmem:$0x0];
	_ =	sdelay $0x4  }
0x74: {  	v5 =	vshrl.u32 v4, $0x3  }
0x75: {  	v5 =	vmul.u32 $0x30, v5  }
0x76: {  	v4 =	vand.u32 $0x7, v4  }
0x77: {  	v4 =	vor.u32 v4, v5  }
0x78: {  	v5 =	vperm.xlane v4, v1;
	_ =	sdelay $0x1  }
0x79: {  	v5 =	vadd.s32 v2, v5;
	_ =	sdelay $0x3  }
0x7a: {  	s25 =	simm.s32 $0x0;
	s0 =	simm.s32 $0x7600;
	v4 =	vperm.xlane v4, v3  }
0x7b: {  	[tilespmem:s0], [sflag:$0x1] =	stream.indirect_vreg.gather [hbm4b:s1+s25], $0x80, v5, vm0, $0xb8;
	[tilespmem:$0x1F600] =	vst v63  }
0x7c: {  	s8 =	simm.s32 $0x7E00;
	v4 =	vadd.s32 v2, v4  }
0x7d: {  	[tilespmem:s8], [sflag:$0x1] =	stream.indirect_vreg.gather [hbm4b:s10+s25], $0x80, v5, vm0, $0xb8;
	[tilespmem:$0x1F600] =	vst v63  }
0x7e: {  	s12 =	simm.s32 $0x8600  }
0x7f: {  	[tilespmem:s12], [sflag:$0x1] =	stream.indirect_vreg.gather [hbm4b:s11+s25], $0x80, v5, vm0, $0xb8;
	[tilespmem:$0x1F600] =	vst v63  }
0x80: {  	s13 =	simm.s32 $0x8E00  }
0x81: {  	[tilespmem:s13], [sflag:$0x1] =	stream.indirect_vreg.gather [hbm4b:s1+s25], $0x80, v4, vm0, $0xb8;
	[tilespmem:$0x1F600] =	vst v63  }
0x82: {  	s14 =	simm.s32 $0x9600  }
0x83: {  	[tilespmem:s14], [sflag:$0x1] =	stream.indirect_vreg.gather [hbm4b:s10+s25], $0x80, v4, vm0, $0xb8;
	[tilespmem:$0x1F600] =	vst v63  }
0x84: {  	s24 =	simm.s32 $0x9E00  }
0x85: {  	[tilespmem:s24], [sflag:$0x1] =	stream.indirect_vreg.gather [hbm4b:s11+s25], $0x80, v4, vm0, $0xb8;
	[tilespmem:$0x1F600] =	vst v63  }
0x86: {  	v4 =	vld [tilespmem:$0x10];
	_ =	sdelay $0x4  }
0x87: {  	v5 =	vshrl.u32 v4, $0x3  }
0x88: {  	v5 =	vmul.u32 $0x30, v5  }
0x89: {  	v4 =	vand.u32 $0x7, v4  }
0x8a: {  	v4 =	vor.u32 v4, v5  }
0x8b: {  	v5 =	vperm.xlane v4, v1;
	_ =	sdelay $0x1  }
0x8c: {  	v5 =	vadd.s32 v2, v5;
	_ =	sdelay $0x3  }
0x8d: {  	s28 =	simm.s32 $0xA600;
	v4 =	vperm.xlane v4, v3  }
0x8e: {  	[tilespmem:s28], [sflag:$0x2] =	stream.indirect_vreg.gather [hbm4b:s1+s25], $0x80, v5, vm0, $0xb8;
	[tilespmem:$0x1F600] =	vst v63  }
0x8f: {  	s2 =	simm.s32 $0xAE00;
	v4 =	vadd.s32 v2, v4  }
0x90: {  	[tilespmem:s2], [sflag:$0x2] =	stream.indirect_vreg.gather [hbm4b:s10+s25], $0x80, v5, vm0, $0xb8;
	[tilespmem:$0x1F600] =	vst v63  }
0x91: {  	s8 =	simm.s32 $0xB600  }
0x92: {  	[tilespmem:s8], [sflag:$0x2] =	stream.indirect_vreg.gather [hbm4b:s11+s25], $0x80, v5, vm0, $0xb8;
	[tilespmem:$0x1F600] =	vst v63  }
0x93: {  	s12 =	simm.s32 $0xBE00  }
0x94: {  	[tilespmem:s12], [sflag:$0x2] =	stream.indirect_vreg.gather [hbm4b:s1+s25], $0x80, v4, vm0, $0xb8;
	[tilespmem:$0x1F600] =	vst v63  }
0x95: {  	s13 =	simm.s32 $0xC600  }
0x96: {  	[tilespmem:s13], [sflag:$0x2] =	stream.indirect_vreg.gather [hbm4b:s10+s25], $0x80, v4, vm0, $0xb8;
	[tilespmem:$0x1F600] =	vst v63  }
0x97: {  	s14 =	simm.s32 $0xCE00  }
0x98: {  	[tilespmem:s14], [sflag:$0x2] =	stream.indirect_vreg.gather [hbm4b:s11+s25], $0x80, v4, vm0, $0xb8;
	[tilespmem:$0x1F600] =	vst v63  }
0x99: {  	v4 =	vld [tilespmem:$0x20];
	_ =	sdelay $0x4  }
0x9a: {  	v5 =	vshrl.u32 v4, $0x3  }
0x9b: {  	v5 =	vmul.u32 $0x30, v5  }
0x9c: {  	v4 =	vand.u32 $0x7, v4  }
0x9d: {  	v4 =	vor.u32 v4, v5  }
0x9e: {  	v5 =	vperm.xlane v4, v1;
	_ =	sdelay $0x1  }
0x9f: {  	v5 =	vadd.s32 v2, v5;
	_ =	sdelay $0x3  }
0xa0: {  	s24 =	simm.s32 $0xD600;
	v4 =	vperm.xlane v4, v3  }
0xa1: {  	[tilespmem:s24], [sflag:$0x3] =	stream.indirect_vreg.gather [hbm4b:s1+s25], $0x80, v5, vm0, $0xb8;
	[tilespmem:$0x1F600] =	vst v63  }
0xa2: {  	s28 =	simm.s32 $0xDE00;
	v4 =	vadd.s32 v2, v4  }
0xa3: {  	[tilespmem:s28], [sflag:$0x3] =	stream.indirect_vreg.gather [hbm4b:s10+s25], $0x80, v5, vm0, $0xb8;
	[tilespmem:$0x1F600] =	vst v63  }
0xa4: {  	s2 =	simm.s32 $0xE600  }
0xa5: {  	[tilespmem:s2], [sflag:$0x3] =	stream.indirect_vreg.gather [hbm4b:s11+s25], $0x80, v5, vm0, $0xb8;
	[tilespmem:$0x1F600] =	vst v63  }
0xa6: {  	s8 =	simm.s32 $0xEE00  }
0xa7: {  	[tilespmem:s8], [sflag:$0x3] =	stream.indirect_vreg.gather [hbm4b:s1+s25], $0x80, v4, vm0, $0xb8;
	[tilespmem:$0x1F600] =	vst v63  }
0xa8: {  	s12 =	simm.s32 $0xF600  }
0xa9: {  	[tilespmem:s12], [sflag:$0x3] =	stream.indirect_vreg.gather [hbm4b:s10+s25], $0x80, v4, vm0, $0xb8;
	[tilespmem:$0x1F600] =	vst v63  }
0xaa: {  	s13 =	simm.s32 $0xFE00  }
0xab: {  	[tilespmem:s13], [sflag:$0x3] =	stream.indirect_vreg.gather [hbm4b:s11+s25], $0x80, v4, vm0, $0xb8;
	[tilespmem:$0x1F600] =	vst v63  }
0xac: {  	v4 =	vld [tilespmem:$0x30];
	_ =	sdelay $0x4  }
0xad: {  	v5 =	vshrl.u32 v4, $0x3  }
0xae: {  	v5 =	vmul.u32 $0x30, v5  }
0xaf: {  	v4 =	vand.u32 $0x7, v4  }
0xb0: {  	v4 =	vor.u32 v4, v5  }
0xb1: {  	v5 =	vperm.xlane v4, v1;
	_ =	sdelay $0x1  }
0xb2: {  	v5 =	vadd.s32 v2, v5;
	_ =	sdelay $0x3  }
0xb3: {  	s14 =	simm.s32 $0x10600;
	v4 =	vperm.xlane v4, v3  }
0xb4: {  	[tilespmem:s14], [sflag:$0x4] =	stream.indirect_vreg.gather [hbm4b:s1+s25], $0x80, v5, vm0, $0xb8;
	[tilespmem:$0x1F600] =	vst v63  }
0xb5: {  	s24 =	simm.s32 $0x10E00;
	v4 =	vadd.s32 v2, v4  }
0xb6: {  	[tilespmem:s24], [sflag:$0x4] =	stream.indirect_vreg.gather [hbm4b:s10+s25], $0x80, v5, vm0, $0xb8;
	[tilespmem:$0x1F600] =	vst v63  }
0xb7: {  	s28 =	simm.s32 $0x11600  }
0xb8: {  	[tilespmem:s28], [sflag:$0x4] =	stream.indirect_vreg.gather [hbm4b:s11+s25], $0x80, v5, vm0, $0xb8;
	[tilespmem:$0x1F600] =	vst v63  }
0xb9: {  	s2 =	simm.s32 $0x11E00  }
0xba: {  	[tilespmem:s2], [sflag:$0x4] =	stream.indirect_vreg.gather [hbm4b:s1+s25], $0x80, v4, vm0, $0xb8;
	[tilespmem:$0x1F600] =	vst v63  }
0xbb: {  	s8 =	simm.s32 $0x12600  }
0xbc: {  	[tilespmem:s8], [sflag:$0x4] =	stream.indirect_vreg.gather [hbm4b:s10+s25], $0x80, v4, vm0, $0xb8;
	[tilespmem:$0x1F600] =	vst v63  }
0xbd: {  	s12 =	simm.s32 $0x12E00  }
0xbe: {  	[tilespmem:s12], [sflag:$0x4] =	stream.indirect_vreg.gather [hbm4b:s11+s25], $0x80, v4, vm0, $0xb8;
	[tilespmem:$0x1F600] =	vst v63  }
0xbf: {  	v4 =	vld [tilespmem:$0x40];
	_ =	sdelay $0x4  }
0xc0: {  	v5 =	vshrl.u32 v4, $0x3  }
0xc1: {  	v5 =	vmul.u32 $0x30, v5  }
0xc2: {  	v4 =	vand.u32 $0x7, v4  }
0xc3: {  	v4 =	vor.u32 v4, v5  }
0xc4: {  	v5 =	vperm.xlane v4, v1;
	_ =	sdelay $0x1  }
0xc5: {  	v5 =	vadd.s32 v2, v5;
	_ =	sdelay $0x3  }
0xc6: {  	s13 =	simm.s32 $0x13600;
	v4 =	vperm.xlane v4, v3  }
0xc7: {  	[tilespmem:s13], [sflag:$0x5] =	stream.indirect_vreg.gather [hbm4b:s1+s25], $0x80, v5, vm0, $0xb8;
	[tilespmem:$0x1F600] =	vst v63  }
0xc8: {  	s14 =	simm.s32 $0x13E00;
	v4 =	vadd.s32 v2, v4  }
0xc9: {  	[tilespmem:s14], [sflag:$0x5] =	stream.indirect_vreg.gather [hbm4b:s10+s25], $0x80, v5, vm0, $0xb8;
	[tilespmem:$0x1F600] =	vst v63  }
0xca: {  	s24 =	simm.s32 $0x14600  }
0xcb: {  	[tilespmem:s24], [sflag:$0x5] =	stream.indirect_vreg.gather [hbm4b:s11+s25], $0x80, v5, vm0, $0xb8;
	[tilespmem:$0x1F600] =	vst v63  }
0xcc: {  	s28 =	simm.s32 $0x14E00  }
0xcd: {  	[tilespmem:s28], [sflag:$0x5] =	stream.indirect_vreg.gather [hbm4b:s1+s25], $0x80, v4, vm0, $0xb8;
	[tilespmem:$0x1F600] =	vst v63  }
0xce: {  	s2 =	simm.s32 $0x15600  }
0xcf: {  	[tilespmem:s2], [sflag:$0x5] =	stream.indirect_vreg.gather [hbm4b:s10+s25], $0x80, v4, vm0, $0xb8;
	[tilespmem:$0x1F600] =	vst v63  }
0xd0: {  	s8 =	simm.s32 $0x15E00  }
0xd1: {  	[tilespmem:s8], [sflag:$0x5] =	stream.indirect_vreg.gather [hbm4b:s11+s25], $0x80, v4, vm0, $0xb8;
	[tilespmem:$0x1F600] =	vst v63  }
0xd2: {  	v4 =	vld [tilespmem:$0x50];
	_ =	sdelay $0x4  }
0xd3: {  	v5 =	vshrl.u32 v4, $0x3  }
0xd4: {  	v5 =	vmul.u32 $0x30, v5  }
0xd5: {  	v4 =	vand.u32 $0x7, v4  }
0xd6: {  	v4 =	vor.u32 v4, v5  }
0xd7: {  	v5 =	vperm.xlane v4, v1;
	_ =	sdelay $0x1  }
0xd8: {  	v5 =	vadd.s32 v2, v5;
	_ =	sdelay $0x3  }
0xd9: {  	v4 =	vperm.xlane v4, v3  }
0xda: {  	[tilespmem:s22], [sflag:$0x6] =	stream.indirect_vreg.gather [hbm4b:s1+s25], $0x80, v5, vm0, $0xb8;
	[tilespmem:$0x1F600] =	vst v63  }
0xdb: {  	s12 =	simm.s32 $0x16E00;
	v4 =	vadd.s32 v2, v4  }
0xdc: {  	[tilespmem:s12], [sflag:$0x6] =	stream.indirect_vreg.gather [hbm4b:s10+s25], $0x80, v5, vm0, $0xb8;
	[tilespmem:$0x1F600] =	vst v63  }
0xdd: {  	s13 =	simm.s32 $0x17600  }
0xde: {  	[tilespmem:s13], [sflag:$0x6] =	stream.indirect_vreg.gather [hbm4b:s11+s25], $0x80, v5, vm0, $0xb8;
	[tilespmem:$0x1F600] =	vst v63  }
0xdf: {  	s14 =	simm.s32 $0x17E00  }
0xe0: {  	[tilespmem:s14], [sflag:$0x6] =	stream.indirect_vreg.gather [hbm4b:s1+s25], $0x80, v4, vm0, $0xb8;
	[tilespmem:$0x1F600] =	vst v63  }
0xe1: {  	s24 =	simm.s32 $0x18600  }
0xe2: {  	[tilespmem:s24], [sflag:$0x6] =	stream.indirect_vreg.gather [hbm4b:s10+s25], $0x80, v4, vm0, $0xb8;
	[tilespmem:$0x1F600] =	vst v63  }
0xe3: {  	s28 =	simm.s32 $0x18E00  }
0xe4: {  	[tilespmem:s28], [sflag:$0x6] =	stream.indirect_vreg.gather [hbm4b:s11+s25], $0x80, v4, vm0, $0xb8;
	[tilespmem:$0x1F600] =	vst v63  }
.LBB2_6:
0xe5: {  	_ =	swait.ge [sflag:s3], $0x3000  }
0xe6: {  	s0 =	sshll.u32 s25, $0x9;
	[sflag:s3] =	ssyncset.done $0x0  }
0xe7: {  	s8 =	sshrl.u32 s0, $0x2;
	[sflag:s3] =	ssyncadd.s32 $0xFFFFD000  }
0xe8: {  	s24 =	simm.s32 $0x0;
	s0 =	simm.s32 $0x0;
	v4 =	vld [tilespmem:s8+$0x800]  }
.LBB2_7:
0xe9: {  	_ =	sdelay $0x1  }
0xea: {  	v5 =	vmov s24  }
0xeb: {  	vm1 =	veq.s32 v5, v0  }
0xec: {  	v5 =	vnsel vm1, $0x0, v4  }
0xed: {  	(xrf0) =	vadd.scan.msk.s32 $0xffff, v5;
	_ =	sdelay $0x5  }
0xee: {  	v5, _, _ =	vpop (xrf0)  }
0xef: {  	(v2sf) =	vpush v5, $0xF;
	_ =	sdelay $0xe  }
0xf0: {  	s2 =	spop (v2sf)  }
0xf1: {  	s12 =	sshrl.u32 s24, $0x3;
	s2 =	sshll.u32 s2, $0x4  }
0xf2: {  	s13 =	sshll.u32 s0, $0x9;
	s12 =	smul.u32 $0x6000, s12;
	s2 =	sadd.s32 s2, s24  }
0xf3: {  	s13 =	sand.u32 $0xE00, s13;
	s2 =	sshrl.u32 s2, $0x3  }
0xf4: {  	s12 =	sor.u32 s13, s12;
	s2 =	smul.u32 $0x6000, s2  }
0xf5: {  	s12 =	sshra.s32 s12, $0x2  }
0xf6: {  	s13 =	sor.u32 s13, s2;
	s2 =	sadd.s32 $0x7640, s12  }
0xf7: {  	v6 =	vld [tilespmem:s2+$0x30]  }
0xf8: {  	v8 =	vld [tilespmem:s2+$0xFFFFFFD0]  }
0xf9: {  	v10 =	vld [tilespmem:s2+$0xFFFFFFE0]  }
0xfa: {  	s14 =	sshra.s32 s13, $0x2;
	v12 =	vld [tilespmem:s2+$0xFFFFFFF0]  }
0xfb: {  	v14 =	vld [tilespmem:s2+$0x0];
	s28 =	sadd.s32 $0x1040, s14  }
0xfc: {  	v7 =	vld [tilespmem:s28+$0x30]  }
0xfd: {  	v9 =	vld [tilespmem:s28+$0xFFFFFFD0]  }
0xfe: {  	v11 =	vld [tilespmem:s28+$0xFFFFFFE0]  }
0xff: {  	v13 =	vld [tilespmem:s28+$0xFFFFFFF0]  }
0x100: {  	v5 =	vld [tilespmem:s28+$0xFFFFFFC0]  }
0x101: {  	v15 =	vld [tilespmem:s28+$0x0];
	v7 =	vadd.f32 v7, v6  }
0x102: {  	v9 =	vadd.f32 v9, v8;
	v6 =	vld [tilespmem:s2+$0x10]  }
0x103: {  	v10 =	vadd.f32 v11, v10;
	v8 =	vld [tilespmem:s28+$0x10];
	[tilespmem:s2+$0x30] =	vst v7  }
0x104: {  	v11 =	vadd.f32 v13, v12;
	[tilespmem:s2+$0xFFFFFFD0] =	vst v9;
	v7 =	vld [tilespmem:s2+$0x20]  }
0x105: {  	[tilespmem:s2+$0xFFFFFFE0] =	vst v10;
	v10 =	vld [tilespmem:s28+$0x20]  }
0x106: {  	s12 =	simm.s32 $0x0;
	s13 =	sadd.s32 $0x400, s2;
	v9 =	vld [tilespmem:s2+$0xFFFFFFC0];
	[tilespmem:s2+$0xFFFFFFF0] =	vst v11;
	v11 =	vadd.f32 v15, v14  }
.LBB2_8:
0x107: {  	v12 =	vld [tilespmem:s13+$0x30];
	s28 =	sadd.s32 $0x400, s28  }
0x108: {  	s12 =	sadd.s32 $0x8, s12;
	v13 =	vld [tilespmem:s28+$0x30];
	[tilespmem:s2+$0x0] =	vst v11;
	v6 =	vadd.f32 v8, v6  }
0x109: {  	p0 =	slt.u32 s12, $0x28;
	v8 =	vld [tilespmem:s28+$0xFFFFFFC0]  }
0x10a: {  	v11 =	vld [tilespmem:s13+$0xFFFFFFD0];
	[tilespmem:s2+$0x10] =	vst v6;
	v6 =	vadd.f32 v10, v7  }
0x10b: {  	v7 =	vld [tilespmem:s28+$0xFFFFFFD0];
	v14 =	vadd.f32 v5, v9  }
0x10c: {  	v9 =	vld [tilespmem:s13+$0xFFFFFFE0];
	[tilespmem:s2+$0x20] =	vst v6  }
0x10d: {  	v6 =	vld [tilespmem:s28+$0xFFFFFFE0];
	v10 =	vadd.f32 v13, v12;
	[tilespmem:s2+$0xFFFFFFC0] =	vst v14;
	s2 =	smov.u32 s13  }
0x10e: {  	v12 =	vld [tilespmem:s13+$0xFFFFFFF0];
	v5 =	vmov v8  }
0x10f: {  	v13 =	vld [tilespmem:s28+$0xFFFFFFF0];
	[tilespmem:s13+$0x30] =	vst v10  }
0x110: {  	v7 =	vadd.f32 v7, v11;
	v11 =	vld [tilespmem:s13+$0x0]  }
0x111: {  	v14 =	vld [tilespmem:s28+$0x0]  }
.Ltmp4:
0x112: {  	[tilespmem:s13+$0xFFFFFFD0] =	vst v7;
	v7 =	vadd.f32 v6, v9;
	v6 =	vld [tilespmem:s13+$0x10];
	(pc) =	sbr.rel @p0 .LBB2_8-.Ltmp4, $4  }
0x113: {  	v8 =	vld [tilespmem:s28+$0x10]  }
0x114: {  	[tilespmem:s13+$0xFFFFFFE0] =	vst v7;
	v12 =	vadd.f32 v13, v12;
	v7 =	vld [tilespmem:s13+$0x20]  }
0x115: {  	v10 =	vld [tilespmem:s28+$0x20]  }
0x116: {  	s13 =	sadd.s32 $0x400, s13;
	v9 =	vld [tilespmem:s2+$0xFFFFFFC0];
	[tilespmem:s2+$0xFFFFFFF0] =	vst v12;
	v11 =	vadd.f32 v14, v11  }
0x117: {  	s24 =	sadd.s32 $0x1, s24  }
0x118: {  	p0 =	sne.s32 s24, $0x10  }
.Ltmp5:
0x119: {  	v6 =	vadd.f32 v8, v6;
	(pc) =	sbr.rel @p0 .LBB2_7-.Ltmp5, $4  }
0x11a: {  	[tilespmem:s2+$0x0] =	vst v11;
	v7 =	vadd.f32 v10, v7  }
0x11b: {  	[tilespmem:s2+$0x10] =	vst v6;
	v5 =	vadd.f32 v5, v9  }
0x11c: {  	[tilespmem:s2+$0x20] =	vst v7  }
0x11d: {  	s0 =	sadd.s32 $0x1, s0;
	[tilespmem:s2+$0xFFFFFFC0] =	vst v5  }
0x11e: {  	s0 =	smul.u32 $0x300000, s25;
	_ =	sdelay $0x1  }
0x11f: {  	s2 =	sor.u32 s6, s0  }
0x120: {  	s2 =	sshrl.u32 s2, $0x3  }
0x121: {  	s12 =	simm.s32 $0x7600;
	p0 =	seq.s32 s25, $0x0;
	s2 =	sadd.s32 s4, s2  }
0x122: {  	[hbm4b:s2+s5] =	stream.linear.scatter [tilespmem:s12], [sflag:$0x9], $0x3000, $0x38;
	[tilespmem:$0x1F600] =	vst v63  }
0x123: {  	s2 =	simm.s32 @!p0 $0xF  }
0x124: {  	_ =	swait.ge @!p0 [sflag:s2], $0x3000  }
0x125: {  	[sflag:s2] =	ssyncset.done @!p0 $0x0  }
0x126: {  	[sflag:s2] =	ssyncadd.s32 @!p0 $0xFFFFD000  }
0x127: {  	v4 =	vld [tilespmem:s8+$0x60];
	_ =	sdelay $0x4  }
0x128: {  	v5 =	vshrl.u32 v4, $0x3  }
0x129: {  	v5 =	vmul.u32 $0x30, v5  }
0x12a: {  	v4 =	vand.u32 $0x7, v4  }
0x12b: {  	v4 =	vor.u32 v4, v5  }
0x12c: {  	v5 =	vperm.xlane v4, v1;
	_ =	sdelay $0x1  }
0x12d: {  	v5 =	vadd.s32 v2, v5;
	_ =	sdelay $0x3  }
0x12e: {  	s24 =	simm.s32 $0x0;
	v4 =	vperm.xlane v4, v3  }
0x12f: {  	[tilespmem:s21], [sflag:$0x7] =	stream.indirect_vreg.gather [hbm4b:s1+s24], $0x80, v5, vm0, $0xb8;
	[tilespmem:$0x1F600] =	vst v63  }
0x130: {  	s28 =	simm.s32 $0x19E00;
	v4 =	vadd.s32 v2, v4  }
0x131: {  	[tilespmem:s28], [sflag:$0x7] =	stream.indirect_vreg.gather [hbm4b:s10+s24], $0x80, v5, vm0, $0xb8;
	[tilespmem:$0x1F600] =	vst v63  }
0x132: {  	s12 =	simm.s32 $0x1A600  }
0x133: {  	[tilespmem:s12], [sflag:$0x7] =	stream.indirect_vreg.gather [hbm4b:s11+s24], $0x80, v5, vm0, $0xb8;
	[tilespmem:$0x1F600] =	vst v63  }
0x134: {  	s13 =	simm.s32 $0x1AE00  }
0x135: {  	[tilespmem:s13], [sflag:$0x7] =	stream.indirect_vreg.gather [hbm4b:s1+s24], $0x80, v4, vm0, $0xb8;
	[tilespmem:$0x1F600] =	vst v63  }
0x136: {  	s14 =	simm.s32 $0x1B600  }
0x137: {  	[tilespmem:s14], [sflag:$0x7] =	stream.indirect_vreg.gather [hbm4b:s10+s24], $0x80, v4, vm0, $0xb8;
	[tilespmem:$0x1F600] =	vst v63  }
0x138: {  	s28 =	simm.s32 $0x1BE00  }
0x139: {  	[tilespmem:s28], [sflag:$0x7] =	stream.indirect_vreg.gather [hbm4b:s11+s24], $0x80, v4, vm0, $0xb8;
	[tilespmem:$0x1F600] =	vst v63  }
0x13a: {  	_ =	swait.ge [sflag:s23], $0x3000  }
0x13b: {  	[sflag:s23] =	ssyncset.done $0x0  }
0x13c: {  	[sflag:s23] =	ssyncadd.s32 $0xFFFFD000  }
0x13d: {  	s2 =	simm.s32 $0x0;
	v4 =	vld [tilespmem:s8+$0x810]  }
.LBB2_11:
0x13e: {  	_ =	sdelay $0x1  }
0x13f: {  	v5 =	vmov s2  }
0x140: {  	vm1 =	veq.s32 v5, v0  }
0x141: {  	v5 =	vnsel vm1, $0x0, v4  }
0x142: {  	(xrf0) =	vadd.scan.msk.s32 $0xffff, v5;
	_ =	sdelay $0x5  }
0x143: {  	v5, _, _ =	vpop (xrf0)  }
0x144: {  	(v2sf) =	vpush v5, $0xF;
	_ =	sdelay $0xc  }
0x145: {  	s13 =	sshrl.u32 s2, $0x3  }
0x146: {  	s14 =	sshll.u32 s24, $0x9;
	s13 =	smul.u32 $0x6000, s13  }
0x147: {  	s14 =	sand.u32 $0xE00, s14;
	s12 =	spop (v2sf)  }
0x148: {  	s13 =	sor.u32 s14, s13;
	s12 =	sshll.u32 s12, $0x4  }
0x149: {  	s13 =	sshra.s32 s13, $0x2;
	s12 =	sadd.s32 s12, s2  }
0x14a: {  	s28 =	sadd.s32 $0xA670, s13;
	s12 =	sshrl.u32 s12, $0x3  }
0x14b: {  	v6 =	vld [tilespmem:s28+$0x0];
	s12 =	smul.u32 $0x6000, s12  }
0x14c: {  	v8 =	vld [tilespmem:s28+$0xFFFFFFA0]  }
0x14d: {  	v10 =	vld [tilespmem:s28+$0xFFFFFFB0];
	s12 =	sor.u32 s14, s12  }
0x14e: {  	v12 =	vld [tilespmem:s28+$0xFFFFFFC0];
	s12 =	sshra.s32 s12, $0x2  }
0x14f: {  	v14 =	vld [tilespmem:s28+$0xFFFFFFD0];
	s12 =	sadd.s32 $0x1040, s12  }
0x150: {  	v7 =	vld [tilespmem:s12+$0x30]  }
0x151: {  	v9 =	vld [tilespmem:s12+$0xFFFFFFD0]  }
0x152: {  	v11 =	vld [tilespmem:s12+$0xFFFFFFE0]  }
0x153: {  	v13 =	vld [tilespmem:s12+$0xFFFFFFF0]  }
0x154: {  	v5 =	vld [tilespmem:s12+$0xFFFFFFC0]  }
0x155: {  	v15 =	vld [tilespmem:s12+$0x0];
	v7 =	vadd.f32 v7, v6  }
0x156: {  	v9 =	vadd.f32 v9, v8;
	v6 =	vld [tilespmem:s28+$0xFFFFFFE0]  }
0x157: {  	v10 =	vadd.f32 v11, v10;
	v8 =	vld [tilespmem:s12+$0x10];
	[tilespmem:s28+$0x0] =	vst v7  }
0x158: {  	v11 =	vadd.f32 v13, v12;
	[tilespmem:s28+$0xFFFFFFA0] =	vst v9;
	v7 =	vld [tilespmem:s28+$0xFFFFFFF0]  }
0x159: {  	[tilespmem:s28+$0xFFFFFFB0] =	vst v10;
	v10 =	vld [tilespmem:s12+$0x20]  }
0x15a: {  	s13 =	simm.s32 $0x0;
	s14 =	sadd.s32 $0x400, s28;
	v9 =	vld [tilespmem:s28+$0xFFFFFF90];
	[tilespmem:s28+$0xFFFFFFC0] =	vst v11;
	v11 =	vadd.f32 v15, v14  }
.LBB2_12:
0x15b: {  	v12 =	vld [tilespmem:s14+$0x0];
	s12 =	sadd.s32 $0x400, s12  }
0x15c: {  	s13 =	sadd.s32 $0x8, s13;
	v13 =	vld [tilespmem:s12+$0x30];
	[tilespmem:s28+$0xFFFFFFD0] =	vst v11;
	v6 =	vadd.f32 v8, v6  }
0x15d: {  	p1 =	slt.u32 s13, $0x28;
	v8 =	vld [tilespmem:s12+$0xFFFFFFC0]  }
0x15e: {  	v11 =	vld [tilespmem:s14+$0xFFFFFFA0];
	[tilespmem:s28+$0xFFFFFFE0] =	vst v6;
	v6 =	vadd.f32 v10, v7  }
0x15f: {  	v7 =	vld [tilespmem:s12+$0xFFFFFFD0];
	v14 =	vadd.f32 v5, v9  }
0x160: {  	v9 =	vld [tilespmem:s14+$0xFFFFFFB0];
	[tilespmem:s28+$0xFFFFFFF0] =	vst v6  }
0x161: {  	v6 =	vld [tilespmem:s12+$0xFFFFFFE0];
	v10 =	vadd.f32 v13, v12;
	[tilespmem:s28+$0xFFFFFF90] =	vst v14;
	s28 =	smov.u32 s14  }
0x162: {  	v12 =	vld [tilespmem:s14+$0xFFFFFFC0];
	v5 =	vmov v8  }
0x163: {  	v13 =	vld [tilespmem:s12+$0xFFFFFFF0];
	[tilespmem:s14+$0x0] =	vst v10  }
0x164: {  	v7 =	vadd.f32 v7, v11;
	v11 =	vld [tilespmem:s14+$0xFFFFFFD0]  }
0x165: {  	v14 =	vld [tilespmem:s12+$0x0]  }
.Ltmp6:
0x166: {  	[tilespmem:s14+$0xFFFFFFA0] =	vst v7;
	v7 =	vadd.f32 v6, v9;
	v6 =	vld [tilespmem:s14+$0xFFFFFFE0];
	(pc) =	sbr.rel @p1 .LBB2_12-.Ltmp6, $4  }
0x167: {  	v8 =	vld [tilespmem:s12+$0x10]  }
0x168: {  	[tilespmem:s14+$0xFFFFFFB0] =	vst v7;
	v12 =	vadd.f32 v13, v12;
	v7 =	vld [tilespmem:s14+$0xFFFFFFF0]  }
0x169: {  	v10 =	vld [tilespmem:s12+$0x20]  }
0x16a: {  	s14 =	sadd.s32 $0x400, s14;
	v9 =	vld [tilespmem:s28+$0xFFFFFF90];
	[tilespmem:s28+$0xFFFFFFC0] =	vst v12;
	v11 =	vadd.f32 v14, v11  }
0x16b: {  	s2 =	sadd.s32 $0x1, s2  }
0x16c: {  	p1 =	sne.s32 s2, $0x10  }
.Ltmp7:
0x16d: {  	v6 =	vadd.f32 v8, v6;
	(pc) =	sbr.rel @p1 .LBB2_11-.Ltmp7, $4  }
0x16e: {  	[tilespmem:s28+$0xFFFFFFD0] =	vst v11;
	v7 =	vadd.f32 v10, v7  }
0x16f: {  	[tilespmem:s28+$0xFFFFFFE0] =	vst v6;
	v5 =	vadd.f32 v5, v9  }
0x170: {  	[tilespmem:s28+$0xFFFFFFF0] =	vst v7  }
0x171: {  	s24 =	sadd.s32 $0x1, s24;
	[tilespmem:s28+$0xFFFFFF90] =	vst v5  }
0x172: {  	s2 =	rddreg [dreg:$0xa]  }
0x173: {  	s2 =	sor.u32 s0, s2  }
0x174: {  	s2 =	sshrl.u32 s2, $0x3  }
0x175: {  	s12 =	simm.s32 $0xA600;
	s2 =	sadd.s32 s4, s2  }
0x176: {  	[hbm4b:s2+s5] =	stream.linear.scatter [tilespmem:s12], [sflag:$0xA], $0x3000, $0x38;
	[tilespmem:$0x1F600] =	vst v63  }
0x177: {  	s2 =	simm.s32 @!p0 $0x10  }
0x178: {  	_ =	swait.ge @!p0 [sflag:s2], $0x3000  }
0x179: {  	[sflag:s2] =	ssyncset.done @!p0 $0x0  }
0x17a: {  	[sflag:s2] =	ssyncadd.s32 @!p0 $0xFFFFD000  }
0x17b: {  	v4 =	vld [tilespmem:s8+$0x70];
	_ =	sdelay $0x4  }
0x17c: {  	v5 =	vshrl.u32 v4, $0x3  }
0x17d: {  	v5 =	vmul.u32 $0x30, v5  }
0x17e: {  	v4 =	vand.u32 $0x7, v4  }
0x17f: {  	v4 =	vor.u32 v4, v5  }
0x180: {  	v5 =	vperm.xlane v4, v1;
	_ =	sdelay $0x1  }
0x181: {  	v5 =	vadd.s32 v2, v5;
	_ =	sdelay $0x3  }
0x182: {  	s24 =	simm.s32 $0x0;
	v4 =	vperm.xlane v4, v3  }
0x183: {  	[tilespmem:s26], [sflag:$0x8] =	stream.indirect_vreg.gather [hbm4b:s1+s24], $0x80, v5, vm0, $0xb8;
	[tilespmem:$0x1F600] =	vst v63  }
0x184: {  	s28 =	simm.s32 $0x1CE00;
	v4 =	vadd.s32 v2, v4  }
0x185: {  	[tilespmem:s28], [sflag:$0x8] =	stream.indirect_vreg.gather [hbm4b:s10+s24], $0x80, v5, vm0, $0xb8;
	[tilespmem:$0x1F600] =	vst v63  }
0x186: {  	s12 =	simm.s32 $0x1D600  }
0x187: {  	[tilespmem:s12], [sflag:$0x8] =	stream.indirect_vreg.gather [hbm4b:s11+s24], $0x80, v5, vm0, $0xb8;
	[tilespmem:$0x1F600] =	vst v63  }
0x188: {  	s13 =	simm.s32 $0x1DE00  }
0x189: {  	[tilespmem:s13], [sflag:$0x8] =	stream.indirect_vreg.gather [hbm4b:s1+s24], $0x80, v4, vm0, $0xb8;
	[tilespmem:$0x1F600] =	vst v63  }
0x18a: {  	s14 =	simm.s32 $0x1E600  }
0x18b: {  	[tilespmem:s14], [sflag:$0x8] =	stream.indirect_vreg.gather [hbm4b:s10+s24], $0x80, v4, vm0, $0xb8;
	[tilespmem:$0x1F600] =	vst v63  }
0x18c: {  	s28 =	simm.s32 $0x1EE00  }
0x18d: {  	[tilespmem:s28], [sflag:$0x8] =	stream.indirect_vreg.gather [hbm4b:s11+s24], $0x80, v4, vm0, $0xb8;
	[tilespmem:$0x1F600] =	vst v63  }
0x18e: {  	_ =	swait.ge [sflag:s19], $0x3000  }
0x18f: {  	[sflag:s19] =	ssyncset.done $0x0  }
0x190: {  	[sflag:s19] =	ssyncadd.s32 $0xFFFFD000  }
0x191: {  	s2 =	simm.s32 $0x0;
	v4 =	vld [tilespmem:s8+$0x820]  }
.LBB2_15:
0x192: {  	_ =	sdelay $0x1  }
0x193: {  	v5 =	vmov s2  }
0x194: {  	vm1 =	veq.s32 v5, v0  }
0x195: {  	v5 =	vnsel vm1, $0x0, v4  }
0x196: {  	(xrf0) =	vadd.scan.msk.s32 $0xffff, v5;
	_ =	sdelay $0x5  }
0x197: {  	v5, _, _ =	vpop (xrf0)  }
0x198: {  	(v2sf) =	vpush v5, $0xF;
	_ =	sdelay $0x9  }
0x199: {  	s12 =	sand.u32 $0x7, s24  }
0x19a: {  	s12 =	sshll.u32 s12, $0x9  }
0x19b: {  	s12 =	sshrl.u32 s12, $0x2  }
0x19c: {  	s14 =	sshrl.u32 s2, $0x3;
	v5 =	vmov s12  }
0x19d: {  	s14 =	smul.u32 $0x6000, s14  }
0x19e: {  	s13 =	spop (v2sf)  }
0x19f: {  	s12 =	sshra.s32 s14, $0x2;
	s13 =	sshll.u32 s13, $0x4  }
0x1a0: {  	s28 =	sadd.s32 $0x7600, s12;
	s13 =	sadd.s32 s13, s2  }
0x1a1: {  	v7 =	vld.idx.msk [tilespmem:v5+s28+$0x6070 ss:$0x1], $0xffff;
	s13 =	sshrl.u32 s13, $0x3  }
0x1a2: {  	v10 =	vld.idx.msk [tilespmem:v5+s28+$0x6010 ss:$0x1], $0xffff;
	s13 =	smul.u32 $0x6000, s13  }
0x1a3: {  	v13 =	vld.idx.msk [tilespmem:v5+s28+$0x6020 ss:$0x1], $0xffff  }
0x1a4: {  	v15 =	vld.idx.msk [tilespmem:v5+s28+$0x6030 ss:$0x1], $0xffff;
	s14 =	sshra.s32 s13, $0x2  }
0x1a5: {  	v8 =	vld.idx.msk [tilespmem:v5+s28+$0x6040 ss:$0x1], $0xffff;
	s12 =	sadd.s32 $0x1070, s14  }
0x1a6: {  	v9 =	vld.idx.msk [tilespmem:v5+s12+$0x0 ss:$0x1], $0xffff  }
0x1a7: {  	v6 =	vld.idx.msk [tilespmem:v5+s12+$0xFFFFFF90 ss:$0x1], $0xffff  }
0x1a8: {  	v12 =	vld.idx.msk [tilespmem:v5+s12+$0xFFFFFFA0 ss:$0x1], $0xffff  }
0x1a9: {  	v14 =	vld.idx.msk [tilespmem:v5+s12+$0xFFFFFFB0 ss:$0x1], $0xffff  }
0x1aa: {  	v16 =	vld.idx.msk [tilespmem:v5+s12+$0xFFFFFFC0 ss:$0x1], $0xffff  }
0x1ab: {  	v11 =	vld.idx.msk [tilespmem:v5+s12+$0xFFFFFFD0 ss:$0x1], $0xffff  }
0x1ac: {  	v9 =	vadd.f32 v9, v7;
	v7 =	vld.idx.msk [tilespmem:v5+s28+$0x6050 ss:$0x1], $0xffff  }
0x1ad: {  	v12 =	vadd.f32 v12, v10;
	v10 =	vld.idx.msk [tilespmem:v5+s12+$0xFFFFFFE0 ss:$0x1], $0xffff  }
0x1ae: {  	v13 =	vadd.f32 v14, v13;
	[tilespmem:v5+s28+$0x6070 ss:$0x1] =	vst.idx.msk $0xffff, v9;
	v9 =	vld.idx.msk [tilespmem:v5+s28+$0x6060 ss:$0x1], $0xffff  }
0x1af: {  	v14 =	vadd.f32 v16, v15;
	[tilespmem:v5+s28+$0x6010 ss:$0x1] =	vst.idx.msk $0xffff, v12;
	v12 =	vld.idx.msk [tilespmem:v5+s12+$0xFFFFFFF0 ss:$0x1], $0xffff  }
0x1b0: {  	s13 =	simm.s32 $0x0;
	s14 =	sadd.s32 $0x400, s28;
	[tilespmem:v5+s28+$0x6020 ss:$0x1] =	vst.idx.msk $0xffff, v13;
	v13 =	vld.idx.msk [tilespmem:v5+s28+$0x6000 ss:$0x1], $0xffff  }
.LBB2_16:
0x1b1: {  	v15 =	vld.idx.msk [tilespmem:v5+s14+$0x6070 ss:$0x1], $0xffff;
	[tilespmem:v5+s28+$0x6030 ss:$0x1] =	vst.idx.msk $0xffff, v14;
	v8 =	vadd.f32 v11, v8;
	s12 =	sadd.s32 $0x400, s12  }
0x1b2: {  	s13 =	sadd.s32 $0x8, s13;
	v11 =	vld.idx.msk [tilespmem:v5+s12+$0x0 ss:$0x1], $0xffff  }
0x1b3: {  	p0 =	slt.u32 s13, $0x28;
	v7 =	vadd.f32 v10, v7;
	v14 =	vld.idx.msk [tilespmem:v5+s12+$0xFFFFFF90 ss:$0x1], $0xffff;
	[tilespmem:v5+s28+$0x6040 ss:$0x1] =	vst.idx.msk $0xffff, v8  }
0x1b4: {  	v10 =	vld.idx.msk [tilespmem:v5+s14+$0x6010 ss:$0x1], $0xffff  }
0x1b5: {  	v16 =	vld.idx.msk [tilespmem:v5+s12+$0xFFFFFFA0 ss:$0x1], $0xffff;
	[tilespmem:v5+s28+$0x6050 ss:$0x1] =	vst.idx.msk $0xffff, v7;
	v7 =	vadd.f32 v12, v9  }
0x1b6: {  	v8 =	vadd.f32 v6, v13;
	v9 =	vld.idx.msk [tilespmem:v5+s14+$0x6020 ss:$0x1], $0xffff  }
0x1b7: {  	v12 =	vld.idx.msk [tilespmem:v5+s12+$0xFFFFFFB0 ss:$0x1], $0xffff;
	[tilespmem:v5+s28+$0x6060 ss:$0x1] =	vst.idx.msk $0xffff, v7  }
0x1b8: {  	v7 =	vadd.f32 v11, v15;
	v13 =	vld.idx.msk [tilespmem:v5+s14+$0x6030 ss:$0x1], $0xffff;
	[tilespmem:v5+s28+$0x6000 ss:$0x1] =	vst.idx.msk $0xffff, v8;
	s28 =	smov.u32 s14  }
0x1b9: {  	v6 =	vmov v14;
	v15 =	vld.idx.msk [tilespmem:v5+s12+$0xFFFFFFC0 ss:$0x1], $0xffff  }
0x1ba: {  	v8 =	vld.idx.msk [tilespmem:v5+s14+$0x6040 ss:$0x1], $0xffff;
	[tilespmem:v5+s14+$0x6070 ss:$0x1] =	vst.idx.msk $0xffff, v7  }
0x1bb: {  	v10 =	vadd.f32 v16, v10;
	v11 =	vld.idx.msk [tilespmem:v5+s12+$0xFFFFFFD0 ss:$0x1], $0xffff  }
.Ltmp8:
0x1bc: {  	v7 =	vld.idx.msk [tilespmem:v5+s14+$0x6050 ss:$0x1], $0xffff;
	(pc) =	sbr.rel @p0 .LBB2_16-.Ltmp8, $4  }
0x1bd: {  	v12 =	vadd.f32 v12, v9;
	[tilespmem:v5+s14+$0x6010 ss:$0x1] =	vst.idx.msk $0xffff, v10;
	v10 =	vld.idx.msk [tilespmem:v5+s12+$0xFFFFFFE0 ss:$0x1], $0xffff  }
0x1be: {  	v9 =	vld.idx.msk [tilespmem:v5+s14+$0x6060 ss:$0x1], $0xffff  }
0x1bf: {  	v14 =	vadd.f32 v15, v13;
	[tilespmem:v5+s14+$0x6020 ss:$0x1] =	vst.idx.msk $0xffff, v12;
	v12 =	vld.idx.msk [tilespmem:v5+s12+$0xFFFFFFF0 ss:$0x1], $0xffff  }
0x1c0: {  	s14 =	sadd.s32 $0x400, s14;
	v13 =	vld.idx.msk [tilespmem:v5+s28+$0x6000 ss:$0x1], $0xffff  }
0x1c1: {  	_ =	sdelay $0x1  }
0x1c2: {  	s2 =	sadd.s32 $0x1, s2  }
0x1c3: {  	v8 =	vadd.f32 v11, v8;
	p0 =	sne.s32 s2, $0x10  }
.Ltmp9:
0x1c4: {  	[tilespmem:v5+s28+$0x6030 ss:$0x1] =	vst.idx.msk $0xffff, v14;
	v7 =	vadd.f32 v10, v7;
	(pc) =	sbr.rel @p0 .LBB2_15-.Ltmp9, $4  }
0x1c5: {  	[tilespmem:v5+s28+$0x6040 ss:$0x1] =	vst.idx.msk $0xffff, v8;
	v63 =	vadd.f32 v12, v9  }
0x1c6: {  	[tilespmem:v5+s28+$0x6050 ss:$0x1] =	vst.idx.msk $0xffff, v7;
	v6 =	vadd.f32 v6, v13  }
0x1c7: {  	[tilespmem:v5+s28+$0x6060 ss:$0x1] =	vst.idx.msk $0xffff, v63  }
0x1c8: {  	s24 =	sadd.s32 $0x1, s24;
	[tilespmem:v5+s28+$0x6000 ss:$0x1] =	vst.idx.msk $0xffff, v6  }
0x1c9: {  	s2 =	rddreg [dreg:$0xb]  }
0x1ca: {  	s2 =	sadd.s32 s0, s2  }
0x1cb: {  	s2 =	sshrl.u32 s2, $0x3  }
0x1cc: {  	s12 =	simm.s32 $0xD600;
	p0 =	seq.s32 s25, $0xF;
	s2 =	sadd.s32 s4, s2  }
0x1cd: {  	[hbm4b:s2+s5] =	stream.linear.scatter [tilespmem:s12], [sflag:$0xB], $0x3000, $0x38;
	[tilespmem:$0x1F600] =	vst v63  }
0x1ce: {  	s2 =	simm.s32 @!p0 $0x9  }
0x1cf: {  	_ =	swait.ge @!p0 [sflag:s2], $0x3000  }
0x1d0: {  	[sflag:s2] =	ssyncset.done @!p0 $0x0  }
0x1d1: {  	[sflag:s2] =	ssyncadd.s32 @!p0 $0xFFFFD000  }
0x1d2: {  	v4 =	vld @!p0 [tilespmem:s8+$0x80];
	_ =	sdelay $0x4  }
0x1d3: {  	v5 =	vshrl.u32 @!p0 v4, $0x3  }
0x1d4: {  	v5 =	vmul.u32 @!p0 $0x30, v5  }
0x1d5: {  	v6 =	vlaneseq.u32 @!p0;
	v4 =	vand.u32 @!p0 $0x7, v4  }
0x1d6: {  	v7 =	vshrl.u32 @!p0 v6, $0x3;
	v4 =	vor.u32 @!p0 v4, v5;
	v5 =	vand.u32 @!p0 $0x7, v6  }
0x1d7: {  	v7 =	vmul.u32 @!p0 $0x8, v7;
	v5 =	vperm.xlane @!p0 v4, v5;
	_ =	sdelay $0x1  }
0x1d8: {  	v5 =	vadd.s32 @!p0 v7, v5;
	_ =	sdelay $0x2  }
0x1d9: {  	v6 =	vor.u32 @!p0 $0x8, v6  }
0x1da: {  	vm1 =	vmmov @!p0 $0xffff;
	s12 =	simm.s32 @!p0 $0x7600;
	s2 =	simm.s32 @!p0 $0x0;
	v4 =	vperm.xlane @!p0 v4, v6  }
0x1db: {  	[tilespmem:s12], [sflag:$0x1] =	stream.indirect_vreg.gather @!p0 [hbm4b:s1+s2], $0x80, v5, vm1, $0xb8;
	[tilespmem:$0x1F600] =	vst v63  }
0x1dc: {  	v4 =	vadd.s32 @!p0 v7, v4;
	s12 =	simm.s32 @!p0 $0x7E00  }
0x1dd: {  	[tilespmem:s12], [sflag:$0x1] =	stream.indirect_vreg.gather @!p0 [hbm4b:s10+s2], $0x80, v5, vm1, $0xb8;
	[tilespmem:$0x1F600] =	vst v63  }
0x1de: {  	s12 =	simm.s32 @!p0 $0x8600  }
0x1df: {  	[tilespmem:s12], [sflag:$0x1] =	stream.indirect_vreg.gather @!p0 [hbm4b:s11+s2], $0x80, v5, vm1, $0xb8;
	[tilespmem:$0x1F600] =	vst v63  }
0x1e0: {  	s12 =	simm.s32 @!p0 $0x8E00  }
0x1e1: {  	[tilespmem:s12], [sflag:$0x1] =	stream.indirect_vreg.gather @!p0 [hbm4b:s1+s2], $0x80, v4, vm1, $0xb8;
	[tilespmem:$0x1F600] =	vst v63  }
0x1e2: {  	s12 =	simm.s32 @!p0 $0x9600  }
0x1e3: {  	[tilespmem:s12], [sflag:$0x1] =	stream.indirect_vreg.gather @!p0 [hbm4b:s10+s2], $0x80, v4, vm1, $0xb8;
	[tilespmem:$0x1F600] =	vst v63  }
0x1e4: {  	s12 =	simm.s32 @!p0 $0x9E00  }
0x1e5: {  	[tilespmem:s12], [sflag:$0x1] =	stream.indirect_vreg.gather @!p0 [hbm4b:s11+s2], $0x80, v4, vm1, $0xb8;
	[tilespmem:$0x1F600] =	vst v63  }
0x1e6: {  	_ =	swait.ge [sflag:s9], $0x3000  }
0x1e7: {  	[sflag:s9] =	ssyncset.done $0x0  }
0x1e8: {  	[sflag:s9] =	ssyncadd.s32 $0xFFFFD000  }
0x1e9: {  	s24 =	simm.s32 $0x0;
	s2 =	simm.s32 $0x0;
	v4 =	vld [tilespmem:s8+$0x830]  }
.LBB2_19:
0x1ea: {  	_ =	sdelay $0x1  }
0x1eb: {  	v5 =	vmov s2  }
0x1ec: {  	vm2 =	veq.s32 v5, v0  }
0x1ed: {  	v5 =	vnsel vm2, $0x0, v4  }
0x1ee: {  	(xrf0) =	vadd.scan.msk.s32 $0xffff, v5;
	_ =	sdelay $0x5  }
0x1ef: {  	v5, _, _ =	vpop (xrf0)  }
0x1f0: {  	(v2sf) =	vpush v5, $0xF;
	_ =	sdelay $0x9  }
0x1f1: {  	s12 =	sand.u32 $0x7, s24  }
0x1f2: {  	s12 =	sshll.u32 s12, $0x9  }
0x1f3: {  	s12 =	sshrl.u32 s12, $0x2  }
0x1f4: {  	s14 =	sshrl.u32 s2, $0x3;
	v5 =	vmov s12  }
0x1f5: {  	s14 =	smul.u32 $0x6000, s14  }
0x1f6: {  	s13 =	spop (v2sf)  }
0x1f7: {  	s12 =	sshra.s32 s14, $0x2;
	s13 =	sshll.u32 s13, $0x4  }
0x1f8: {  	s28 =	sadd.s32 $0x7600, s12;
	s13 =	sadd.s32 s13, s2  }
0x1f9: {  	v7 =	vld.idx.msk [tilespmem:v5+s28+$0x9070 ss:$0x1], $0xffff;
	s13 =	sshrl.u32 s13, $0x3  }
0x1fa: {  	v10 =	vld.idx.msk [tilespmem:v5+s28+$0x9010 ss:$0x1], $0xffff;
	s13 =	smul.u32 $0x6000, s13  }
0x1fb: {  	v13 =	vld.idx.msk [tilespmem:v5+s28+$0x9020 ss:$0x1], $0xffff  }
0x1fc: {  	v15 =	vld.idx.msk [tilespmem:v5+s28+$0x9030 ss:$0x1], $0xffff;
	s14 =	sshra.s32 s13, $0x2  }
0x1fd: {  	v8 =	vld.idx.msk [tilespmem:v5+s28+$0x9040 ss:$0x1], $0xffff;
	s12 =	sadd.s32 $0x1070, s14  }
0x1fe: {  	v9 =	vld.idx.msk [tilespmem:v5+s12+$0x0 ss:$0x1], $0xffff  }
0x1ff: {  	v6 =	vld.idx.msk [tilespmem:v5+s12+$0xFFFFFF90 ss:$0x1], $0xffff  }
0x200: {  	v12 =	vld.idx.msk [tilespmem:v5+s12+$0xFFFFFFA0 ss:$0x1], $0xffff  }
0x201: {  	v14 =	vld.idx.msk [tilespmem:v5+s12+$0xFFFFFFB0 ss:$0x1], $0xffff  }
0x202: {  	v16 =	vld.idx.msk [tilespmem:v5+s12+$0xFFFFFFC0 ss:$0x1], $0xffff  }
0x203: {  	v11 =	vld.idx.msk [tilespmem:v5+s12+$0xFFFFFFD0 ss:$0x1], $0xffff  }
0x204: {  	v9 =	vadd.f32 v9, v7;
	v7 =	vld.idx.msk [tilespmem:v5+s28+$0x9050 ss:$0x1], $0xffff  }
0x205: {  	v12 =	vadd.f32 v12, v10;
	v10 =	vld.idx.msk [tilespmem:v5+s12+$0xFFFFFFE0 ss:$0x1], $0xffff  }
0x206: {  	v13 =	vadd.f32 v14, v13;
	[tilespmem:v5+s28+$0x9070 ss:$0x1] =	vst.idx.msk $0xffff, v9;
	v9 =	vld.idx.msk [tilespmem:v5+s28+$0x9060 ss:$0x1], $0xffff  }
0x207: {  	v14 =	vadd.f32 v16, v15;
	[tilespmem:v5+s28+$0x9010 ss:$0x1] =	vst.idx.msk $0xffff, v12;
	v12 =	vld.idx.msk [tilespmem:v5+s12+$0xFFFFFFF0 ss:$0x1], $0xffff  }
0x208: {  	s13 =	simm.s32 $0x0;
	s14 =	sadd.s32 $0x400, s28;
	[tilespmem:v5+s28+$0x9020 ss:$0x1] =	vst.idx.msk $0xffff, v13;
	v13 =	vld.idx.msk [tilespmem:v5+s28+$0x9000 ss:$0x1], $0xffff  }
.LBB2_20:
0x209: {  	v15 =	vld.idx.msk [tilespmem:v5+s14+$0x9070 ss:$0x1], $0xffff;
	[tilespmem:v5+s28+$0x9030 ss:$0x1] =	vst.idx.msk $0xffff, v14;
	v8 =	vadd.f32 v11, v8;
	s12 =	sadd.s32 $0x400, s12  }
0x20a: {  	s13 =	sadd.s32 $0x8, s13;
	v11 =	vld.idx.msk [tilespmem:v5+s12+$0x0 ss:$0x1], $0xffff  }
0x20b: {  	p1 =	slt.u32 s13, $0x28;
	v7 =	vadd.f32 v10, v7;
	v14 =	vld.idx.msk [tilespmem:v5+s12+$0xFFFFFF90 ss:$0x1], $0xffff;
	[tilespmem:v5+s28+$0x9040 ss:$0x1] =	vst.idx.msk $0xffff, v8  }
0x20c: {  	v10 =	vld.idx.msk [tilespmem:v5+s14+$0x9010 ss:$0x1], $0xffff  }
0x20d: {  	v16 =	vld.idx.msk [tilespmem:v5+s12+$0xFFFFFFA0 ss:$0x1], $0xffff;
	[tilespmem:v5+s28+$0x9050 ss:$0x1] =	vst.idx.msk $0xffff, v7;
	v7 =	vadd.f32 v12, v9  }
0x20e: {  	v8 =	vadd.f32 v6, v13;
	v9 =	vld.idx.msk [tilespmem:v5+s14+$0x9020 ss:$0x1], $0xffff  }
0x20f: {  	v12 =	vld.idx.msk [tilespmem:v5+s12+$0xFFFFFFB0 ss:$0x1], $0xffff;
	[tilespmem:v5+s28+$0x9060 ss:$0x1] =	vst.idx.msk $0xffff, v7  }
0x210: {  	v7 =	vadd.f32 v11, v15;
	v13 =	vld.idx.msk [tilespmem:v5+s14+$0x9030 ss:$0x1], $0xffff;
	[tilespmem:v5+s28+$0x9000 ss:$0x1] =	vst.idx.msk $0xffff, v8;
	s28 =	smov.u32 s14  }
0x211: {  	v6 =	vmov v14;
	v15 =	vld.idx.msk [tilespmem:v5+s12+$0xFFFFFFC0 ss:$0x1], $0xffff  }
0x212: {  	v8 =	vld.idx.msk [tilespmem:v5+s14+$0x9040 ss:$0x1], $0xffff;
	[tilespmem:v5+s14+$0x9070 ss:$0x1] =	vst.idx.msk $0xffff, v7  }
0x213: {  	v10 =	vadd.f32 v16, v10;
	v11 =	vld.idx.msk [tilespmem:v5+s12+$0xFFFFFFD0 ss:$0x1], $0xffff  }
.Ltmp10:
0x214: {  	v7 =	vld.idx.msk [tilespmem:v5+s14+$0x9050 ss:$0x1], $0xffff;
	(pc) =	sbr.rel @p1 .LBB2_20-.Ltmp10, $4  }
0x215: {  	v12 =	vadd.f32 v12, v9;
	[tilespmem:v5+s14+$0x9010 ss:$0x1] =	vst.idx.msk $0xffff, v10;
	v10 =	vld.idx.msk [tilespmem:v5+s12+$0xFFFFFFE0 ss:$0x1], $0xffff  }
0x216: {  	v9 =	vld.idx.msk [tilespmem:v5+s14+$0x9060 ss:$0x1], $0xffff  }
0x217: {  	v14 =	vadd.f32 v15, v13;
	[tilespmem:v5+s14+$0x9020 ss:$0x1] =	vst.idx.msk $0xffff, v12;
	v12 =	vld.idx.msk [tilespmem:v5+s12+$0xFFFFFFF0 ss:$0x1], $0xffff  }
0x218: {  	s14 =	sadd.s32 $0x400, s14;
	v13 =	vld.idx.msk [tilespmem:v5+s28+$0x9000 ss:$0x1], $0xffff  }
0x219: {  	_ =	sdelay $0x1  }
0x21a: {  	s2 =	sadd.s32 $0x1, s2  }
0x21b: {  	v8 =	vadd.f32 v11, v8;
	p1 =	sne.s32 s2, $0x10  }
.Ltmp11:
0x21c: {  	[tilespmem:v5+s28+$0x9030 ss:$0x1] =	vst.idx.msk $0xffff, v14;
	v7 =	vadd.f32 v10, v7;
	(pc) =	sbr.rel @p1 .LBB2_19-.Ltmp11, $4  }
0x21d: {  	[tilespmem:v5+s28+$0x9040 ss:$0x1] =	vst.idx.msk $0xffff, v8;
	v63 =	vadd.f32 v12, v9  }
0x21e: {  	[tilespmem:v5+s28+$0x9050 ss:$0x1] =	vst.idx.msk $0xffff, v7;
	v6 =	vadd.f32 v6, v13  }
0x21f: {  	[tilespmem:v5+s28+$0x9060 ss:$0x1] =	vst.idx.msk $0xffff, v63  }
0x220: {  	s24 =	sadd.s32 $0x1, s24;
	[tilespmem:v5+s28+$0x9000 ss:$0x1] =	vst.idx.msk $0xffff, v6  }
0x221: {  	s2 =	sadd.s32 s0, s15  }
0x222: {  	s2 =	sshrl.u32 s2, $0x3  }
0x223: {  	s12 =	simm.s32 $0x10600;
	s2 =	sadd.s32 s4, s2  }
0x224: {  	[hbm4b:s2+s5] =	stream.linear.scatter [tilespmem:s12], [sflag:$0xC], $0x3000, $0x38;
	[tilespmem:$0x1F600] =	vst v63  }
0x225: {  	s2 =	simm.s32 @!p0 $0xA  }
0x226: {  	_ =	swait.ge @!p0 [sflag:s2], $0x3000  }
0x227: {  	[sflag:s2] =	ssyncset.done @!p0 $0x0  }
0x228: {  	[sflag:s2] =	ssyncadd.s32 @!p0 $0xFFFFD000  }
0x229: {  	v4 =	vld @!p0 [tilespmem:s8+$0x90];
	_ =	sdelay $0x4  }
0x22a: {  	v5 =	vshrl.u32 @!p0 v4, $0x3  }
0x22b: {  	v5 =	vmul.u32 @!p0 $0x30, v5  }
0x22c: {  	v6 =	vlaneseq.u32 @!p0;
	v4 =	vand.u32 @!p0 $0x7, v4  }
0x22d: {  	v7 =	vshrl.u32 @!p0 v6, $0x3;
	v4 =	vor.u32 @!p0 v4, v5;
	v5 =	vand.u32 @!p0 $0x7, v6  }
0x22e: {  	v7 =	vmul.u32 @!p0 $0x8, v7;
	v5 =	vperm.xlane @!p0 v4, v5;
	_ =	sdelay $0x1  }
0x22f: {  	v5 =	vadd.s32 @!p0 v7, v5;
	_ =	sdelay $0x2  }
0x230: {  	v6 =	vor.u32 @!p0 $0x8, v6  }
0x231: {  	s12 =	simm.s32 @!p0 $0xA600;
	s2 =	simm.s32 @!p0 $0x0;
	v4 =	vperm.xlane @!p0 v4, v6  }
0x232: {  	[tilespmem:s12], [sflag:$0x2] =	stream.indirect_vreg.gather @!p0 [hbm4b:s1+s2], $0x80, v5, vm1, $0xb8;
	[tilespmem:$0x1F600] =	vst v63  }
0x233: {  	v4 =	vadd.s32 @!p0 v7, v4;
	s12 =	simm.s32 @!p0 $0xAE00  }
0x234: {  	[tilespmem:s12], [sflag:$0x2] =	stream.indirect_vreg.gather @!p0 [hbm4b:s10+s2], $0x80, v5, vm1, $0xb8;
	[tilespmem:$0x1F600] =	vst v63  }
0x235: {  	s12 =	simm.s32 @!p0 $0xB600  }
0x236: {  	[tilespmem:s12], [sflag:$0x2] =	stream.indirect_vreg.gather @!p0 [hbm4b:s11+s2], $0x80, v5, vm1, $0xb8;
	[tilespmem:$0x1F600] =	vst v63  }
0x237: {  	s12 =	simm.s32 @!p0 $0xBE00  }
0x238: {  	[tilespmem:s12], [sflag:$0x2] =	stream.indirect_vreg.gather @!p0 [hbm4b:s1+s2], $0x80, v4, vm1, $0xb8;
	[tilespmem:$0x1F600] =	vst v63  }
0x239: {  	s12 =	simm.s32 @!p0 $0xC600  }
0x23a: {  	[tilespmem:s12], [sflag:$0x2] =	stream.indirect_vreg.gather @!p0 [hbm4b:s10+s2], $0x80, v4, vm1, $0xb8;
	[tilespmem:$0x1F600] =	vst v63  }
0x23b: {  	s12 =	simm.s32 @!p0 $0xCE00  }
0x23c: {  	[tilespmem:s12], [sflag:$0x2] =	stream.indirect_vreg.gather @!p0 [hbm4b:s11+s2], $0x80, v4, vm1, $0xb8;
	[tilespmem:$0x1F600] =	vst v63  }
0x23d: {  	_ =	swait.ge [sflag:s20], $0x3000  }
0x23e: {  	[sflag:s20] =	ssyncset.done $0x0  }
0x23f: {  	[sflag:s20] =	ssyncadd.s32 $0xFFFFD000  }
0x240: {  	s24 =	simm.s32 $0x0;
	s2 =	simm.s32 $0x0;
	v4 =	vld [tilespmem:s8+$0x840]  }
.LBB2_23:
0x241: {  	_ =	sdelay $0x1  }
0x242: {  	v5 =	vmov s2  }
0x243: {  	vm2 =	veq.s32 v5, v0  }
0x244: {  	v5 =	vnsel vm2, $0x0, v4  }
0x245: {  	(xrf0) =	vadd.scan.msk.s32 $0xffff, v5;
	_ =	sdelay $0x5  }
0x246: {  	v5, _, _ =	vpop (xrf0)  }
0x247: {  	(v2sf) =	vpush v5, $0xF;
	_ =	sdelay $0x9  }
0x248: {  	s12 =	sand.u32 $0x7, s24  }
0x249: {  	s12 =	sshll.u32 s12, $0x9  }
0x24a: {  	s12 =	sshrl.u32 s12, $0x2  }
0x24b: {  	s14 =	sshrl.u32 s2, $0x3;
	v5 =	vmov s12  }
0x24c: {  	s14 =	smul.u32 $0x6000, s14  }
0x24d: {  	s13 =	spop (v2sf)  }
0x24e: {  	s12 =	sshra.s32 s14, $0x2;
	s13 =	sshll.u32 s13, $0x4  }
0x24f: {  	s28 =	sadd.s32 $0x7600, s12;
	s13 =	sadd.s32 s13, s2  }
0x250: {  	v7 =	vld.idx.msk [tilespmem:v5+s28+$0xC070 ss:$0x1], $0xffff;
	s13 =	sshrl.u32 s13, $0x3  }
0x251: {  	v10 =	vld.idx.msk [tilespmem:v5+s28+$0xC010 ss:$0x1], $0xffff;
	s13 =	smul.u32 $0x6000, s13  }
0x252: {  	v13 =	vld.idx.msk [tilespmem:v5+s28+$0xC020 ss:$0x1], $0xffff  }
0x253: {  	v15 =	vld.idx.msk [tilespmem:v5+s28+$0xC030 ss:$0x1], $0xffff;
	s14 =	sshra.s32 s13, $0x2  }
0x254: {  	v8 =	vld.idx.msk [tilespmem:v5+s28+$0xC040 ss:$0x1], $0xffff;
	s12 =	sadd.s32 $0x1070, s14  }
0x255: {  	v9 =	vld.idx.msk [tilespmem:v5+s12+$0x0 ss:$0x1], $0xffff  }
0x256: {  	v6 =	vld.idx.msk [tilespmem:v5+s12+$0xFFFFFF90 ss:$0x1], $0xffff  }
0x257: {  	v12 =	vld.idx.msk [tilespmem:v5+s12+$0xFFFFFFA0 ss:$0x1], $0xffff  }
0x258: {  	v14 =	vld.idx.msk [tilespmem:v5+s12+$0xFFFFFFB0 ss:$0x1], $0xffff  }
0x259: {  	v16 =	vld.idx.msk [tilespmem:v5+s12+$0xFFFFFFC0 ss:$0x1], $0xffff  }
0x25a: {  	v11 =	vld.idx.msk [tilespmem:v5+s12+$0xFFFFFFD0 ss:$0x1], $0xffff  }
0x25b: {  	v9 =	vadd.f32 v9, v7;
	v7 =	vld.idx.msk [tilespmem:v5+s28+$0xC050 ss:$0x1], $0xffff  }
0x25c: {  	v12 =	vadd.f32 v12, v10;
	v10 =	vld.idx.msk [tilespmem:v5+s12+$0xFFFFFFE0 ss:$0x1], $0xffff  }
0x25d: {  	v13 =	vadd.f32 v14, v13;
	[tilespmem:v5+s28+$0xC070 ss:$0x1] =	vst.idx.msk $0xffff, v9;
	v9 =	vld.idx.msk [tilespmem:v5+s28+$0xC060 ss:$0x1], $0xffff  }
0x25e: {  	v14 =	vadd.f32 v16, v15;
	[tilespmem:v5+s28+$0xC010 ss:$0x1] =	vst.idx.msk $0xffff, v12;
	v12 =	vld.idx.msk [tilespmem:v5+s12+$0xFFFFFFF0 ss:$0x1], $0xffff  }
0x25f: {  	s13 =	simm.s32 $0x0;
	s14 =	sadd.s32 $0x400, s28;
	[tilespmem:v5+s28+$0xC020 ss:$0x1] =	vst.idx.msk $0xffff, v13;
	v13 =	vld.idx.msk [tilespmem:v5+s28+$0xC000 ss:$0x1], $0xffff  }
.LBB2_24:
0x260: {  	v15 =	vld.idx.msk [tilespmem:v5+s14+$0xC070 ss:$0x1], $0xffff;
	[tilespmem:v5+s28+$0xC030 ss:$0x1] =	vst.idx.msk $0xffff, v14;
	v8 =	vadd.f32 v11, v8;
	s12 =	sadd.s32 $0x400, s12  }
0x261: {  	s13 =	sadd.s32 $0x8, s13;
	v11 =	vld.idx.msk [tilespmem:v5+s12+$0x0 ss:$0x1], $0xffff  }
0x262: {  	p1 =	slt.u32 s13, $0x28;
	v7 =	vadd.f32 v10, v7;
	v14 =	vld.idx.msk [tilespmem:v5+s12+$0xFFFFFF90 ss:$0x1], $0xffff;
	[tilespmem:v5+s28+$0xC040 ss:$0x1] =	vst.idx.msk $0xffff, v8  }
0x263: {  	v10 =	vld.idx.msk [tilespmem:v5+s14+$0xC010 ss:$0x1], $0xffff  }
0x264: {  	v16 =	vld.idx.msk [tilespmem:v5+s12+$0xFFFFFFA0 ss:$0x1], $0xffff;
	[tilespmem:v5+s28+$0xC050 ss:$0x1] =	vst.idx.msk $0xffff, v7;
	v7 =	vadd.f32 v12, v9  }
0x265: {  	v8 =	vadd.f32 v6, v13;
	v9 =	vld.idx.msk [tilespmem:v5+s14+$0xC020 ss:$0x1], $0xffff  }
0x266: {  	v12 =	vld.idx.msk [tilespmem:v5+s12+$0xFFFFFFB0 ss:$0x1], $0xffff;
	[tilespmem:v5+s28+$0xC060 ss:$0x1] =	vst.idx.msk $0xffff, v7  }
0x267: {  	v7 =	vadd.f32 v11, v15;
	v13 =	vld.idx.msk [tilespmem:v5+s14+$0xC030 ss:$0x1], $0xffff;
	[tilespmem:v5+s28+$0xC000 ss:$0x1] =	vst.idx.msk $0xffff, v8;
	s28 =	smov.u32 s14  }
0x268: {  	v6 =	vmov v14;
	v15 =	vld.idx.msk [tilespmem:v5+s12+$0xFFFFFFC0 ss:$0x1], $0xffff  }
0x269: {  	v8 =	vld.idx.msk [tilespmem:v5+s14+$0xC040 ss:$0x1], $0xffff;
	[tilespmem:v5+s14+$0xC070 ss:$0x1] =	vst.idx.msk $0xffff, v7  }
0x26a: {  	v10 =	vadd.f32 v16, v10;
	v11 =	vld.idx.msk [tilespmem:v5+s12+$0xFFFFFFD0 ss:$0x1], $0xffff  }
.Ltmp12:
0x26b: {  	v7 =	vld.idx.msk [tilespmem:v5+s14+$0xC050 ss:$0x1], $0xffff;
	(pc) =	sbr.rel @p1 .LBB2_24-.Ltmp12, $4  }
0x26c: {  	v12 =	vadd.f32 v12, v9;
	[tilespmem:v5+s14+$0xC010 ss:$0x1] =	vst.idx.msk $0xffff, v10;
	v10 =	vld.idx.msk [tilespmem:v5+s12+$0xFFFFFFE0 ss:$0x1], $0xffff  }
0x26d: {  	v9 =	vld.idx.msk [tilespmem:v5+s14+$0xC060 ss:$0x1], $0xffff  }
0x26e: {  	v14 =	vadd.f32 v15, v13;
	[tilespmem:v5+s14+$0xC020 ss:$0x1] =	vst.idx.msk $0xffff, v12;
	v12 =	vld.idx.msk [tilespmem:v5+s12+$0xFFFFFFF0 ss:$0x1], $0xffff  }
0x26f: {  	s14 =	sadd.s32 $0x400, s14;
	v13 =	vld.idx.msk [tilespmem:v5+s28+$0xC000 ss:$0x1], $0xffff  }
0x270: {  	_ =	sdelay $0x1  }
0x271: {  	s2 =	sadd.s32 $0x1, s2  }
0x272: {  	v8 =	vadd.f32 v11, v8;
	p1 =	sne.s32 s2, $0x10  }
.Ltmp13:
0x273: {  	[tilespmem:v5+s28+$0xC030 ss:$0x1] =	vst.idx.msk $0xffff, v14;
	v7 =	vadd.f32 v10, v7;
	(pc) =	sbr.rel @p1 .LBB2_23-.Ltmp13, $4  }
0x274: {  	[tilespmem:v5+s28+$0xC040 ss:$0x1] =	vst.idx.msk $0xffff, v8;
	v63 =	vadd.f32 v12, v9  }
0x275: {  	[tilespmem:v5+s28+$0xC050 ss:$0x1] =	vst.idx.msk $0xffff, v7;
	v6 =	vadd.f32 v6, v13  }
0x276: {  	[tilespmem:v5+s28+$0xC060 ss:$0x1] =	vst.idx.msk $0xffff, v63  }
0x277: {  	s24 =	sadd.s32 $0x1, s24;
	[tilespmem:v5+s28+$0xC000 ss:$0x1] =	vst.idx.msk $0xffff, v6  }
0x278: {  	s2 =	rddreg [dreg:$0x9]  }
0x279: {  	s2 =	sadd.s32 s2, s0  }
0x27a: {  	s2 =	sshrl.u32 s2, $0x3  }
0x27b: {  	s12 =	simm.s32 $0x13600;
	s2 =	sadd.s32 s4, s2  }
0x27c: {  	[hbm4b:s2+s5] =	stream.linear.scatter [tilespmem:s12], [sflag:$0xD], $0x3000, $0x38;
	[tilespmem:$0x1F600] =	vst v63  }
0x27d: {  	s2 =	simm.s32 @!p0 $0xB  }
0x27e: {  	_ =	swait.ge @!p0 [sflag:s2], $0x3000  }
0x27f: {  	[sflag:s2] =	ssyncset.done @!p0 $0x0  }
0x280: {  	[sflag:s2] =	ssyncadd.s32 @!p0 $0xFFFFD000  }
0x281: {  	v4 =	vld @!p0 [tilespmem:s8+$0xA0];
	_ =	sdelay $0x4  }
0x282: {  	v5 =	vshrl.u32 @!p0 v4, $0x3  }
0x283: {  	v5 =	vmul.u32 @!p0 $0x30, v5  }
0x284: {  	v6 =	vlaneseq.u32 @!p0;
	v4 =	vand.u32 @!p0 $0x7, v4  }
0x285: {  	v7 =	vshrl.u32 @!p0 v6, $0x3;
	v4 =	vor.u32 @!p0 v4, v5;
	v5 =	vand.u32 @!p0 $0x7, v6  }
0x286: {  	v7 =	vmul.u32 @!p0 $0x8, v7;
	v5 =	vperm.xlane @!p0 v4, v5;
	_ =	sdelay $0x1  }
0x287: {  	v5 =	vadd.s32 @!p0 v7, v5;
	_ =	sdelay $0x2  }
0x288: {  	v6 =	vor.u32 @!p0 $0x8, v6  }
0x289: {  	s12 =	simm.s32 @!p0 $0xD600;
	s2 =	simm.s32 @!p0 $0x0;
	v4 =	vperm.xlane @!p0 v4, v6  }
0x28a: {  	[tilespmem:s12], [sflag:$0x3] =	stream.indirect_vreg.gather @!p0 [hbm4b:s1+s2], $0x80, v5, vm1, $0xb8;
	[tilespmem:$0x1F600] =	vst v63  }
0x28b: {  	v4 =	vadd.s32 @!p0 v7, v4;
	s12 =	simm.s32 @!p0 $0xDE00  }
0x28c: {  	[tilespmem:s12], [sflag:$0x3] =	stream.indirect_vreg.gather @!p0 [hbm4b:s10+s2], $0x80, v5, vm1, $0xb8;
	[tilespmem:$0x1F600] =	vst v63  }
0x28d: {  	s12 =	simm.s32 @!p0 $0xE600  }
0x28e: {  	[tilespmem:s12], [sflag:$0x3] =	stream.indirect_vreg.gather @!p0 [hbm4b:s11+s2], $0x80, v5, vm1, $0xb8;
	[tilespmem:$0x1F600] =	vst v63  }
0x28f: {  	s12 =	simm.s32 @!p0 $0xEE00  }
0x290: {  	[tilespmem:s12], [sflag:$0x3] =	stream.indirect_vreg.gather @!p0 [hbm4b:s1+s2], $0x80, v4, vm1, $0xb8;
	[tilespmem:$0x1F600] =	vst v63  }
0x291: {  	s12 =	simm.s32 @!p0 $0xF600  }
0x292: {  	[tilespmem:s12], [sflag:$0x3] =	stream.indirect_vreg.gather @!p0 [hbm4b:s10+s2], $0x80, v4, vm1, $0xb8;
	[tilespmem:$0x1F600] =	vst v63  }
0x293: {  	s12 =	simm.s32 @!p0 $0xFE00  }
0x294: {  	[tilespmem:s12], [sflag:$0x3] =	stream.indirect_vreg.gather @!p0 [hbm4b:s11+s2], $0x80, v4, vm1, $0xb8;
	[tilespmem:$0x1F600] =	vst v63  }
0x295: {  	_ =	swait.ge [sflag:s29], $0x3000  }
0x296: {  	[sflag:s29] =	ssyncset.done $0x0  }
0x297: {  	[sflag:s29] =	ssyncadd.s32 $0xFFFFD000  }
0x298: {  	s24 =	simm.s32 $0x0;
	s2 =	simm.s32 $0x0;
	v4 =	vld [tilespmem:s8+$0x850]  }
.LBB2_27:
0x299: {  	_ =	sdelay $0x1  }
0x29a: {  	v5 =	vmov s2  }
0x29b: {  	vm2 =	veq.s32 v5, v0  }
0x29c: {  	v5 =	vnsel vm2, $0x0, v4  }
0x29d: {  	(xrf0) =	vadd.scan.msk.s32 $0xffff, v5;
	_ =	sdelay $0x5  }
0x29e: {  	v5, _, _ =	vpop (xrf0)  }
0x29f: {  	(v2sf) =	vpush v5, $0xF;
	_ =	sdelay $0x9  }
0x2a0: {  	s12 =	sand.u32 $0x7, s24  }
0x2a1: {  	s12 =	sshll.u32 s12, $0x9  }
0x2a2: {  	s12 =	sshrl.u32 s12, $0x2  }
0x2a3: {  	s14 =	sshrl.u32 s2, $0x3;
	v5 =	vmov s12  }
0x2a4: {  	s14 =	smul.u32 $0x6000, s14  }
0x2a5: {  	s13 =	spop (v2sf)  }
0x2a6: {  	s12 =	sshra.s32 s14, $0x2;
	s13 =	sshll.u32 s13, $0x4  }
0x2a7: {  	s28 =	sadd.s32 $0x7600, s12;
	s13 =	sadd.s32 s13, s2  }
0x2a8: {  	v7 =	vld.idx.msk [tilespmem:v5+s28+$0xF070 ss:$0x1], $0xffff;
	s13 =	sshrl.u32 s13, $0x3  }
0x2a9: {  	v10 =	vld.idx.msk [tilespmem:v5+s28+$0xF010 ss:$0x1], $0xffff;
	s13 =	smul.u32 $0x6000, s13  }
0x2aa: {  	v13 =	vld.idx.msk [tilespmem:v5+s28+$0xF020 ss:$0x1], $0xffff  }
0x2ab: {  	v15 =	vld.idx.msk [tilespmem:v5+s28+$0xF030 ss:$0x1], $0xffff;
	s14 =	sshra.s32 s13, $0x2  }
0x2ac: {  	v8 =	vld.idx.msk [tilespmem:v5+s28+$0xF040 ss:$0x1], $0xffff;
	s12 =	sadd.s32 $0x1070, s14  }
0x2ad: {  	v9 =	vld.idx.msk [tilespmem:v5+s12+$0x0 ss:$0x1], $0xffff  }
0x2ae: {  	v6 =	vld.idx.msk [tilespmem:v5+s12+$0xFFFFFF90 ss:$0x1], $0xffff  }
0x2af: {  	v12 =	vld.idx.msk [tilespmem:v5+s12+$0xFFFFFFA0 ss:$0x1], $0xffff  }
0x2b0: {  	v14 =	vld.idx.msk [tilespmem:v5+s12+$0xFFFFFFB0 ss:$0x1], $0xffff  }
0x2b1: {  	v16 =	vld.idx.msk [tilespmem:v5+s12+$0xFFFFFFC0 ss:$0x1], $0xffff  }
0x2b2: {  	v11 =	vld.idx.msk [tilespmem:v5+s12+$0xFFFFFFD0 ss:$0x1], $0xffff  }
0x2b3: {  	v9 =	vadd.f32 v9, v7;
	v7 =	vld.idx.msk [tilespmem:v5+s28+$0xF050 ss:$0x1], $0xffff  }
0x2b4: {  	v12 =	vadd.f32 v12, v10;
	v10 =	vld.idx.msk [tilespmem:v5+s12+$0xFFFFFFE0 ss:$0x1], $0xffff  }
0x2b5: {  	v13 =	vadd.f32 v14, v13;
	[tilespmem:v5+s28+$0xF070 ss:$0x1] =	vst.idx.msk $0xffff, v9;
	v9 =	vld.idx.msk [tilespmem:v5+s28+$0xF060 ss:$0x1], $0xffff  }
0x2b6: {  	v14 =	vadd.f32 v16, v15;
	[tilespmem:v5+s28+$0xF010 ss:$0x1] =	vst.idx.msk $0xffff, v12;
	v12 =	vld.idx.msk [tilespmem:v5+s12+$0xFFFFFFF0 ss:$0x1], $0xffff  }
0x2b7: {  	s13 =	simm.s32 $0x0;
	s14 =	sadd.s32 $0x400, s28;
	[tilespmem:v5+s28+$0xF020 ss:$0x1] =	vst.idx.msk $0xffff, v13;
	v13 =	vld.idx.msk [tilespmem:v5+s28+$0xF000 ss:$0x1], $0xffff  }
.LBB2_28:
0x2b8: {  	v15 =	vld.idx.msk [tilespmem:v5+s14+$0xF070 ss:$0x1], $0xffff;
	[tilespmem:v5+s28+$0xF030 ss:$0x1] =	vst.idx.msk $0xffff, v14;
	v8 =	vadd.f32 v11, v8;
	s12 =	sadd.s32 $0x400, s12  }
0x2b9: {  	s13 =	sadd.s32 $0x8, s13;
	v11 =	vld.idx.msk [tilespmem:v5+s12+$0x0 ss:$0x1], $0xffff  }
0x2ba: {  	p1 =	slt.u32 s13, $0x28;
	v7 =	vadd.f32 v10, v7;
	v14 =	vld.idx.msk [tilespmem:v5+s12+$0xFFFFFF90 ss:$0x1], $0xffff;
	[tilespmem:v5+s28+$0xF040 ss:$0x1] =	vst.idx.msk $0xffff, v8  }
0x2bb: {  	v10 =	vld.idx.msk [tilespmem:v5+s14+$0xF010 ss:$0x1], $0xffff  }
0x2bc: {  	v16 =	vld.idx.msk [tilespmem:v5+s12+$0xFFFFFFA0 ss:$0x1], $0xffff;
	[tilespmem:v5+s28+$0xF050 ss:$0x1] =	vst.idx.msk $0xffff, v7;
	v7 =	vadd.f32 v12, v9  }
0x2bd: {  	v8 =	vadd.f32 v6, v13;
	v9 =	vld.idx.msk [tilespmem:v5+s14+$0xF020 ss:$0x1], $0xffff  }
0x2be: {  	v12 =	vld.idx.msk [tilespmem:v5+s12+$0xFFFFFFB0 ss:$0x1], $0xffff;
	[tilespmem:v5+s28+$0xF060 ss:$0x1] =	vst.idx.msk $0xffff, v7  }
0x2bf: {  	v7 =	vadd.f32 v11, v15;
	v13 =	vld.idx.msk [tilespmem:v5+s14+$0xF030 ss:$0x1], $0xffff;
	[tilespmem:v5+s28+$0xF000 ss:$0x1] =	vst.idx.msk $0xffff, v8;
	s28 =	smov.u32 s14  }
0x2c0: {  	v6 =	vmov v14;
	v15 =	vld.idx.msk [tilespmem:v5+s12+$0xFFFFFFC0 ss:$0x1], $0xffff  }
0x2c1: {  	v8 =	vld.idx.msk [tilespmem:v5+s14+$0xF040 ss:$0x1], $0xffff;
	[tilespmem:v5+s14+$0xF070 ss:$0x1] =	vst.idx.msk $0xffff, v7  }
0x2c2: {  	v10 =	vadd.f32 v16, v10;
	v11 =	vld.idx.msk [tilespmem:v5+s12+$0xFFFFFFD0 ss:$0x1], $0xffff  }
.Ltmp14:
0x2c3: {  	v7 =	vld.idx.msk [tilespmem:v5+s14+$0xF050 ss:$0x1], $0xffff;
	(pc) =	sbr.rel @p1 .LBB2_28-.Ltmp14, $4  }
0x2c4: {  	v12 =	vadd.f32 v12, v9;
	[tilespmem:v5+s14+$0xF010 ss:$0x1] =	vst.idx.msk $0xffff, v10;
	v10 =	vld.idx.msk [tilespmem:v5+s12+$0xFFFFFFE0 ss:$0x1], $0xffff  }
0x2c5: {  	v9 =	vld.idx.msk [tilespmem:v5+s14+$0xF060 ss:$0x1], $0xffff  }
0x2c6: {  	v14 =	vadd.f32 v15, v13;
	[tilespmem:v5+s14+$0xF020 ss:$0x1] =	vst.idx.msk $0xffff, v12;
	v12 =	vld.idx.msk [tilespmem:v5+s12+$0xFFFFFFF0 ss:$0x1], $0xffff  }
0x2c7: {  	s14 =	sadd.s32 $0x400, s14;
	v13 =	vld.idx.msk [tilespmem:v5+s28+$0xF000 ss:$0x1], $0xffff  }
0x2c8: {  	_ =	sdelay $0x1  }
0x2c9: {  	s2 =	sadd.s32 $0x1, s2  }
0x2ca: {  	v8 =	vadd.f32 v11, v8;
	p1 =	sne.s32 s2, $0x10  }
.Ltmp15:
0x2cb: {  	[tilespmem:v5+s28+$0xF030 ss:$0x1] =	vst.idx.msk $0xffff, v14;
	v7 =	vadd.f32 v10, v7;
	(pc) =	sbr.rel @p1 .LBB2_27-.Ltmp15, $4  }
0x2cc: {  	[tilespmem:v5+s28+$0xF040 ss:$0x1] =	vst.idx.msk $0xffff, v8;
	v63 =	vadd.f32 v12, v9  }
0x2cd: {  	[tilespmem:v5+s28+$0xF050 ss:$0x1] =	vst.idx.msk $0xffff, v7;
	v6 =	vadd.f32 v6, v13  }
0x2ce: {  	[tilespmem:v5+s28+$0xF060 ss:$0x1] =	vst.idx.msk $0xffff, v63  }
0x2cf: {  	s24 =	sadd.s32 $0x1, s24;
	[tilespmem:v5+s28+$0xF000 ss:$0x1] =	vst.idx.msk $0xffff, v6  }
0x2d0: {  	s2 =	sadd.s32 s0, s16  }
0x2d1: {  	s2 =	sshrl.u32 s2, $0x3  }
0x2d2: {  	s2 =	sadd.s32 s4, s2  }
0x2d3: {  	[hbm4b:s2+s5] =	stream.linear.scatter [tilespmem:s22], [sflag:$0xE], $0x3000, $0x38;
	[tilespmem:$0x1F600] =	vst v63  }
0x2d4: {  	s2 =	simm.s32 @!p0 $0xC  }
0x2d5: {  	_ =	swait.ge @!p0 [sflag:s2], $0x3000  }
0x2d6: {  	[sflag:s2] =	ssyncset.done @!p0 $0x0  }
0x2d7: {  	[sflag:s2] =	ssyncadd.s32 @!p0 $0xFFFFD000  }
0x2d8: {  	v4 =	vld @!p0 [tilespmem:s8+$0xB0];
	_ =	sdelay $0x4  }
0x2d9: {  	v5 =	vshrl.u32 @!p0 v4, $0x3  }
0x2da: {  	v5 =	vmul.u32 @!p0 $0x30, v5  }
0x2db: {  	v6 =	vlaneseq.u32 @!p0;
	v4 =	vand.u32 @!p0 $0x7, v4  }
0x2dc: {  	v7 =	vshrl.u32 @!p0 v6, $0x3;
	v4 =	vor.u32 @!p0 v4, v5;
	v5 =	vand.u32 @!p0 $0x7, v6  }
0x2dd: {  	v7 =	vmul.u32 @!p0 $0x8, v7;
	v5 =	vperm.xlane @!p0 v4, v5;
	_ =	sdelay $0x1  }
0x2de: {  	v5 =	vadd.s32 @!p0 v7, v5;
	_ =	sdelay $0x2  }
0x2df: {  	v6 =	vor.u32 @!p0 $0x8, v6  }
0x2e0: {  	s12 =	simm.s32 @!p0 $0x10600;
	s2 =	simm.s32 @!p0 $0x0;
	v4 =	vperm.xlane @!p0 v4, v6  }
0x2e1: {  	[tilespmem:s12], [sflag:$0x4] =	stream.indirect_vreg.gather @!p0 [hbm4b:s1+s2], $0x80, v5, vm1, $0xb8;
	[tilespmem:$0x1F600] =	vst v63  }
0x2e2: {  	v4 =	vadd.s32 @!p0 v7, v4;
	s12 =	simm.s32 @!p0 $0x10E00  }
0x2e3: {  	[tilespmem:s12], [sflag:$0x4] =	stream.indirect_vreg.gather @!p0 [hbm4b:s10+s2], $0x80, v5, vm1, $0xb8;
	[tilespmem:$0x1F600] =	vst v63  }
0x2e4: {  	s12 =	simm.s32 @!p0 $0x11600  }
0x2e5: {  	[tilespmem:s12], [sflag:$0x4] =	stream.indirect_vreg.gather @!p0 [hbm4b:s11+s2], $0x80, v5, vm1, $0xb8;
	[tilespmem:$0x1F600] =	vst v63  }
0x2e6: {  	s12 =	simm.s32 @!p0 $0x11E00  }
0x2e7: {  	[tilespmem:s12], [sflag:$0x4] =	stream.indirect_vreg.gather @!p0 [hbm4b:s1+s2], $0x80, v4, vm1, $0xb8;
	[tilespmem:$0x1F600] =	vst v63  }
0x2e8: {  	s12 =	simm.s32 @!p0 $0x12600  }
0x2e9: {  	[tilespmem:s12], [sflag:$0x4] =	stream.indirect_vreg.gather @!p0 [hbm4b:s10+s2], $0x80, v4, vm1, $0xb8;
	[tilespmem:$0x1F600] =	vst v63  }
0x2ea: {  	s12 =	simm.s32 @!p0 $0x12E00  }
0x2eb: {  	[tilespmem:s12], [sflag:$0x4] =	stream.indirect_vreg.gather @!p0 [hbm4b:s11+s2], $0x80, v4, vm1, $0xb8;
	[tilespmem:$0x1F600] =	vst v63  }
0x2ec: {  	_ =	swait.ge [sflag:s30], $0x3000  }
0x2ed: {  	[sflag:s30] =	ssyncset.done $0x0  }
0x2ee: {  	[sflag:s30] =	ssyncadd.s32 $0xFFFFD000  }
0x2ef: {  	s24 =	simm.s32 $0x0;
	s2 =	simm.s32 $0x0;
	v4 =	vld [tilespmem:s8+$0x860]  }
.LBB2_31:
0x2f0: {  	_ =	sdelay $0x1  }
0x2f1: {  	v5 =	vmov s2  }
0x2f2: {  	vm2 =	veq.s32 v5, v0  }
0x2f3: {  	v5 =	vnsel vm2, $0x0, v4  }
0x2f4: {  	(xrf0) =	vadd.scan.msk.s32 $0xffff, v5;
	_ =	sdelay $0x5  }
0x2f5: {  	v5, _, _ =	vpop (xrf0)  }
0x2f6: {  	(v2sf) =	vpush v5, $0xF;
	_ =	sdelay $0x9  }
0x2f7: {  	s12 =	sand.u32 $0x7, s24  }
0x2f8: {  	s12 =	sshll.u32 s12, $0x9  }
0x2f9: {  	s12 =	sshrl.u32 s12, $0x2  }
0x2fa: {  	s14 =	sshrl.u32 s2, $0x3;
	v5 =	vmov s12  }
0x2fb: {  	s14 =	smul.u32 $0x6000, s14  }
0x2fc: {  	s13 =	spop (v2sf)  }
0x2fd: {  	s12 =	sshra.s32 s14, $0x2;
	s13 =	sshll.u32 s13, $0x4  }
0x2fe: {  	s28 =	sadd.s32 $0x7600, s12;
	s13 =	sadd.s32 s13, s2  }
0x2ff: {  	v7 =	vld.idx.msk [tilespmem:v5+s28+$0x12070 ss:$0x1], $0xffff;
	s13 =	sshrl.u32 s13, $0x3  }
0x300: {  	v10 =	vld.idx.msk [tilespmem:v5+s28+$0x12010 ss:$0x1], $0xffff;
	s13 =	smul.u32 $0x6000, s13  }
0x301: {  	v13 =	vld.idx.msk [tilespmem:v5+s28+$0x12020 ss:$0x1], $0xffff  }
0x302: {  	v15 =	vld.idx.msk [tilespmem:v5+s28+$0x12030 ss:$0x1], $0xffff;
	s14 =	sshra.s32 s13, $0x2  }
0x303: {  	v8 =	vld.idx.msk [tilespmem:v5+s28+$0x12040 ss:$0x1], $0xffff;
	s12 =	sadd.s32 $0x1070, s14  }
0x304: {  	v9 =	vld.idx.msk [tilespmem:v5+s12+$0x0 ss:$0x1], $0xffff  }
0x305: {  	v6 =	vld.idx.msk [tilespmem:v5+s12+$0xFFFFFF90 ss:$0x1], $0xffff  }
0x306: {  	v12 =	vld.idx.msk [tilespmem:v5+s12+$0xFFFFFFA0 ss:$0x1], $0xffff  }
0x307: {  	v14 =	vld.idx.msk [tilespmem:v5+s12+$0xFFFFFFB0 ss:$0x1], $0xffff  }
0x308: {  	v16 =	vld.idx.msk [tilespmem:v5+s12+$0xFFFFFFC0 ss:$0x1], $0xffff  }
0x309: {  	v11 =	vld.idx.msk [tilespmem:v5+s12+$0xFFFFFFD0 ss:$0x1], $0xffff  }
0x30a: {  	v9 =	vadd.f32 v9, v7;
	v7 =	vld.idx.msk [tilespmem:v5+s28+$0x12050 ss:$0x1], $0xffff  }
0x30b: {  	v12 =	vadd.f32 v12, v10;
	v10 =	vld.idx.msk [tilespmem:v5+s12+$0xFFFFFFE0 ss:$0x1], $0xffff  }
0x30c: {  	v13 =	vadd.f32 v14, v13;
	[tilespmem:v5+s28+$0x12070 ss:$0x1] =	vst.idx.msk $0xffff, v9;
	v9 =	vld.idx.msk [tilespmem:v5+s28+$0x12060 ss:$0x1], $0xffff  }
0x30d: {  	v14 =	vadd.f32 v16, v15;
	[tilespmem:v5+s28+$0x12010 ss:$0x1] =	vst.idx.msk $0xffff, v12;
	v12 =	vld.idx.msk [tilespmem:v5+s12+$0xFFFFFFF0 ss:$0x1], $0xffff  }
0x30e: {  	s13 =	simm.s32 $0x0;
	s14 =	sadd.s32 $0x400, s28;
	[tilespmem:v5+s28+$0x12020 ss:$0x1] =	vst.idx.msk $0xffff, v13;
	v13 =	vld.idx.msk [tilespmem:v5+s28+$0x12000 ss:$0x1], $0xffff  }
.LBB2_32:
0x30f: {  	v15 =	vld.idx.msk [tilespmem:v5+s14+$0x12070 ss:$0x1], $0xffff;
	[tilespmem:v5+s28+$0x12030 ss:$0x1] =	vst.idx.msk $0xffff, v14;
	v8 =	vadd.f32 v11, v8;
	s12 =	sadd.s32 $0x400, s12  }
0x310: {  	s13 =	sadd.s32 $0x8, s13;
	v11 =	vld.idx.msk [tilespmem:v5+s12+$0x0 ss:$0x1], $0xffff  }
0x311: {  	p1 =	slt.u32 s13, $0x28;
	v7 =	vadd.f32 v10, v7;
	v14 =	vld.idx.msk [tilespmem:v5+s12+$0xFFFFFF90 ss:$0x1], $0xffff;
	[tilespmem:v5+s28+$0x12040 ss:$0x1] =	vst.idx.msk $0xffff, v8  }
0x312: {  	v10 =	vld.idx.msk [tilespmem:v5+s14+$0x12010 ss:$0x1], $0xffff  }
0x313: {  	v16 =	vld.idx.msk [tilespmem:v5+s12+$0xFFFFFFA0 ss:$0x1], $0xffff;
	[tilespmem:v5+s28+$0x12050 ss:$0x1] =	vst.idx.msk $0xffff, v7;
	v7 =	vadd.f32 v12, v9  }
0x314: {  	v8 =	vadd.f32 v6, v13;
	v9 =	vld.idx.msk [tilespmem:v5+s14+$0x12020 ss:$0x1], $0xffff  }
0x315: {  	v12 =	vld.idx.msk [tilespmem:v5+s12+$0xFFFFFFB0 ss:$0x1], $0xffff;
	[tilespmem:v5+s28+$0x12060 ss:$0x1] =	vst.idx.msk $0xffff, v7  }
0x316: {  	v7 =	vadd.f32 v11, v15;
	v13 =	vld.idx.msk [tilespmem:v5+s14+$0x12030 ss:$0x1], $0xffff;
	[tilespmem:v5+s28+$0x12000 ss:$0x1] =	vst.idx.msk $0xffff, v8;
	s28 =	smov.u32 s14  }
0x317: {  	v6 =	vmov v14;
	v15 =	vld.idx.msk [tilespmem:v5+s12+$0xFFFFFFC0 ss:$0x1], $0xffff  }
0x318: {  	v8 =	vld.idx.msk [tilespmem:v5+s14+$0x12040 ss:$0x1], $0xffff;
	[tilespmem:v5+s14+$0x12070 ss:$0x1] =	vst.idx.msk $0xffff, v7  }
0x319: {  	v10 =	vadd.f32 v16, v10;
	v11 =	vld.idx.msk [tilespmem:v5+s12+$0xFFFFFFD0 ss:$0x1], $0xffff  }
.Ltmp16:
0x31a: {  	v7 =	vld.idx.msk [tilespmem:v5+s14+$0x12050 ss:$0x1], $0xffff;
	(pc) =	sbr.rel @p1 .LBB2_32-.Ltmp16, $4  }
0x31b: {  	v12 =	vadd.f32 v12, v9;
	[tilespmem:v5+s14+$0x12010 ss:$0x1] =	vst.idx.msk $0xffff, v10;
	v10 =	vld.idx.msk [tilespmem:v5+s12+$0xFFFFFFE0 ss:$0x1], $0xffff  }
0x31c: {  	v9 =	vld.idx.msk [tilespmem:v5+s14+$0x12060 ss:$0x1], $0xffff  }
0x31d: {  	v14 =	vadd.f32 v15, v13;
	[tilespmem:v5+s14+$0x12020 ss:$0x1] =	vst.idx.msk $0xffff, v12;
	v12 =	vld.idx.msk [tilespmem:v5+s12+$0xFFFFFFF0 ss:$0x1], $0xffff  }
0x31e: {  	s14 =	sadd.s32 $0x400, s14;
	v13 =	vld.idx.msk [tilespmem:v5+s28+$0x12000 ss:$0x1], $0xffff  }
0x31f: {  	_ =	sdelay $0x1  }
0x320: {  	s2 =	sadd.s32 $0x1, s2  }
0x321: {  	v8 =	vadd.f32 v11, v8;
	p1 =	sne.s32 s2, $0x10  }
.Ltmp17:
0x322: {  	[tilespmem:v5+s28+$0x12030 ss:$0x1] =	vst.idx.msk $0xffff, v14;
	v7 =	vadd.f32 v10, v7;
	(pc) =	sbr.rel @p1 .LBB2_31-.Ltmp17, $4  }
0x323: {  	[tilespmem:v5+s28+$0x12040 ss:$0x1] =	vst.idx.msk $0xffff, v8;
	v63 =	vadd.f32 v12, v9  }
0x324: {  	[tilespmem:v5+s28+$0x12050 ss:$0x1] =	vst.idx.msk $0xffff, v7;
	v6 =	vadd.f32 v6, v13  }
0x325: {  	[tilespmem:v5+s28+$0x12060 ss:$0x1] =	vst.idx.msk $0xffff, v63  }
0x326: {  	s24 =	sadd.s32 $0x1, s24;
	[tilespmem:v5+s28+$0x12000 ss:$0x1] =	vst.idx.msk $0xffff, v6  }
0x327: {  	s2 =	sadd.s32 s0, s17  }
0x328: {  	s2 =	sshrl.u32 s2, $0x3  }
0x329: {  	s2 =	sadd.s32 s4, s2  }
0x32a: {  	[hbm4b:s2+s5] =	stream.linear.scatter [tilespmem:s21], [sflag:$0xF], $0x3000, $0x38;
	[tilespmem:$0x1F600] =	vst v63  }
0x32b: {  	s2 =	simm.s32 @!p0 $0xD  }
0x32c: {  	_ =	swait.ge @!p0 [sflag:s2], $0x3000  }
0x32d: {  	[sflag:s2] =	ssyncset.done @!p0 $0x0  }
0x32e: {  	[sflag:s2] =	ssyncadd.s32 @!p0 $0xFFFFD000  }
0x32f: {  	v4 =	vld @!p0 [tilespmem:s8+$0xC0];
	_ =	sdelay $0x4  }
0x330: {  	v5 =	vshrl.u32 @!p0 v4, $0x3  }
0x331: {  	v5 =	vmul.u32 @!p0 $0x30, v5  }
0x332: {  	v6 =	vlaneseq.u32 @!p0;
	v4 =	vand.u32 @!p0 $0x7, v4  }
0x333: {  	v7 =	vshrl.u32 @!p0 v6, $0x3;
	v4 =	vor.u32 @!p0 v4, v5;
	v5 =	vand.u32 @!p0 $0x7, v6  }
0x334: {  	v7 =	vmul.u32 @!p0 $0x8, v7;
	v5 =	vperm.xlane @!p0 v4, v5;
	_ =	sdelay $0x1  }
0x335: {  	v5 =	vadd.s32 @!p0 v7, v5;
	_ =	sdelay $0x2  }
0x336: {  	v6 =	vor.u32 @!p0 $0x8, v6  }
0x337: {  	s12 =	simm.s32 @!p0 $0x13600;
	s2 =	simm.s32 @!p0 $0x0;
	v4 =	vperm.xlane @!p0 v4, v6  }
0x338: {  	[tilespmem:s12], [sflag:$0x5] =	stream.indirect_vreg.gather @!p0 [hbm4b:s1+s2], $0x80, v5, vm1, $0xb8;
	[tilespmem:$0x1F600] =	vst v63  }
0x339: {  	v4 =	vadd.s32 @!p0 v7, v4;
	s12 =	simm.s32 @!p0 $0x13E00  }
0x33a: {  	[tilespmem:s12], [sflag:$0x5] =	stream.indirect_vreg.gather @!p0 [hbm4b:s10+s2], $0x80, v5, vm1, $0xb8;
	[tilespmem:$0x1F600] =	vst v63  }
0x33b: {  	s12 =	simm.s32 @!p0 $0x14600  }
0x33c: {  	[tilespmem:s12], [sflag:$0x5] =	stream.indirect_vreg.gather @!p0 [hbm4b:s11+s2], $0x80, v5, vm1, $0xb8;
	[tilespmem:$0x1F600] =	vst v63  }
0x33d: {  	s12 =	simm.s32 @!p0 $0x14E00  }
0x33e: {  	[tilespmem:s12], [sflag:$0x5] =	stream.indirect_vreg.gather @!p0 [hbm4b:s1+s2], $0x80, v4, vm1, $0xb8;
	[tilespmem:$0x1F600] =	vst v63  }
0x33f: {  	s12 =	simm.s32 @!p0 $0x15600  }
0x340: {  	[tilespmem:s12], [sflag:$0x5] =	stream.indirect_vreg.gather @!p0 [hbm4b:s10+s2], $0x80, v4, vm1, $0xb8;
	[tilespmem:$0x1F600] =	vst v63  }
0x341: {  	s12 =	simm.s32 @!p0 $0x15E00  }
0x342: {  	[tilespmem:s12], [sflag:$0x5] =	stream.indirect_vreg.gather @!p0 [hbm4b:s11+s2], $0x80, v4, vm1, $0xb8;
	[tilespmem:$0x1F600] =	vst v63  }
0x343: {  	_ =	swait.ge [sflag:s31], $0x3000  }
0x344: {  	[sflag:s31] =	ssyncset.done $0x0  }
0x345: {  	[sflag:s31] =	ssyncadd.s32 $0xFFFFD000  }
0x346: {  	s24 =	simm.s32 $0x0;
	s2 =	simm.s32 $0x0;
	v4 =	vld [tilespmem:s8+$0x870]  }
.LBB2_35:
0x347: {  	_ =	sdelay $0x1  }
0x348: {  	v5 =	vmov s2  }
0x349: {  	vm1 =	veq.s32 v5, v0  }
0x34a: {  	v5 =	vnsel vm1, $0x0, v4  }
0x34b: {  	(xrf0) =	vadd.scan.msk.s32 $0xffff, v5;
	_ =	sdelay $0x5  }
0x34c: {  	v5, _, _ =	vpop (xrf0)  }
0x34d: {  	(v2sf) =	vpush v5, $0xF;
	_ =	sdelay $0x9  }
0x34e: {  	s12 =	sand.u32 $0x7, s24  }
0x34f: {  	s12 =	sshll.u32 s12, $0x9  }
0x350: {  	s12 =	sshrl.u32 s12, $0x2  }
0x351: {  	s14 =	sshrl.u32 s2, $0x3;
	v5 =	vmov s12  }
0x352: {  	s14 =	smul.u32 $0x6000, s14  }
0x353: {  	s13 =	spop (v2sf)  }
0x354: {  	s12 =	sshra.s32 s14, $0x2;
	s13 =	sshll.u32 s13, $0x4  }
0x355: {  	s28 =	sadd.s32 $0x7600, s12;
	s13 =	sadd.s32 s13, s2  }
0x356: {  	v7 =	vld.idx.msk [tilespmem:v5+s28+$0x15070 ss:$0x1], $0xffff;
	s13 =	sshrl.u32 s13, $0x3  }
0x357: {  	v10 =	vld.idx.msk [tilespmem:v5+s28+$0x15010 ss:$0x1], $0xffff;
	s13 =	smul.u32 $0x6000, s13  }
0x358: {  	v13 =	vld.idx.msk [tilespmem:v5+s28+$0x15020 ss:$0x1], $0xffff  }
0x359: {  	v15 =	vld.idx.msk [tilespmem:v5+s28+$0x15030 ss:$0x1], $0xffff;
	s14 =	sshra.s32 s13, $0x2  }
0x35a: {  	v8 =	vld.idx.msk [tilespmem:v5+s28+$0x15040 ss:$0x1], $0xffff;
	s12 =	sadd.s32 $0x1070, s14  }
0x35b: {  	v9 =	vld.idx.msk [tilespmem:v5+s12+$0x0 ss:$0x1], $0xffff  }
0x35c: {  	v6 =	vld.idx.msk [tilespmem:v5+s12+$0xFFFFFF90 ss:$0x1], $0xffff  }
0x35d: {  	v12 =	vld.idx.msk [tilespmem:v5+s12+$0xFFFFFFA0 ss:$0x1], $0xffff  }
0x35e: {  	v14 =	vld.idx.msk [tilespmem:v5+s12+$0xFFFFFFB0 ss:$0x1], $0xffff  }
0x35f: {  	v16 =	vld.idx.msk [tilespmem:v5+s12+$0xFFFFFFC0 ss:$0x1], $0xffff  }
0x360: {  	v11 =	vld.idx.msk [tilespmem:v5+s12+$0xFFFFFFD0 ss:$0x1], $0xffff  }
0x361: {  	v9 =	vadd.f32 v9, v7;
	v7 =	vld.idx.msk [tilespmem:v5+s28+$0x15050 ss:$0x1], $0xffff  }
0x362: {  	v12 =	vadd.f32 v12, v10;
	v10 =	vld.idx.msk [tilespmem:v5+s12+$0xFFFFFFE0 ss:$0x1], $0xffff  }
0x363: {  	v13 =	vadd.f32 v14, v13;
	[tilespmem:v5+s28+$0x15070 ss:$0x1] =	vst.idx.msk $0xffff, v9;
	v9 =	vld.idx.msk [tilespmem:v5+s28+$0x15060 ss:$0x1], $0xffff  }
0x364: {  	v14 =	vadd.f32 v16, v15;
	[tilespmem:v5+s28+$0x15010 ss:$0x1] =	vst.idx.msk $0xffff, v12;
	v12 =	vld.idx.msk [tilespmem:v5+s12+$0xFFFFFFF0 ss:$0x1], $0xffff  }
0x365: {  	s13 =	simm.s32 $0x0;
	s14 =	sadd.s32 $0x400, s28;
	[tilespmem:v5+s28+$0x15020 ss:$0x1] =	vst.idx.msk $0xffff, v13;
	v13 =	vld.idx.msk [tilespmem:v5+s28+$0x15000 ss:$0x1], $0xffff  }
.LBB2_36:
0x366: {  	v15 =	vld.idx.msk [tilespmem:v5+s14+$0x15070 ss:$0x1], $0xffff;
	[tilespmem:v5+s28+$0x15030 ss:$0x1] =	vst.idx.msk $0xffff, v14;
	v8 =	vadd.f32 v11, v8;
	s12 =	sadd.s32 $0x400, s12  }
0x367: {  	s13 =	sadd.s32 $0x8, s13;
	v11 =	vld.idx.msk [tilespmem:v5+s12+$0x0 ss:$0x1], $0xffff  }
0x368: {  	p1 =	slt.u32 s13, $0x28;
	v7 =	vadd.f32 v10, v7;
	v14 =	vld.idx.msk [tilespmem:v5+s12+$0xFFFFFF90 ss:$0x1], $0xffff;
	[tilespmem:v5+s28+$0x15040 ss:$0x1] =	vst.idx.msk $0xffff, v8  }
0x369: {  	v10 =	vld.idx.msk [tilespmem:v5+s14+$0x15010 ss:$0x1], $0xffff  }
0x36a: {  	v16 =	vld.idx.msk [tilespmem:v5+s12+$0xFFFFFFA0 ss:$0x1], $0xffff;
	[tilespmem:v5+s28+$0x15050 ss:$0x1] =	vst.idx.msk $0xffff, v7;
	v7 =	vadd.f32 v12, v9  }
0x36b: {  	v8 =	vadd.f32 v6, v13;
	v9 =	vld.idx.msk [tilespmem:v5+s14+$0x15020 ss:$0x1], $0xffff  }
0x36c: {  	v12 =	vld.idx.msk [tilespmem:v5+s12+$0xFFFFFFB0 ss:$0x1], $0xffff;
	[tilespmem:v5+s28+$0x15060 ss:$0x1] =	vst.idx.msk $0xffff, v7  }
0x36d: {  	v7 =	vadd.f32 v11, v15;
	v13 =	vld.idx.msk [tilespmem:v5+s14+$0x15030 ss:$0x1], $0xffff;
	[tilespmem:v5+s28+$0x15000 ss:$0x1] =	vst.idx.msk $0xffff, v8;
	s28 =	smov.u32 s14  }
0x36e: {  	v6 =	vmov v14;
	v15 =	vld.idx.msk [tilespmem:v5+s12+$0xFFFFFFC0 ss:$0x1], $0xffff  }
0x36f: {  	v8 =	vld.idx.msk [tilespmem:v5+s14+$0x15040 ss:$0x1], $0xffff;
	[tilespmem:v5+s14+$0x15070 ss:$0x1] =	vst.idx.msk $0xffff, v7  }
0x370: {  	v10 =	vadd.f32 v16, v10;
	v11 =	vld.idx.msk [tilespmem:v5+s12+$0xFFFFFFD0 ss:$0x1], $0xffff  }
.Ltmp18:
0x371: {  	v7 =	vld.idx.msk [tilespmem:v5+s14+$0x15050 ss:$0x1], $0xffff;
	(pc) =	sbr.rel @p1 .LBB2_36-.Ltmp18, $4  }
0x372: {  	v12 =	vadd.f32 v12, v9;
	[tilespmem:v5+s14+$0x15010 ss:$0x1] =	vst.idx.msk $0xffff, v10;
	v10 =	vld.idx.msk [tilespmem:v5+s12+$0xFFFFFFE0 ss:$0x1], $0xffff  }
0x373: {  	v9 =	vld.idx.msk [tilespmem:v5+s14+$0x15060 ss:$0x1], $0xffff  }
0x374: {  	v14 =	vadd.f32 v15, v13;
	[tilespmem:v5+s14+$0x15020 ss:$0x1] =	vst.idx.msk $0xffff, v12;
	v12 =	vld.idx.msk [tilespmem:v5+s12+$0xFFFFFFF0 ss:$0x1], $0xffff  }
0x375: {  	s14 =	sadd.s32 $0x400, s14;
	v13 =	vld.idx.msk [tilespmem:v5+s28+$0x15000 ss:$0x1], $0xffff  }
0x376: {  	_ =	sdelay $0x1  }
0x377: {  	s2 =	sadd.s32 $0x1, s2  }
0x378: {  	v8 =	vadd.f32 v11, v8;
	p1 =	sne.s32 s2, $0x10  }
.Ltmp19:
0x379: {  	[tilespmem:v5+s28+$0x15030 ss:$0x1] =	vst.idx.msk $0xffff, v14;
	v7 =	vadd.f32 v10, v7;
	(pc) =	sbr.rel @p1 .LBB2_35-.Ltmp19, $4  }
0x37a: {  	[tilespmem:v5+s28+$0x15040 ss:$0x1] =	vst.idx.msk $0xffff, v8;
	v63 =	vadd.f32 v12, v9  }
0x37b: {  	[tilespmem:v5+s28+$0x15050 ss:$0x1] =	vst.idx.msk $0xffff, v7;
	v6 =	vadd.f32 v6, v13  }
0x37c: {  	[tilespmem:v5+s28+$0x15060 ss:$0x1] =	vst.idx.msk $0xffff, v63  }
0x37d: {  	s24 =	sadd.s32 $0x1, s24;
	[tilespmem:v5+s28+$0x15000 ss:$0x1] =	vst.idx.msk $0xffff, v6  }
.Ltmp20:
0x37e: {  	(pc) =	sbr.rel @p0 .LBB2_40-.Ltmp20, $4  }
0x37f: {  	s0 =	sadd.s32 s0, s18  }
0x380: {  	s0 =	sshrl.u32 s0, $0x3  }
0x381: {  	s0 =	sadd.s32 s4, s0  }
0x382: {  	[hbm4b:s0+s5] =	stream.linear.scatter [tilespmem:s26], [sflag:$0x10], $0x3000, $0x38;
	[tilespmem:$0x1F600] =	vst v63  }
0x383: {  	_ =	swait.ge [sflag:s7], $0x3000  }
0x384: {  	[sflag:s7] =	ssyncset.done $0x0  }
0x385: {  	[sflag:s7] =	ssyncadd.s32 $0xFFFFD000  }
0x386: {  	v4 =	vld [tilespmem:s8+$0xD0];
	_ =	sdelay $0x4  }
0x387: {  	v5 =	vshrl.u32 v4, $0x3  }
0x388: {  	v5 =	vmul.u32 $0x30, v5  }
0x389: {  	v4 =	vand.u32 $0x7, v4  }
0x38a: {  	v4 =	vor.u32 v4, v5  }
0x38b: {  	v5 =	vperm.xlane v4, v1;
	_ =	sdelay $0x1  }
0x38c: {  	v5 =	vadd.s32 v2, v5;
	_ =	sdelay $0x3  }
0x38d: {  	v4 =	vperm.xlane v4, v3  }
0x38e: {  	[tilespmem:s22], [sflag:$0x6] =	stream.indirect_vreg.gather [hbm4b:s1+s5], $0x80, v5, vm0, $0xb8;
	[tilespmem:$0x1F600] =	vst v63  }
0x38f: {  	s0 =	simm.s32 $0x16E00;
	v4 =	vadd.s32 v2, v4  }
0x390: {  	[tilespmem:s0], [sflag:$0x6] =	stream.indirect_vreg.gather [hbm4b:s10+s5], $0x80, v5, vm0, $0xb8;
	[tilespmem:$0x1F600] =	vst v63  }
0x391: {  	s13 =	simm.s32 $0x17600  }
0x392: {  	[tilespmem:s13], [sflag:$0x6] =	stream.indirect_vreg.gather [hbm4b:s11+s5], $0x80, v5, vm0, $0xb8;
	[tilespmem:$0x1F600] =	vst v63  }
0x393: {  	s14 =	simm.s32 $0x17E00  }
0x394: {  	[tilespmem:s14], [sflag:$0x6] =	stream.indirect_vreg.gather [hbm4b:s1+s5], $0x80, v4, vm0, $0xb8;
	[tilespmem:$0x1F600] =	vst v63  }
.Ltmp21:
0x395: {  	_ = 	snop;
	(pc) =	sbr.rel .LBB2_6-.Ltmp21, $4  }
0x396: {  	s24 =	simm.s32 $0x18600  }
0x397: {  	[tilespmem:s24], [sflag:$0x6] =	stream.indirect_vreg.gather [hbm4b:s10+s5], $0x80, v4, vm0, $0xb8;
	[tilespmem:$0x1F600] =	vst v63  }
0x398: {  	s28 =	simm.s32 $0x18E00;
	s25 =	sadd.s32 $0x1, s25  }
0x399: {  	[tilespmem:s28], [sflag:$0x6] =	stream.indirect_vreg.gather [hbm4b:s11+s5], $0x80, v4, vm0, $0xb8;
	[tilespmem:$0x1F600] =	vst v63  }
.LBB2_41:
0x39a: {  	_ =	sfence.sel $0x180000  }
0x39b: {  	[bflag:$0x0] =	sbarrier.arrive $0xFFFF  }
0x39c: {  	_ =	strace $0x90000047  }
0x39d: {  	s0 =	stileid.u32;
	[bflag:$0x2] =	sbarrier.arrive $0xFFFF  }
0x39e: {  	p0 =	sne.s32 s0, $0x0;
	s0 =	rddreg [dreg:$0x5]  }
0x39f: {  	s0 =	sadd.s32 @!p0 $0x100000, s0  }
0x3a0: {  	[sflag:s0] =	ssyncadd.tile.s32 @!p0 $0x1;
	_ =	shalt  }
.Lfunc_end2:
_tile_overlayer_lowered:
.L_overlay_start_2:
0x3a1: {  	(tag) =	ssettag $0x2  }
0x3a2: {  	s0 =	rddreg [dreg:$0x0];
	s2 =	stileid.u32  }
0x3a3: {  	s1 =	rddreg [dreg:$0x1];
	p0 =	sne.s32 s2, $0x0  }
0x3a4: {  	s3 =	rddreg [dreg:$0x2];
	[bflag:$0x3] =	sbarrier.arrive $0xFFFF;
	s2 =	simm.s32 @!p0 $0x1C11  }
0x3a5: {  	[timem:s3], [sflag:s2] =	dma.local @!p0 [hbm:s0], s1  }
0x3a6: {  	s0 =	simm.s32 @!p0 $0x11  }
0x3a7: {  	_ =	swait.ge @!p0 [sflag:s0], s1  }
0x3a8: {  	s1 =	ssub.s32 @!p0 $0x0, s1;
	[sflag:s0] =	ssyncset.done @!p0 $0x0  }
0x3a9: {  	[sflag:s0] =	ssyncadd.s32 @!p0 s1  }
0x3aa: {  	[bflag:$0x3] =	sbarrier.arrive $0xFFFF  }
0x3ab: {  	_ =	shalt  }

</sc_bundles>
